<compile_context>
chip_gen: v7x
topology: tpu7x:2x2x1
jax: 0.10.2.dev20260603
libtpu: 0.0.44.dev20260713+nightly
codegen_flags: <defaults>
</compile_context>

<pallas_src>
import functools

import jax
import jax.numpy as jnp
from jax import lax
from jax.experimental import pallas as pl
from jax.experimental.pallas import tpu as pltpu, tpu_sc as plsc

N_NODES = 10000
N_EDGES = 320000
D_IN = 128
D_H = 128
D_C = 64

NC = 2
NS = 16
NW = NC * NS
K = 128
CHUNKS = 80
E_TILE = CHUNKS * K
E_PAD = NW * E_TILE
N_PAD = 10240
ROWS_PER_TILE = N_PAD // NS

_MESH = plsc.VectorSubcoreMesh(
    core_axis_name="c", subcore_axis_name="s", num_cores=NC, num_subcores=NS)


@functools.partial(
    pl.kernel,
    out_type=jax.ShapeDtypeStruct((NC, N_PAD, D_H), jnp.float32),
    mesh=_MESH,
    scratch_types=[
        pltpu.VMEM((CHUNKS // 2, K), jnp.int32),
        pltpu.VMEM((CHUNKS // 2, K), jnp.int32),
        pltpu.VMEM((K, D_H), jnp.float32),
        pltpu.VMEM((K, D_H), jnp.float32),
        pltpu.VMEM_SHARED((N_PAD, D_H), jnp.float32),
        pltpu.SemaphoreType.DMA,
        pltpu.SemaphoreType.DMA,
        pltpu.SemaphoreType.DMA,
        pltpu.SemaphoreType.DMA,
    ],
)
def _msgpass(h, src3, dst3, zrows, out, src_v, dst_v, buf0, buf1, acc,
             sem0, sem1, ssem0, ssem1):
  c = lax.axis_index("c")
  s = lax.axis_index("s")
  wid = c * NS + s
  sl = pl.ds(s * ROWS_PER_TILE, ROWS_PER_TILE)
  pltpu.sync_copy(zrows, acc.at[sl])
  plsc.subcore_barrier()

  half = CHUNKS // 2

  def step(i, carry):
    j = 2 * i
    pltpu.make_async_copy(h.at[src_v.at[j]], buf0, sem0).wait()
    pltpu.async_copy(h.at[src_v.at[j + 1]], buf1, sem1)
    pltpu.sync_copy(buf0, acc.at[dst_v.at[j]], add=True)
    pltpu.make_async_copy(h.at[src_v.at[j + 1]], buf1, sem1).wait()
    jn = jnp.minimum(j + 2, half - 1)
    pltpu.async_copy(h.at[src_v.at[jn]], buf0, sem0)
    pltpu.sync_copy(buf1, acc.at[dst_v.at[j + 1]], add=True)
    return carry

  for hbase in (0, half):
    pltpu.sync_copy(src3.at[wid, pl.ds(hbase, half)], src_v)
    pltpu.sync_copy(dst3.at[wid, pl.ds(hbase, half)], dst_v)
    pltpu.async_copy(h.at[src_v.at[0]], buf0, sem0)
    lax.fori_loop(0, half // 2, step, 0)
    pltpu.make_async_copy(h.at[src_v.at[half - 1]], buf0, sem0).wait()

  plsc.subcore_barrier()
  pltpu.sync_copy(acc.at[sl], out.at[c, sl])


@functools.partial(
    pl.kernel,
    out_type=jax.ShapeDtypeStruct((NC, N_PAD, D_C), jnp.float32),
    mesh=_MESH,
    scratch_types=[
        pltpu.VMEM((CHUNKS, K), jnp.int32),
        pltpu.VMEM((CHUNKS, K), jnp.int32),
        pltpu.VMEM((K, D_C), jnp.float32),
        pltpu.VMEM((K, D_C), jnp.float32),
        pltpu.VMEM_SHARED((N_PAD, D_C), jnp.float32),
        pltpu.SemaphoreType.DMA,
        pltpu.SemaphoreType.DMA,
    ],
    compiler_params=pltpu.CompilerParams(use_tc_tiling_on_sc=False),
)
def _msgpass64(h, src3, dst3, zrows, out, src_v, dst_v, buf0, buf1, acc,
               sem0, sem1):
  c = lax.axis_index("c")
  s = lax.axis_index("s")
  wid = c * NS + s
  sl = pl.ds(s * ROWS_PER_TILE, ROWS_PER_TILE)
  pltpu.sync_copy(zrows, acc.at[sl])
  pltpu.sync_copy(src3.at[wid], src_v)
  pltpu.sync_copy(dst3.at[wid], dst_v)
  plsc.subcore_barrier()

  def step(i, carry):
    j = 2 * i
    pltpu.make_async_copy(h.at[src_v.at[j]], buf0, sem0).wait()
    pltpu.async_copy(h.at[src_v.at[j + 1]], buf1, sem1)
    pltpu.sync_copy(buf0, acc.at[dst_v.at[j]], add=True)
    pltpu.make_async_copy(h.at[src_v.at[j + 1]], buf1, sem1).wait()
    jn = jnp.minimum(j + 2, CHUNKS - 1)
    pltpu.async_copy(h.at[src_v.at[jn]], buf0, sem0)
    pltpu.sync_copy(buf1, acc.at[dst_v.at[j + 1]], add=True)
    return carry

  pltpu.async_copy(h.at[src_v.at[0]], buf0, sem0)
  lax.fori_loop(0, CHUNKS // 2, step, 0)
  pltpu.make_async_copy(h.at[src_v.at[CHUNKS - 1]], buf0, sem0).wait()

  plsc.subcore_barrier()
  pltpu.sync_copy(acc.at[sl], out.at[c, sl])


@functools.partial(
    pl.kernel,
    out_type=(jax.ShapeDtypeStruct((NC, N_PAD), jnp.float32),
              jax.ShapeDtypeStruct((NC, N_PAD), jnp.float32)),
    mesh=_MESH,
    scratch_types=[
        pltpu.VMEM((CHUNKS, K), jnp.int32),
        pltpu.VMEM((CHUNKS, K), jnp.int32),
        pltpu.VMEM((K,), jnp.float32),
        pltpu.VMEM_SHARED((N_PAD,), jnp.float32),
        pltpu.VMEM_SHARED((N_PAD,), jnp.float32),
    ],
)
def _degrees(src3, dst3, ones_h, zrow, out_o, out_i,
             src_v, dst_v, ones_v, acc_o, acc_i):
  c = lax.axis_index("c")
  s = lax.axis_index("s")
  wid = c * NS + s
  pltpu.sync_copy(src3.at[wid], src_v)
  pltpu.sync_copy(dst3.at[wid], dst_v)
  pltpu.sync_copy(ones_h, ones_v)
  sl = pl.ds(s * ROWS_PER_TILE, ROWS_PER_TILE)
  pltpu.sync_copy(zrow, acc_o.at[sl])
  pltpu.sync_copy(zrow, acc_i.at[sl])
  plsc.subcore_barrier()

  def step(j, carry):
    pltpu.sync_copy(ones_v, acc_o.at[src_v.at[j]], add=True)
    pltpu.sync_copy(ones_v, acc_i.at[dst_v.at[j]], add=True)
    return carry

  lax.fori_loop(0, CHUNKS, step, 0)
  plsc.subcore_barrier()
  pltpu.sync_copy(acc_o.at[sl], out_o.at[c, sl])
  pltpu.sync_copy(acc_i.at[sl], out_i.at[c, sl])


def _norm_from(dparts):
  deg = dparts[0] + dparts[1]
  return lax.rsqrt(jnp.maximum(deg, 1.0))[:, None]


def _tc_prep_body(x_ref, dgo_ref, o_ref):
  o_ref[...] = x_ref[...] * _norm_from(dgo_ref[...])


_tc_prep = pl.pallas_call(
    _tc_prep_body,
    out_shape=jax.ShapeDtypeStruct((N_PAD, D_IN), jnp.float32))


def _tc_layer_body(p_ref, dgo_ref, dgi_ref, w_ref, b_ref, o_ref):
  p = p_ref[...]
  agg = (p[0] + p[1]) * _norm_from(dgi_ref[...])
  h = jnp.dot(agg, w_ref[...], preferred_element_type=jnp.float32) + b_ref[...]
  o_ref[...] = jnp.maximum(h, 0.0) * _norm_from(dgo_ref[...])


_tc_layer = pl.pallas_call(
    _tc_layer_body,
    out_shape=jax.ShapeDtypeStruct((N_PAD, D_H), jnp.float32))


def _tc_layer2_body(p_ref, dgo_ref, dgi_ref, w_ref, b_ref, w2_ref, o_ref):
  p = p_ref[...]
  agg = (p[0] + p[1]) * _norm_from(dgi_ref[...])
  h = jnp.dot(agg, w_ref[...], preferred_element_type=jnp.float32) + b_ref[...]
  h = jnp.maximum(h, 0.0) * _norm_from(dgo_ref[...])
  o_ref[...] = jnp.dot(h, w2_ref[...], preferred_element_type=jnp.float32)


_tc_layer2 = pl.pallas_call(
    _tc_layer2_body,
    out_shape=jax.ShapeDtypeStruct((N_PAD, D_C), jnp.float32))


def _tc_final_body(p_ref, dgi_ref, b2_ref, wp_ref, bp_ref, wv_ref,
                   bv_ref, pi_ref, v_ref):
  p = p_ref[...]
  h3 = (p[0] + p[1]) * _norm_from(dgi_ref[...]) + b2_ref[...]
  pi_ref[...] = (
      jnp.dot(h3, wp_ref[...], preferred_element_type=jnp.float32)
      + bp_ref[...])
  m = jnp.sum(h3[:N_NODES, :], axis=0, keepdims=True) * (1.0 / N_NODES)
  v_ref[...] = (
      jnp.dot(m, wv_ref[...], preferred_element_type=jnp.float32)
      + bv_ref[...])


_tc_final = pl.pallas_call(
    _tc_final_body,
    out_shape=(jax.ShapeDtypeStruct((N_PAD, 1), jnp.float32),
               jax.ShapeDtypeStruct((1, 1), jnp.float32)))


def kernel(x, edge_index, W0, b0, W1, b1, W2, b2, Wp, bp, Wv, bv):
  src = edge_index[0].astype(jnp.int32)
  dst = edge_index[1].astype(jnp.int32)
  n_extra = E_PAD - N_EDGES
  pad_idx = N_NODES + (jnp.arange(n_extra, dtype=jnp.int32)
                       % (N_PAD - N_NODES))
  src3 = jnp.concatenate([src, pad_idx]).reshape(NW, CHUNKS, K)
  dst3 = jnp.concatenate([dst, pad_idx]).reshape(NW, CHUNKS, K)
  x_pad = jnp.zeros((N_PAD, D_IN), jnp.float32).at[:N_NODES].set(x)

  ones_k = jnp.ones((K,), jnp.float32)
  z_row = jnp.zeros((ROWS_PER_TILE,), jnp.float32)
  z_h = jnp.zeros((ROWS_PER_TILE, D_H), jnp.float32)
  z_c = jnp.zeros((ROWS_PER_TILE, D_C), jnp.float32)

  dego, degi = _degrees(src3, dst3, ones_k, z_row)

  h0s = _tc_prep(x_pad, dego)
  p1 = _msgpass(h0s, src3, dst3, z_h)
  h1s = _tc_layer(p1, dego, degi, W0, b0.reshape(1, D_H))
  p2 = _msgpass(h1s, src3, dst3, z_h)
  h2s = _tc_layer2(p2, dego, degi, W1, b1.reshape(1, D_H), W2)
  p3 = _msgpass64(h2s, src3, dst3, z_c)
  PI, V = _tc_final(p3, degi, b2.reshape(1, D_C), Wp, bp.reshape(1, 1),
                    Wv, bv.reshape(1, 1))
  return (PI[:N_NODES], V)

# --- scband reference (transcript-rebuilt; emitter-appended) ---
"""Pipeline reference for scband-gcn-87565793231174 (READ-ONLY COPY).

The authoritative reference and input builder live on the scoring server;
editing this copy changes nothing except your own understanding.
"""

import jax, jax.numpy as jnp
import numpy as np

N_NODES = 10000
N_EDGES = 320000
D_IN = 128
D_H = 128
D_C = 64


def setup_inputs(seed: int = 0) -> dict:
    key = jax.random.key(seed)
    ks = jax.random.split(key, 12)
    x = jax.random.normal(ks[0], (N_NODES, D_IN), dtype=jnp.float32)
    edge_index = jax.random.randint(ks[1], (2, N_EDGES), 0, N_NODES, dtype=jnp.int64)
    def glorot(k, fan_in, fan_out):
        s = (6.0 / (fan_in + fan_out)) ** 0.5
        return jax.random.uniform(k, (fan_in, fan_out), dtype=jnp.float32, minval=-s, maxval=s)
    return {
        "x": x,
        "edge_index": edge_index,
        "W0": glorot(ks[2], D_IN, D_H), "b0": jnp.zeros((D_H,), jnp.float32),
        "W1": glorot(ks[3], D_H, D_H), "b1": jnp.zeros((D_H,), jnp.float32),
        "W2": glorot(ks[4], D_H, D_C), "b2": jnp.zeros((D_C,), jnp.float32),
        "Wp": glorot(ks[5], D_C, 1), "bp": jnp.zeros((1,), jnp.float32),
        "Wv": glorot(ks[6], D_C, 1), "bv": jnp.zeros((1,), jnp.float32),
    }


def _graph_conv(h, src, dst, norm_src, norm_dst, W, b, act):
    # DGL GraphConv with norm='both': h' = D_dst^{-1/2} A D_src^{-1/2} h W + b
    h = h * norm_src[:, None]
    msg = jnp.take(h, src, axis=0)
    agg = jax.ops.segment_sum(msg, dst, num_segments=N_NODES)
    h = agg * norm_dst[:, None]
    h = h @ W + b
    if act:
        h = jax.nn.relu(h)
    return h


def reference(x, edge_index, W0, b0, W1, b1, W2, b2, Wp, bp, Wv, bv):
    src = edge_index[0]
    dst = edge_index[1]
    ones = jnp.ones((src.shape[0],), dtype=x.dtype)
    deg_out = jax.ops.segment_sum(ones, src, num_segments=N_NODES)
    deg_in = jax.ops.segment_sum(ones, dst, num_segments=N_NODES)
    norm_src = jnp.clip(deg_out, 1.0, None) ** -0.5
    norm_dst = jnp.clip(deg_in, 1.0, None) ** -0.5
    h = _graph_conv(x, src, dst, norm_src, norm_dst, W0, b0, True)
    h = _graph_conv(h, src, dst, norm_src, norm_dst, W1, b1, True)
    h = _graph_conv(h, src, dst, norm_src, norm_dst, W2, b2, False)
    mN = jnp.mean(h, axis=0, keepdims=True)  # readout_nodes(op='mean'), single graph
    PI = h @ Wp + bp
    V = mN @ Wv + bv
    return (PI, V)

if __name__ == "__main__":
    import jax
    _d = setup_inputs()
    print(jax.jit(kernel)(*tuple(_d.values())))

</pallas_src>

<mosaic_0001>
#map = affine_map<(d0, d1) -> (0, 0, 0)>
#map1 = affine_map<(d0, d1) -> (0)>
#map2 = affine_map<(d0, d1) -> (0, 0)>
module attributes {stable_mosaic.version = 14 : i64} {
  func.func @_degrees(%arg0: i32, %arg1: i32, %arg2: memref<32x80x128xi32, #tpu.memory_space<hbm>>, %arg3: memref<32x80x128xi32, #tpu.memory_space<hbm>>, %arg4: memref<128xf32, #tpu.memory_space<hbm>>, %arg5: memref<640xf32, #tpu.memory_space<hbm>>, %arg6: memref<2x10240xf32, #tpu.memory_space<hbm>>, %arg7: memref<2x10240xf32, #tpu.memory_space<hbm>>, %arg8: memref<80x128xi32, #tpu.memory_space<vmem>>, %arg9: memref<80x128xi32, #tpu.memory_space<vmem>>, %arg10: memref<128xf32, #tpu.memory_space<vmem>>, %arg11: memref<10240xf32, #tpu.memory_space<vmem_shared>>, %arg12: memref<10240xf32, #tpu.memory_space<vmem_shared>>) attributes {dimension_semantics = [#tpu.dimension_semantics<core_parallel>, #tpu.dimension_semantics<subcore_parallel>], iteration_bounds = array<i64: 2, 16>, scalar_prefetch = 0 : i64, scratch_operands = 5 : i64, tpu.core_type = #tpu.core_type<sc_vector_subcore>, window_params = [{transform_indices = #map}, {transform_indices = #map}, {transform_indices = #map1}, {transform_indices = #map1}, {transform_indices = #map2}, {transform_indices = #map2}]} {
    %mul3A = arith.constant 16 : i32
    %mul3A_0 = arith.muli %arg0, %mul3A : i32
    %add3A = arith.addi %mul3A_0, %arg1 : i32
    "tpu.region"() ({
      %run_scoped3A = tpu.sem_alloc : memref<!tpu.dma_semaphore, #tpu.memory_space<semaphore_mem>>
      %dma_start3A = arith.constant 0 : i32
      %dma_start3A_9 = arith.constant 0 : i32
      %dma_start3A_10 = tpu.memref_slice %arg2[%add3A, %dma_start3A, %dma_start3A_9] : memref<32x80x128xi32, #tpu.memory_space<hbm>> -> memref<1x80x128xi32, #tpu.memory_space<hbm>>
      %dma_start3A_11 = tpu.memref_squeeze %dma_start3A_10 : memref<1x80x128xi32, #tpu.memory_space<hbm>> -> memref<80x128xi32, #tpu.memory_space<hbm>>
      %dma_start3A_12 = arith.constant 0 : i32
      %dma_start3A_13 = arith.constant 0 : i32
      %dma_start3A_14 = tpu.memref_slice %arg2[%add3A, %dma_start3A_12, %dma_start3A_13] : memref<32x80x128xi32, #tpu.memory_space<hbm>> -> memref<1x80x128xi32, #tpu.memory_space<hbm>>
      %dma_start3A_15 = tpu.memref_squeeze %dma_start3A_14 : memref<1x80x128xi32, #tpu.memory_space<hbm>> -> memref<80x128xi32, #tpu.memory_space<hbm>>
      tpu.enqueue_dma source(%dma_start3A_15 : memref<80x128xi32, #tpu.memory_space<hbm>>) target(%arg8 : memref<80x128xi32, #tpu.memory_space<vmem>>) target_semaphore(%run_scoped3A : memref<!tpu.dma_semaphore, #tpu.memory_space<semaphore_mem>>)
      %dma_wait3A = arith.constant 0 : i32
      %dma_wait3A_16 = arith.constant 0 : i32
      %dma_wait3A_17 = tpu.memref_slice %arg2[%add3A, %dma_wait3A, %dma_wait3A_16] : memref<32x80x128xi32, #tpu.memory_space<hbm>> -> memref<1x80x128xi32, #tpu.memory_space<hbm>>
      %dma_wait3A_18 = tpu.memref_squeeze %dma_wait3A_17 : memref<1x80x128xi32, #tpu.memory_space<hbm>> -> memref<80x128xi32, #tpu.memory_space<hbm>>
      %dma_wait3A_19 = arith.constant 0 : i32
      %dma_wait3A_20 = arith.constant 0 : i32
      %dma_wait3A_21 = tpu.memref_slice %arg2[%add3A, %dma_wait3A_19, %dma_wait3A_20] : memref<32x80x128xi32, #tpu.memory_space<hbm>> -> memref<1x80x128xi32, #tpu.memory_space<hbm>>
      %dma_wait3A_22 = tpu.memref_squeeze %dma_wait3A_21 : memref<1x80x128xi32, #tpu.memory_space<hbm>> -> memref<80x128xi32, #tpu.memory_space<hbm>>
      tpu.wait_dma2 semaphore(%run_scoped3A : memref<!tpu.dma_semaphore, #tpu.memory_space<semaphore_mem>>) src(%dma_wait3A_22 : memref<80x128xi32, #tpu.memory_space<hbm>>) dst(%arg8 : memref<80x128xi32, #tpu.memory_space<vmem>>)
      tpu.yield
    }) : () -> ()
    "tpu.region"() ({
      %run_scoped3A = tpu.sem_alloc : memref<!tpu.dma_semaphore, #tpu.memory_space<semaphore_mem>>
      %dma_start3A = arith.constant 0 : i32
      %dma_start3A_9 = arith.constant 0 : i32
      %dma_start3A_10 = tpu.memref_slice %arg3[%add3A, %dma_start3A, %dma_start3A_9] : memref<32x80x128xi32, #tpu.memory_space<hbm>> -> memref<1x80x128xi32, #tpu.memory_space<hbm>>
      %dma_start3A_11 = tpu.memref_squeeze %dma_start3A_10 : memref<1x80x128xi32, #tpu.memory_space<hbm>> -> memref<80x128xi32, #tpu.memory_space<hbm>>
      %dma_start3A_12 = arith.constant 0 : i32
      %dma_start3A_13 = arith.constant 0 : i32
      %dma_start3A_14 = tpu.memref_slice %arg3[%add3A, %dma_start3A_12, %dma_start3A_13] : memref<32x80x128xi32, #tpu.memory_space<hbm>> -> memref<1x80x128xi32, #tpu.memory_space<hbm>>
      %dma_start3A_15 = tpu.memref_squeeze %dma_start3A_14 : memref<1x80x128xi32, #tpu.memory_space<hbm>> -> memref<80x128xi32, #tpu.memory_space<hbm>>
      tpu.enqueue_dma source(%dma_start3A_15 : memref<80x128xi32, #tpu.memory_space<hbm>>) target(%arg9 : memref<80x128xi32, #tpu.memory_space<vmem>>) target_semaphore(%run_scoped3A : memref<!tpu.dma_semaphore, #tpu.memory_space<semaphore_mem>>)
      %dma_wait3A = arith.constant 0 : i32
      %dma_wait3A_16 = arith.constant 0 : i32
      %dma_wait3A_17 = tpu.memref_slice %arg3[%add3A, %dma_wait3A, %dma_wait3A_16] : memref<32x80x128xi32, #tpu.memory_space<hbm>> -> memref<1x80x128xi32, #tpu.memory_space<hbm>>
      %dma_wait3A_18 = tpu.memref_squeeze %dma_wait3A_17 : memref<1x80x128xi32, #tpu.memory_space<hbm>> -> memref<80x128xi32, #tpu.memory_space<hbm>>
      %dma_wait3A_19 = arith.constant 0 : i32
      %dma_wait3A_20 = arith.constant 0 : i32
      %dma_wait3A_21 = tpu.memref_slice %arg3[%add3A, %dma_wait3A_19, %dma_wait3A_20] : memref<32x80x128xi32, #tpu.memory_space<hbm>> -> memref<1x80x128xi32, #tpu.memory_space<hbm>>
      %dma_wait3A_22 = tpu.memref_squeeze %dma_wait3A_21 : memref<1x80x128xi32, #tpu.memory_space<hbm>> -> memref<80x128xi32, #tpu.memory_space<hbm>>
      tpu.wait_dma2 semaphore(%run_scoped3A : memref<!tpu.dma_semaphore, #tpu.memory_space<semaphore_mem>>) src(%dma_wait3A_22 : memref<80x128xi32, #tpu.memory_space<hbm>>) dst(%arg9 : memref<80x128xi32, #tpu.memory_space<vmem>>)
      tpu.yield
    }) : () -> ()
    "tpu.region"() ({
      %run_scoped3A = tpu.sem_alloc : memref<!tpu.dma_semaphore, #tpu.memory_space<semaphore_mem>>
      tpu.enqueue_dma source(%arg4 : memref<128xf32, #tpu.memory_space<hbm>>) target(%arg10 : memref<128xf32, #tpu.memory_space<vmem>>) target_semaphore(%run_scoped3A : memref<!tpu.dma_semaphore, #tpu.memory_space<semaphore_mem>>)
      tpu.wait_dma2 semaphore(%run_scoped3A : memref<!tpu.dma_semaphore, #tpu.memory_space<semaphore_mem>>) src(%arg4 : memref<128xf32, #tpu.memory_space<hbm>>) dst(%arg10 : memref<128xf32, #tpu.memory_space<vmem>>)
      tpu.yield
    }) : () -> ()
    %mul3A_1 = arith.constant 640 : i32
    %mul3A_2 = arith.muli %arg1, %mul3A_1 : i32
    "tpu.region"() ({
      %run_scoped3A = tpu.sem_alloc : memref<!tpu.dma_semaphore, #tpu.memory_space<semaphore_mem>>
      %dma_start3A = tpu.memref_slice %arg11[%mul3A_2] : memref<10240xf32, #tpu.memory_space<vmem_shared>> -> memref<640xf32, #tpu.memory_space<vmem_shared>>
      tpu.enqueue_dma source(%arg5 : memref<640xf32, #tpu.memory_space<hbm>>) target(%dma_start3A : memref<640xf32, #tpu.memory_space<vmem_shared>>) target_semaphore(%run_scoped3A : memref<!tpu.dma_semaphore, #tpu.memory_space<semaphore_mem>>)
      %dma_wait3A = tpu.memref_slice %arg11[%mul3A_2] : memref<10240xf32, #tpu.memory_space<vmem_shared>> -> memref<640xf32, #tpu.memory_space<vmem_shared>>
      tpu.wait_dma2 semaphore(%run_scoped3A : memref<!tpu.dma_semaphore, #tpu.memory_space<semaphore_mem>>) src(%arg5 : memref<640xf32, #tpu.memory_space<hbm>>) dst(%dma_wait3A : memref<640xf32, #tpu.memory_space<vmem_shared>>)
      tpu.yield
    }) : () -> ()
    "tpu.region"() ({
      %run_scoped3A = tpu.sem_alloc : memref<!tpu.dma_semaphore, #tpu.memory_space<semaphore_mem>>
      %dma_start3A = tpu.memref_slice %arg12[%mul3A_2] : memref<10240xf32, #tpu.memory_space<vmem_shared>> -> memref<640xf32, #tpu.memory_space<vmem_shared>>
      tpu.enqueue_dma source(%arg5 : memref<640xf32, #tpu.memory_space<hbm>>) target(%dma_start3A : memref<640xf32, #tpu.memory_space<vmem_shared>>) target_semaphore(%run_scoped3A : memref<!tpu.dma_semaphore, #tpu.memory_space<semaphore_mem>>)
      %dma_wait3A = tpu.memref_slice %arg12[%mul3A_2] : memref<10240xf32, #tpu.memory_space<vmem_shared>> -> memref<640xf32, #tpu.memory_space<vmem_shared>>
      tpu.wait_dma2 semaphore(%run_scoped3A : memref<!tpu.dma_semaphore, #tpu.memory_space<semaphore_mem>>) src(%arg5 : memref<640xf32, #tpu.memory_space<hbm>>) dst(%dma_wait3A : memref<640xf32, #tpu.memory_space<vmem_shared>>)
      tpu.yield
    }) : () -> ()
    %barrier3A = arith.constant 0 : index
    tpu.barrier barrier_id(%barrier3A)
    %scan3A = arith.constant 0 : i32
    %scan3A_3 = arith.constant 0 : i32
    %scan3A_4 = arith.constant 80 : i32
    %scan3A_5 = arith.addi %scan3A_3, %scan3A_4 : i32
    %scan3A_6 = arith.constant 1 : i32
    scf.for %scan3A_9 = %scan3A_3 to %scan3A_5 step %scan3A_6  : i32 {
      "tpu.region"() ({
        %run_scoped3A = tpu.sem_alloc : memref<!tpu.dma_semaphore, #tpu.memory_space<semaphore_mem>>
        %dma_start3A = arith.constant 0 : i32
        %dma_start3A_10 = tpu.memref_slice %arg8[%scan3A_9, %dma_start3A] : memref<80x128xi32, #tpu.memory_space<vmem>> -> memref<1x128xi32, #tpu.memory_space<vmem>>
        %dma_start3A_11 = tpu.memref_squeeze %dma_start3A_10 : memref<1x128xi32, #tpu.memory_space<vmem>> -> memref<128xi32, #tpu.memory_space<vmem>>
        %dma_start3A_12 = arith.constant 0 : i32
        %dma_start3A_13 = tpu.memref_slice %arg11[%dma_start3A_12] : memref<10240xf32, #tpu.memory_space<vmem_shared>> -> memref<10240xf32, #tpu.memory_space<vmem_shared>>
        tpu.enqueue_indirect_dma source(%arg10 : memref<128xf32, #tpu.memory_space<vmem>>) target(%dma_start3A_13 : memref<10240xf32, #tpu.memory_space<vmem_shared>>) offsets(%dma_start3A_11 : memref<128xi32, #tpu.memory_space<vmem>>) semaphore(%run_scoped3A : memref<!tpu.dma_semaphore, #tpu.memory_space<semaphore_mem>>) {add = true}
        %dma_wait3A = arith.constant 0 : i32
        %dma_wait3A_14 = tpu.memref_slice %arg8[%scan3A_9, %dma_wait3A] : memref<80x128xi32, #tpu.memory_space<vmem>> -> memref<1x128xi32, #tpu.memory_space<vmem>>
        %dma_wait3A_15 = tpu.memref_squeeze %dma_wait3A_14 : memref<1x128xi32, #tpu.memory_space<vmem>> -> memref<128xi32, #tpu.memory_space<vmem>>
        %dma_wait3A_16 = arith.constant 0 : i32
        %dma_wait3A_17 = tpu.memref_slice %arg11[%dma_wait3A_16] : memref<10240xf32, #tpu.memory_space<vmem_shared>> -> memref<10240xf32, #tpu.memory_space<vmem_shared>>
        tpu.wait_indirect_dma semaphore(%run_scoped3A : memref<!tpu.dma_semaphore, #tpu.memory_space<semaphore_mem>>) src(%arg10 : memref<128xf32, #tpu.memory_space<vmem>>) dst(%dma_wait3A_17 : memref<10240xf32, #tpu.memory_space<vmem_shared>>)
        tpu.yield
      }) : () -> ()
      "tpu.region"() ({
        %run_scoped3A = tpu.sem_alloc : memref<!tpu.dma_semaphore, #tpu.memory_space<semaphore_mem>>
        %dma_start3A = arith.constant 0 : i32
        %dma_start3A_10 = tpu.memref_slice %arg9[%scan3A_9, %dma_start3A] : memref<80x128xi32, #tpu.memory_space<vmem>> -> memref<1x128xi32, #tpu.memory_space<vmem>>
        %dma_start3A_11 = tpu.memref_squeeze %dma_start3A_10 : memref<1x128xi32, #tpu.memory_space<vmem>> -> memref<128xi32, #tpu.memory_space<vmem>>
        %dma_start3A_12 = arith.constant 0 : i32
        %dma_start3A_13 = tpu.memref_slice %arg12[%dma_start3A_12] : memref<10240xf32, #tpu.memory_space<vmem_shared>> -> memref<10240xf32, #tpu.memory_space<vmem_shared>>
        tpu.enqueue_indirect_dma source(%arg10 : memref<128xf32, #tpu.memory_space<vmem>>) target(%dma_start3A_13 : memref<10240xf32, #tpu.memory_space<vmem_shared>>) offsets(%dma_start3A_11 : memref<128xi32, #tpu.memory_space<vmem>>) semaphore(%run_scoped3A : memref<!tpu.dma_semaphore, #tpu.memory_space<semaphore_mem>>) {add = true}
        %dma_wait3A = arith.constant 0 : i32
        %dma_wait3A_14 = tpu.memref_slice %arg9[%scan3A_9, %dma_wait3A] : memref<80x128xi32, #tpu.memory_space<vmem>> -> memref<1x128xi32, #tpu.memory_space<vmem>>
        %dma_wait3A_15 = tpu.memref_squeeze %dma_wait3A_14 : memref<1x128xi32, #tpu.memory_space<vmem>> -> memref<128xi32, #tpu.memory_space<vmem>>
        %dma_wait3A_16 = arith.constant 0 : i32
        %dma_wait3A_17 = tpu.memref_slice %arg12[%dma_wait3A_16] : memref<10240xf32, #tpu.memory_space<vmem_shared>> -> memref<10240xf32, #tpu.memory_space<vmem_shared>>
        tpu.wait_indirect_dma semaphore(%run_scoped3A : memref<!tpu.dma_semaphore, #tpu.memory_space<semaphore_mem>>) src(%arg10 : memref<128xf32, #tpu.memory_space<vmem>>) dst(%dma_wait3A_17 : memref<10240xf32, #tpu.memory_space<vmem_shared>>)
        tpu.yield
      }) : () -> ()
    }
    %scan3A_7 = arith.constant 80 : i32
    %barrier3A_8 = arith.constant 0 : index
    tpu.barrier barrier_id(%barrier3A_8)
    "tpu.region"() ({
      %run_scoped3A = tpu.sem_alloc : memref<!tpu.dma_semaphore, #tpu.memory_space<semaphore_mem>>
      %dma_start3A = tpu.memref_slice %arg6[%arg0, %mul3A_2] : memref<2x10240xf32, #tpu.memory_space<hbm>> -> memref<1x640xf32, #tpu.memory_space<hbm>>
      %dma_start3A_9 = tpu.memref_squeeze %dma_start3A : memref<1x640xf32, #tpu.memory_space<hbm>> -> memref<640xf32, #tpu.memory_space<hbm>>
      %dma_start3A_10 = tpu.memref_slice %arg11[%mul3A_2] : memref<10240xf32, #tpu.memory_space<vmem_shared>> -> memref<640xf32, #tpu.memory_space<vmem_shared>>
      tpu.enqueue_dma source(%dma_start3A_10 : memref<640xf32, #tpu.memory_space<vmem_shared>>) target(%dma_start3A_9 : memref<640xf32, #tpu.memory_space<hbm>>) target_semaphore(%run_scoped3A : memref<!tpu.dma_semaphore, #tpu.memory_space<semaphore_mem>>)
      %dma_wait3A = tpu.memref_slice %arg6[%arg0, %mul3A_2] : memref<2x10240xf32, #tpu.memory_space<hbm>> -> memref<1x640xf32, #tpu.memory_space<hbm>>
      %dma_wait3A_11 = tpu.memref_squeeze %dma_wait3A : memref<1x640xf32, #tpu.memory_space<hbm>> -> memref<640xf32, #tpu.memory_space<hbm>>
      %dma_wait3A_12 = tpu.memref_slice %arg11[%mul3A_2] : memref<10240xf32, #tpu.memory_space<vmem_shared>> -> memref<640xf32, #tpu.memory_space<vmem_shared>>
      tpu.wait_dma2 semaphore(%run_scoped3A : memref<!tpu.dma_semaphore, #tpu.memory_space<semaphore_mem>>) src(%dma_wait3A_12 : memref<640xf32, #tpu.memory_space<vmem_shared>>) dst(%dma_wait3A_11 : memref<640xf32, #tpu.memory_space<hbm>>)
      tpu.yield
    }) : () -> ()
    "tpu.region"() ({
      %run_scoped3A = tpu.sem_alloc : memref<!tpu.dma_semaphore, #tpu.memory_space<semaphore_mem>>
      %dma_start3A = tpu.memref_slice %arg7[%arg0, %mul3A_2] : memref<2x10240xf32, #tpu.memory_space<hbm>> -> memref<1x640xf32, #tpu.memory_space<hbm>>
      %dma_start3A_9 = tpu.memref_squeeze %dma_start3A : memref<1x640xf32, #tpu.memory_space<hbm>> -> memref<640xf32, #tpu.memory_space<hbm>>
      %dma_start3A_10 = tpu.memref_slice %arg12[%mul3A_2] : memref<10240xf32, #tpu.memory_space<vmem_shared>> -> memref<640xf32, #tpu.memory_space<vmem_shared>>
      tpu.enqueue_dma source(%dma_start3A_10 : memref<640xf32, #tpu.memory_space<vmem_shared>>) target(%dma_start3A_9 : memref<640xf32, #tpu.memory_space<hbm>>) target_semaphore(%run_scoped3A : memref<!tpu.dma_semaphore, #tpu.memory_space<semaphore_mem>>)
      %dma_wait3A = tpu.memref_slice %arg7[%arg0, %mul3A_2] : memref<2x10240xf32, #tpu.memory_space<hbm>> -> memref<1x640xf32, #tpu.memory_space<hbm>>
      %dma_wait3A_11 = tpu.memref_squeeze %dma_wait3A : memref<1x640xf32, #tpu.memory_space<hbm>> -> memref<640xf32, #tpu.memory_space<hbm>>
      %dma_wait3A_12 = tpu.memref_slice %arg12[%mul3A_2] : memref<10240xf32, #tpu.memory_space<vmem_shared>> -> memref<640xf32, #tpu.memory_space<vmem_shared>>
      tpu.wait_dma2 semaphore(%run_scoped3A : memref<!tpu.dma_semaphore, #tpu.memory_space<semaphore_mem>>) src(%dma_wait3A_12 : memref<640xf32, #tpu.memory_space<vmem_shared>>) dst(%dma_wait3A_11 : memref<640xf32, #tpu.memory_space<hbm>>)
      tpu.yield
    }) : () -> ()
    return
  }
}

#map = affine_map<(d0, d1) -> (0, 0)>
#map1 = affine_map<(d0, d1) -> (0, 0, 0)>
module attributes {stable_mosaic.version = 14 : i64} {
  func.func @_msgpass64(%arg0: i32, %arg1: i32, %arg2: memref<10240x64xf32, #tpu.memory_space<hbm>>, %arg3: memref<32x80x128xi32, #tpu.memory_space<hbm>>, %arg4: memref<32x80x128xi32, #tpu.memory_space<hbm>>, %arg5: memref<640x64xf32, #tpu.memory_space<hbm>>, %arg6: memref<2x10240x64xf32, #tpu.memory_space<hbm>>, %arg7: memref<80x128xi32, #tpu.memory_space<vmem>>, %arg8: memref<80x128xi32, #tpu.memory_space<vmem>>, %arg9: memref<128x64xf32, #tpu.memory_space<vmem>>, %arg10: memref<128x64xf32, #tpu.memory_space<vmem>>, %arg11: memref<10240x64xf32, #tpu.memory_space<vmem_shared>>, %arg12: memref<!tpu.dma_semaphore, #tpu.memory_space<semaphore_mem>>, %arg13: memref<!tpu.dma_semaphore, #tpu.memory_space<semaphore_mem>>) attributes {dimension_semantics = [#tpu.dimension_semantics<core_parallel>, #tpu.dimension_semantics<subcore_parallel>], iteration_bounds = array<i64: 2, 16>, scalar_prefetch = 0 : i64, scratch_operands = 7 : i64, tpu.core_type = #tpu.core_type<sc_vector_subcore>, window_params = [{transform_indices = #map}, {transform_indices = #map1}, {transform_indices = #map1}, {transform_indices = #map}, {transform_indices = #map1}]} {
    %mul3A = arith.constant 16 : i32
    %mul3A_0 = arith.muli %arg0, %mul3A : i32
    %add3A = arith.addi %mul3A_0, %arg1 : i32
    %mul3A_1 = arith.constant 640 : i32
    %mul3A_2 = arith.muli %arg1, %mul3A_1 : i32
    "tpu.region"() ({
      %run_scoped3A = tpu.sem_alloc : memref<!tpu.dma_semaphore, #tpu.memory_space<semaphore_mem>>
      %dma_start3A_21 = arith.constant 0 : i32
      %dma_start3A_22 = tpu.memref_slice %arg11[%mul3A_2, %dma_start3A_21] : memref<10240x64xf32, #tpu.memory_space<vmem_shared>> -> memref<640x64xf32, #tpu.memory_space<vmem_shared>>
      tpu.enqueue_dma source(%arg5 : memref<640x64xf32, #tpu.memory_space<hbm>>) target(%dma_start3A_22 : memref<640x64xf32, #tpu.memory_space<vmem_shared>>) target_semaphore(%run_scoped3A : memref<!tpu.dma_semaphore, #tpu.memory_space<semaphore_mem>>)
      %dma_wait3A_23 = arith.constant 0 : i32
      %dma_wait3A_24 = tpu.memref_slice %arg11[%mul3A_2, %dma_wait3A_23] : memref<10240x64xf32, #tpu.memory_space<vmem_shared>> -> memref<640x64xf32, #tpu.memory_space<vmem_shared>>
      tpu.wait_dma2 semaphore(%run_scoped3A : memref<!tpu.dma_semaphore, #tpu.memory_space<semaphore_mem>>) src(%arg5 : memref<640x64xf32, #tpu.memory_space<hbm>>) dst(%dma_wait3A_24 : memref<640x64xf32, #tpu.memory_space<vmem_shared>>)
      tpu.yield
    }) : () -> ()
    "tpu.region"() ({
      %run_scoped3A = tpu.sem_alloc : memref<!tpu.dma_semaphore, #tpu.memory_space<semaphore_mem>>
      %dma_start3A_21 = arith.constant 0 : i32
      %dma_start3A_22 = arith.constant 0 : i32
      %dma_start3A_23 = tpu.memref_slice %arg3[%add3A, %dma_start3A_21, %dma_start3A_22] : memref<32x80x128xi32, #tpu.memory_space<hbm>> -> memref<1x80x128xi32, #tpu.memory_space<hbm>>
      %dma_start3A_24 = tpu.memref_squeeze %dma_start3A_23 : memref<1x80x128xi32, #tpu.memory_space<hbm>> -> memref<80x128xi32, #tpu.memory_space<hbm>>
      %dma_start3A_25 = arith.constant 0 : i32
      %dma_start3A_26 = arith.constant 0 : i32
      %dma_start3A_27 = tpu.memref_slice %arg3[%add3A, %dma_start3A_25, %dma_start3A_26] : memref<32x80x128xi32, #tpu.memory_space<hbm>> -> memref<1x80x128xi32, #tpu.memory_space<hbm>>
      %dma_start3A_28 = tpu.memref_squeeze %dma_start3A_27 : memref<1x80x128xi32, #tpu.memory_space<hbm>> -> memref<80x128xi32, #tpu.memory_space<hbm>>
      tpu.enqueue_dma source(%dma_start3A_28 : memref<80x128xi32, #tpu.memory_space<hbm>>) target(%arg7 : memref<80x128xi32, #tpu.memory_space<vmem>>) target_semaphore(%run_scoped3A : memref<!tpu.dma_semaphore, #tpu.memory_space<semaphore_mem>>)
      %dma_wait3A_29 = arith.constant 0 : i32
      %dma_wait3A_30 = arith.constant 0 : i32
      %dma_wait3A_31 = tpu.memref_slice %arg3[%add3A, %dma_wait3A_29, %dma_wait3A_30] : memref<32x80x128xi32, #tpu.memory_space<hbm>> -> memref<1x80x128xi32, #tpu.memory_space<hbm>>
      %dma_wait3A_32 = tpu.memref_squeeze %dma_wait3A_31 : memref<1x80x128xi32, #tpu.memory_space<hbm>> -> memref<80x128xi32, #tpu.memory_space<hbm>>
      %dma_wait3A_33 = arith.constant 0 : i32
      %dma_wait3A_34 = arith.constant 0 : i32
      %dma_wait3A_35 = tpu.memref_slice %arg3[%add3A, %dma_wait3A_33, %dma_wait3A_34] : memref<32x80x128xi32, #tpu.memory_space<hbm>> -> memref<1x80x128xi32, #tpu.memory_space<hbm>>
      %dma_wait3A_36 = tpu.memref_squeeze %dma_wait3A_35 : memref<1x80x128xi32, #tpu.memory_space<hbm>> -> memref<80x128xi32, #tpu.memory_space<hbm>>
      tpu.wait_dma2 semaphore(%run_scoped3A : memref<!tpu.dma_semaphore, #tpu.memory_space<semaphore_mem>>) src(%dma_wait3A_36 : memref<80x128xi32, #tpu.memory_space<hbm>>) dst(%arg7 : memref<80x128xi32, #tpu.memory_space<vmem>>)
      tpu.yield
    }) : () -> ()
    "tpu.region"() ({
      %run_scoped3A = tpu.sem_alloc : memref<!tpu.dma_semaphore, #tpu.memory_space<semaphore_mem>>
      %dma_start3A_21 = arith.constant 0 : i32
      %dma_start3A_22 = arith.constant 0 : i32
      %dma_start3A_23 = tpu.memref_slice %arg4[%add3A, %dma_start3A_21, %dma_start3A_22] : memref<32x80x128xi32, #tpu.memory_space<hbm>> -> memref<1x80x128xi32, #tpu.memory_space<hbm>>
      %dma_start3A_24 = tpu.memref_squeeze %dma_start3A_23 : memref<1x80x128xi32, #tpu.memory_space<hbm>> -> memref<80x128xi32, #tpu.memory_space<hbm>>
      %dma_start3A_25 = arith.constant 0 : i32
      %dma_start3A_26 = arith.constant 0 : i32
      %dma_start3A_27 = tpu.memref_slice %arg4[%add3A, %dma_start3A_25, %dma_start3A_26] : memref<32x80x128xi32, #tpu.memory_space<hbm>> -> memref<1x80x128xi32, #tpu.memory_space<hbm>>
      %dma_start3A_28 = tpu.memref_squeeze %dma_start3A_27 : memref<1x80x128xi32, #tpu.memory_space<hbm>> -> memref<80x128xi32, #tpu.memory_space<hbm>>
      tpu.enqueue_dma source(%dma_start3A_28 : memref<80x128xi32, #tpu.memory_space<hbm>>) target(%arg8 : memref<80x128xi32, #tpu.memory_space<vmem>>) target_semaphore(%run_scoped3A : memref<!tpu.dma_semaphore, #tpu.memory_space<semaphore_mem>>)
      %dma_wait3A_29 = arith.constant 0 : i32
      %dma_wait3A_30 = arith.constant 0 : i32
      %dma_wait3A_31 = tpu.memref_slice %arg4[%add3A, %dma_wait3A_29, %dma_wait3A_30] : memref<32x80x128xi32, #tpu.memory_space<hbm>> -> memref<1x80x128xi32, #tpu.memory_space<hbm>>
      %dma_wait3A_32 = tpu.memref_squeeze %dma_wait3A_31 : memref<1x80x128xi32, #tpu.memory_space<hbm>> -> memref<80x128xi32, #tpu.memory_space<hbm>>
      %dma_wait3A_33 = arith.constant 0 : i32
      %dma_wait3A_34 = arith.constant 0 : i32
      %dma_wait3A_35 = tpu.memref_slice %arg4[%add3A, %dma_wait3A_33, %dma_wait3A_34] : memref<32x80x128xi32, #tpu.memory_space<hbm>> -> memref<1x80x128xi32, #tpu.memory_space<hbm>>
      %dma_wait3A_36 = tpu.memref_squeeze %dma_wait3A_35 : memref<1x80x128xi32, #tpu.memory_space<hbm>> -> memref<80x128xi32, #tpu.memory_space<hbm>>
      tpu.wait_dma2 semaphore(%run_scoped3A : memref<!tpu.dma_semaphore, #tpu.memory_space<semaphore_mem>>) src(%dma_wait3A_36 : memref<80x128xi32, #tpu.memory_space<hbm>>) dst(%arg8 : memref<80x128xi32, #tpu.memory_space<vmem>>)
      tpu.yield
    }) : () -> ()
    %barrier3A = arith.constant 0 : index
    tpu.barrier barrier_id(%barrier3A)
    %dma_start3A = arith.constant 0 : i32
    %dma_start3A_3 = arith.constant 0 : i32
    %dma_start3A_4 = tpu.memref_slice %arg7[%dma_start3A, %dma_start3A_3] : memref<80x128xi32, #tpu.memory_space<vmem>> -> memref<1x128xi32, #tpu.memory_space<vmem>>
    %dma_start3A_5 = tpu.memref_squeeze %dma_start3A_4 : memref<1x128xi32, #tpu.memory_space<vmem>> -> memref<128xi32, #tpu.memory_space<vmem>>
    %dma_start3A_6 = arith.constant 0 : i32
    %dma_start3A_7 = arith.constant 0 : i32
    %dma_start3A_8 = tpu.memref_slice %arg2[%dma_start3A_6, %dma_start3A_7] : memref<10240x64xf32, #tpu.memory_space<hbm>> -> memref<10240x64xf32, #tpu.memory_space<hbm>>
    tpu.enqueue_indirect_dma source(%dma_start3A_8 : memref<10240x64xf32, #tpu.memory_space<hbm>>) target(%arg9 : memref<128x64xf32, #tpu.memory_space<vmem>>) offsets(%dma_start3A_5 : memref<128xi32, #tpu.memory_space<vmem>>) semaphore(%arg12 : memref<!tpu.dma_semaphore, #tpu.memory_space<semaphore_mem>>)
    %scan3A = arith.constant 0 : i32
    %scan3A_9 = arith.constant 0 : i32
    %scan3A_10 = arith.constant 40 : i32
    %scan3A_11 = arith.addi %scan3A_9, %scan3A_10 : i32
    %scan3A_12 = arith.constant 1 : i32
    scf.for %scan3A_21 = %scan3A_9 to %scan3A_11 step %scan3A_12  : i32 {
      %mul3A_22 = arith.constant 2 : i32
      %mul3A_23 = arith.muli %mul3A_22, %scan3A_21 : i32
      %dma_wait3A_24 = arith.constant 0 : i32
      %dma_wait3A_25 = tpu.memref_slice %arg7[%mul3A_23, %dma_wait3A_24] : memref<80x128xi32, #tpu.memory_space<vmem>> -> memref<1x128xi32, #tpu.memory_space<vmem>>
      %dma_wait3A_26 = tpu.memref_squeeze %dma_wait3A_25 : memref<1x128xi32, #tpu.memory_space<vmem>> -> memref<128xi32, #tpu.memory_space<vmem>>
      %dma_wait3A_27 = arith.constant 0 : i32
      %dma_wait3A_28 = arith.constant 0 : i32
      %dma_wait3A_29 = tpu.memref_slice %arg2[%dma_wait3A_27, %dma_wait3A_28] : memref<10240x64xf32, #tpu.memory_space<hbm>> -> memref<10240x64xf32, #tpu.memory_space<hbm>>
      tpu.wait_indirect_dma semaphore(%arg12 : memref<!tpu.dma_semaphore, #tpu.memory_space<semaphore_mem>>) src(%dma_wait3A_29 : memref<10240x64xf32, #tpu.memory_space<hbm>>) dst(%arg9 : memref<128x64xf32, #tpu.memory_space<vmem>>)
      %add3A_30 = arith.constant 1 : i32
      %add3A_31 = arith.addi %mul3A_23, %add3A_30 : i32
      %dma_start3A_32 = arith.constant 0 : i32
      %dma_start3A_33 = tpu.memref_slice %arg7[%add3A_31, %dma_start3A_32] : memref<80x128xi32, #tpu.memory_space<vmem>> -> memref<1x128xi32, #tpu.memory_space<vmem>>
      %dma_start3A_34 = tpu.memref_squeeze %dma_start3A_33 : memref<1x128xi32, #tpu.memory_space<vmem>> -> memref<128xi32, #tpu.memory_space<vmem>>
      %dma_start3A_35 = arith.constant 0 : i32
      %dma_start3A_36 = arith.constant 0 : i32
      %dma_start3A_37 = tpu.memref_slice %arg2[%dma_start3A_35, %dma_start3A_36] : memref<10240x64xf32, #tpu.memory_space<hbm>> -> memref<10240x64xf32, #tpu.memory_space<hbm>>
      tpu.enqueue_indirect_dma source(%dma_start3A_37 : memref<10240x64xf32, #tpu.memory_space<hbm>>) target(%arg10 : memref<128x64xf32, #tpu.memory_space<vmem>>) offsets(%dma_start3A_34 : memref<128xi32, #tpu.memory_space<vmem>>) semaphore(%arg13 : memref<!tpu.dma_semaphore, #tpu.memory_space<semaphore_mem>>)
      "tpu.region"() ({
        %run_scoped3A = tpu.sem_alloc : memref<!tpu.dma_semaphore, #tpu.memory_space<semaphore_mem>>
        %dma_start3A_57 = arith.constant 0 : i32
        %dma_start3A_58 = tpu.memref_slice %arg8[%mul3A_23, %dma_start3A_57] : memref<80x128xi32, #tpu.memory_space<vmem>> -> memref<1x128xi32, #tpu.memory_space<vmem>>
        %dma_start3A_59 = tpu.memref_squeeze %dma_start3A_58 : memref<1x128xi32, #tpu.memory_space<vmem>> -> memref<128xi32, #tpu.memory_space<vmem>>
        %dma_start3A_60 = arith.constant 0 : i32
        %dma_start3A_61 = arith.constant 0 : i32
        %dma_start3A_62 = tpu.memref_slice %arg11[%dma_start3A_60, %dma_start3A_61] : memref<10240x64xf32, #tpu.memory_space<vmem_shared>> -> memref<10240x64xf32, #tpu.memory_space<vmem_shared>>
        tpu.enqueue_indirect_dma source(%arg9 : memref<128x64xf32, #tpu.memory_space<vmem>>) target(%dma_start3A_62 : memref<10240x64xf32, #tpu.memory_space<vmem_shared>>) offsets(%dma_start3A_59 : memref<128xi32, #tpu.memory_space<vmem>>) semaphore(%run_scoped3A : memref<!tpu.dma_semaphore, #tpu.memory_space<semaphore_mem>>) {add = true}
        %dma_wait3A_63 = arith.constant 0 : i32
        %dma_wait3A_64 = tpu.memref_slice %arg8[%mul3A_23, %dma_wait3A_63] : memref<80x128xi32, #tpu.memory_space<vmem>> -> memref<1x128xi32, #tpu.memory_space<vmem>>
        %dma_wait3A_65 = tpu.memref_squeeze %dma_wait3A_64 : memref<1x128xi32, #tpu.memory_space<vmem>> -> memref<128xi32, #tpu.memory_space<vmem>>
        %dma_wait3A_66 = arith.constant 0 : i32
        %dma_wait3A_67 = arith.constant 0 : i32
        %dma_wait3A_68 = tpu.memref_slice %arg11[%dma_wait3A_66, %dma_wait3A_67] : memref<10240x64xf32, #tpu.memory_space<vmem_shared>> -> memref<10240x64xf32, #tpu.memory_space<vmem_shared>>
        tpu.wait_indirect_dma semaphore(%run_scoped3A : memref<!tpu.dma_semaphore, #tpu.memory_space<semaphore_mem>>) src(%arg9 : memref<128x64xf32, #tpu.memory_space<vmem>>) dst(%dma_wait3A_68 : memref<10240x64xf32, #tpu.memory_space<vmem_shared>>)
        tpu.yield
      }) : () -> ()
      %add3A_38 = arith.constant 1 : i32
      %add3A_39 = arith.addi %mul3A_23, %add3A_38 : i32
      %dma_wait3A_40 = arith.constant 0 : i32
      %dma_wait3A_41 = tpu.memref_slice %arg7[%add3A_39, %dma_wait3A_40] : memref<80x128xi32, #tpu.memory_space<vmem>> -> memref<1x128xi32, #tpu.memory_space<vmem>>
      %dma_wait3A_42 = tpu.memref_squeeze %dma_wait3A_41 : memref<1x128xi32, #tpu.memory_space<vmem>> -> memref<128xi32, #tpu.memory_space<vmem>>
      %dma_wait3A_43 = arith.constant 0 : i32
      %dma_wait3A_44 = arith.constant 0 : i32
      %dma_wait3A_45 = tpu.memref_slice %arg2[%dma_wait3A_43, %dma_wait3A_44] : memref<10240x64xf32, #tpu.memory_space<hbm>> -> memref<10240x64xf32, #tpu.memory_space<hbm>>
      tpu.wait_indirect_dma semaphore(%arg13 : memref<!tpu.dma_semaphore, #tpu.memory_space<semaphore_mem>>) src(%dma_wait3A_45 : memref<10240x64xf32, #tpu.memory_space<hbm>>) dst(%arg10 : memref<128x64xf32, #tpu.memory_space<vmem>>)
      %add3A_46 = arith.constant 2 : i32
      %add3A_47 = arith.addi %mul3A_23, %add3A_46 : i32
      %min3A = arith.constant 79 : i32
      %min3A_48 = arith.minsi %add3A_47, %min3A : i32
      %dma_start3A_49 = arith.constant 0 : i32
      %dma_start3A_50 = tpu.memref_slice %arg7[%min3A_48, %dma_start3A_49] : memref<80x128xi32, #tpu.memory_space<vmem>> -> memref<1x128xi32, #tpu.memory_space<vmem>>
      %dma_start3A_51 = tpu.memref_squeeze %dma_start3A_50 : memref<1x128xi32, #tpu.memory_space<vmem>> -> memref<128xi32, #tpu.memory_space<vmem>>
      %dma_start3A_52 = arith.constant 0 : i32
      %dma_start3A_53 = arith.constant 0 : i32
      %dma_start3A_54 = tpu.memref_slice %arg2[%dma_start3A_52, %dma_start3A_53] : memref<10240x64xf32, #tpu.memory_space<hbm>> -> memref<10240x64xf32, #tpu.memory_space<hbm>>
      tpu.enqueue_indirect_dma source(%dma_start3A_54 : memref<10240x64xf32, #tpu.memory_space<hbm>>) target(%arg9 : memref<128x64xf32, #tpu.memory_space<vmem>>) offsets(%dma_start3A_51 : memref<128xi32, #tpu.memory_space<vmem>>) semaphore(%arg12 : memref<!tpu.dma_semaphore, #tpu.memory_space<semaphore_mem>>)
      %add3A_55 = arith.constant 1 : i32
      %add3A_56 = arith.addi %mul3A_23, %add3A_55 : i32
      "tpu.region"() ({
        %run_scoped3A = tpu.sem_alloc : memref<!tpu.dma_semaphore, #tpu.memory_space<semaphore_mem>>
        %dma_start3A_57 = arith.constant 0 : i32
        %dma_start3A_58 = tpu.memref_slice %arg8[%add3A_56, %dma_start3A_57] : memref<80x128xi32, #tpu.memory_space<vmem>> -> memref<1x128xi32, #tpu.memory_space<vmem>>
        %dma_start3A_59 = tpu.memref_squeeze %dma_start3A_58 : memref<1x128xi32, #tpu.memory_space<vmem>> -> memref<128xi32, #tpu.memory_space<vmem>>
        %dma_start3A_60 = arith.constant 0 : i32
        %dma_start3A_61 = arith.constant 0 : i32
        %dma_start3A_62 = tpu.memref_slice %arg11[%dma_start3A_60, %dma_start3A_61] : memref<10240x64xf32, #tpu.memory_space<vmem_shared>> -> memref<10240x64xf32, #tpu.memory_space<vmem_shared>>
        tpu.enqueue_indirect_dma source(%arg10 : memref<128x64xf32, #tpu.memory_space<vmem>>) target(%dma_start3A_62 : memref<10240x64xf32, #tpu.memory_space<vmem_shared>>) offsets(%dma_start3A_59 : memref<128xi32, #tpu.memory_space<vmem>>) semaphore(%run_scoped3A : memref<!tpu.dma_semaphore, #tpu.memory_space<semaphore_mem>>) {add = true}
        %dma_wait3A_63 = arith.constant 0 : i32
        %dma_wait3A_64 = tpu.memref_slice %arg8[%add3A_56, %dma_wait3A_63] : memref<80x128xi32, #tpu.memory_space<vmem>> -> memref<1x128xi32, #tpu.memory_space<vmem>>
        %dma_wait3A_65 = tpu.memref_squeeze %dma_wait3A_64 : memref<1x128xi32, #tpu.memory_space<vmem>> -> memref<128xi32, #tpu.memory_space<vmem>>
        %dma_wait3A_66 = arith.constant 0 : i32
        %dma_wait3A_67 = arith.constant 0 : i32
        %dma_wait3A_68 = tpu.memref_slice %arg11[%dma_wait3A_66, %dma_wait3A_67] : memref<10240x64xf32, #tpu.memory_space<vmem_shared>> -> memref<10240x64xf32, #tpu.memory_space<vmem_shared>>
        tpu.wait_indirect_dma semaphore(%run_scoped3A : memref<!tpu.dma_semaphore, #tpu.memory_space<semaphore_mem>>) src(%arg10 : memref<128x64xf32, #tpu.memory_space<vmem>>) dst(%dma_wait3A_68 : memref<10240x64xf32, #tpu.memory_space<vmem_shared>>)
        tpu.yield
      }) : () -> ()
    }
    %scan3A_13 = arith.constant 40 : i32
    %dma_wait3A = arith.constant 79 : i32
    %dma_wait3A_14 = arith.constant 0 : i32
    %dma_wait3A_15 = tpu.memref_slice %arg7[%dma_wait3A, %dma_wait3A_14] : memref<80x128xi32, #tpu.memory_space<vmem>> -> memref<1x128xi32, #tpu.memory_space<vmem>>
    %dma_wait3A_16 = tpu.memref_squeeze %dma_wait3A_15 : memref<1x128xi32, #tpu.memory_space<vmem>> -> memref<128xi32, #tpu.memory_space<vmem>>
    %dma_wait3A_17 = arith.constant 0 : i32
    %dma_wait3A_18 = arith.constant 0 : i32
    %dma_wait3A_19 = tpu.memref_slice %arg2[%dma_wait3A_17, %dma_wait3A_18] : memref<10240x64xf32, #tpu.memory_space<hbm>> -> memref<10240x64xf32, #tpu.memory_space<hbm>>
    tpu.wait_indirect_dma semaphore(%arg12 : memref<!tpu.dma_semaphore, #tpu.memory_space<semaphore_mem>>) src(%dma_wait3A_19 : memref<10240x64xf32, #tpu.memory_space<hbm>>) dst(%arg9 : memref<128x64xf32, #tpu.memory_space<vmem>>)
    %barrier3A_20 = arith.constant 0 : index
    tpu.barrier barrier_id(%barrier3A_20)
    "tpu.region"() ({
      %run_scoped3A = tpu.sem_alloc : memref<!tpu.dma_semaphore, #tpu.memory_space<semaphore_mem>>
      %dma_start3A_21 = arith.constant 0 : i32
      %dma_start3A_22 = tpu.memref_slice %arg6[%arg0, %mul3A_2, %dma_start3A_21] : memref<2x10240x64xf32, #tpu.memory_space<hbm>> -> memref<1x640x64xf32, #tpu.memory_space<hbm>>
      %dma_start3A_23 = tpu.memref_squeeze %dma_start3A_22 : memref<1x640x64xf32, #tpu.memory_space<hbm>> -> memref<640x64xf32, #tpu.memory_space<hbm>>
      %dma_start3A_24 = arith.constant 0 : i32
      %dma_start3A_25 = tpu.memref_slice %arg11[%mul3A_2, %dma_start3A_24] : memref<10240x64xf32, #tpu.memory_space<vmem_shared>> -> memref<640x64xf32, #tpu.memory_space<vmem_shared>>
      tpu.enqueue_dma source(%dma_start3A_25 : memref<640x64xf32, #tpu.memory_space<vmem_shared>>) target(%dma_start3A_23 : memref<640x64xf32, #tpu.memory_space<hbm>>) target_semaphore(%run_scoped3A : memref<!tpu.dma_semaphore, #tpu.memory_space<semaphore_mem>>)
      %dma_wait3A_26 = arith.constant 0 : i32
      %dma_wait3A_27 = tpu.memref_slice %arg6[%arg0, %mul3A_2, %dma_wait3A_26] : memref<2x10240x64xf32, #tpu.memory_space<hbm>> -> memref<1x640x64xf32, #tpu.memory_space<hbm>>
      %dma_wait3A_28 = tpu.memref_squeeze %dma_wait3A_27 : memref<1x640x64xf32, #tpu.memory_space<hbm>> -> memref<640x64xf32, #tpu.memory_space<hbm>>
      %dma_wait3A_29 = arith.constant 0 : i32
      %dma_wait3A_30 = tpu.memref_slice %arg11[%mul3A_2, %dma_wait3A_29] : memref<10240x64xf32, #tpu.memory_space<vmem_shared>> -> memref<640x64xf32, #tpu.memory_space<vmem_shared>>
      tpu.wait_dma2 semaphore(%run_scoped3A : memref<!tpu.dma_semaphore, #tpu.memory_space<semaphore_mem>>) src(%dma_wait3A_30 : memref<640x64xf32, #tpu.memory_space<vmem_shared>>) dst(%dma_wait3A_28 : memref<640x64xf32, #tpu.memory_space<hbm>>)
      tpu.yield
    }) : () -> ()
    return
  }
}

#map = affine_map<(d0, d1) -> (0, 0)>
#map1 = affine_map<(d0, d1) -> (0, 0, 0)>
module attributes {stable_mosaic.version = 14 : i64} {
  func.func @_msgpass(%arg0: i32, %arg1: i32, %arg2: memref<10240x128xf32, #tpu.memory_space<hbm>>, %arg3: memref<32x80x128xi32, #tpu.memory_space<hbm>>, %arg4: memref<32x80x128xi32, #tpu.memory_space<hbm>>, %arg5: memref<640x128xf32, #tpu.memory_space<hbm>>, %arg6: memref<2x10240x128xf32, #tpu.memory_space<hbm>>, %arg7: memref<40x128xi32, #tpu.memory_space<vmem>>, %arg8: memref<40x128xi32, #tpu.memory_space<vmem>>, %arg9: memref<128x128xf32, #tpu.memory_space<vmem>>, %arg10: memref<128x128xf32, #tpu.memory_space<vmem>>, %arg11: memref<10240x128xf32, #tpu.memory_space<vmem_shared>>, %arg12: memref<!tpu.dma_semaphore, #tpu.memory_space<semaphore_mem>>, %arg13: memref<!tpu.dma_semaphore, #tpu.memory_space<semaphore_mem>>, %arg14: memref<!tpu.dma_semaphore, #tpu.memory_space<semaphore_mem>>, %arg15: memref<!tpu.dma_semaphore, #tpu.memory_space<semaphore_mem>>) attributes {dimension_semantics = [#tpu.dimension_semantics<core_parallel>, #tpu.dimension_semantics<subcore_parallel>], iteration_bounds = array<i64: 2, 16>, scalar_prefetch = 0 : i64, scratch_operands = 9 : i64, tpu.core_type = #tpu.core_type<sc_vector_subcore>, window_params = [{transform_indices = #map}, {transform_indices = #map1}, {transform_indices = #map1}, {transform_indices = #map}, {transform_indices = #map1}]} {
    %mul3A = arith.constant 16 : i32
    %mul3A_0 = arith.muli %arg0, %mul3A : i32
    %add3A = arith.addi %mul3A_0, %arg1 : i32
    %mul3A_1 = arith.constant 640 : i32
    %mul3A_2 = arith.muli %arg1, %mul3A_1 : i32
    "tpu.region"() ({
      %run_scoped3A = tpu.sem_alloc : memref<!tpu.dma_semaphore, #tpu.memory_space<semaphore_mem>>
      %dma_start3A_41 = arith.constant 0 : i32
      %dma_start3A_42 = tpu.memref_slice %arg11[%mul3A_2, %dma_start3A_41] : memref<10240x128xf32, #tpu.memory_space<vmem_shared>> -> memref<640x128xf32, #tpu.memory_space<vmem_shared>>
      tpu.enqueue_dma source(%arg5 : memref<640x128xf32, #tpu.memory_space<hbm>>) target(%dma_start3A_42 : memref<640x128xf32, #tpu.memory_space<vmem_shared>>) target_semaphore(%run_scoped3A : memref<!tpu.dma_semaphore, #tpu.memory_space<semaphore_mem>>)
      %dma_wait3A_43 = arith.constant 0 : i32
      %dma_wait3A_44 = tpu.memref_slice %arg11[%mul3A_2, %dma_wait3A_43] : memref<10240x128xf32, #tpu.memory_space<vmem_shared>> -> memref<640x128xf32, #tpu.memory_space<vmem_shared>>
      tpu.wait_dma2 semaphore(%run_scoped3A : memref<!tpu.dma_semaphore, #tpu.memory_space<semaphore_mem>>) src(%arg5 : memref<640x128xf32, #tpu.memory_space<hbm>>) dst(%dma_wait3A_44 : memref<640x128xf32, #tpu.memory_space<vmem_shared>>)
      tpu.yield
    }) : () -> ()
    %barrier3A = arith.constant 0 : index
    tpu.barrier barrier_id(%barrier3A)
    "tpu.region"() ({
      %run_scoped3A = tpu.sem_alloc : memref<!tpu.dma_semaphore, #tpu.memory_space<semaphore_mem>>
      %dma_start3A_41 = arith.constant 0 : i32
      %dma_start3A_42 = arith.constant 0 : i32
      %dma_start3A_43 = tpu.memref_slice %arg3[%add3A, %dma_start3A_41, %dma_start3A_42] : memref<32x80x128xi32, #tpu.memory_space<hbm>> -> memref<1x40x128xi32, #tpu.memory_space<hbm>>
      %dma_start3A_44 = tpu.memref_squeeze %dma_start3A_43 : memref<1x40x128xi32, #tpu.memory_space<hbm>> -> memref<40x128xi32, #tpu.memory_space<hbm>>
      %dma_start3A_45 = arith.constant 0 : i32
      %dma_start3A_46 = arith.constant 0 : i32
      %dma_start3A_47 = tpu.memref_slice %arg3[%add3A, %dma_start3A_45, %dma_start3A_46] : memref<32x80x128xi32, #tpu.memory_space<hbm>> -> memref<1x40x128xi32, #tpu.memory_space<hbm>>
      %dma_start3A_48 = tpu.memref_squeeze %dma_start3A_47 : memref<1x40x128xi32, #tpu.memory_space<hbm>> -> memref<40x128xi32, #tpu.memory_space<hbm>>
      tpu.enqueue_dma source(%dma_start3A_48 : memref<40x128xi32, #tpu.memory_space<hbm>>) target(%arg7 : memref<40x128xi32, #tpu.memory_space<vmem>>) target_semaphore(%run_scoped3A : memref<!tpu.dma_semaphore, #tpu.memory_space<semaphore_mem>>)
      %dma_wait3A_49 = arith.constant 0 : i32
      %dma_wait3A_50 = arith.constant 0 : i32
      %dma_wait3A_51 = tpu.memref_slice %arg3[%add3A, %dma_wait3A_49, %dma_wait3A_50] : memref<32x80x128xi32, #tpu.memory_space<hbm>> -> memref<1x40x128xi32, #tpu.memory_space<hbm>>
      %dma_wait3A_52 = tpu.memref_squeeze %dma_wait3A_51 : memref<1x40x128xi32, #tpu.memory_space<hbm>> -> memref<40x128xi32, #tpu.memory_space<hbm>>
      %dma_wait3A_53 = arith.constant 0 : i32
      %dma_wait3A_54 = arith.constant 0 : i32
      %dma_wait3A_55 = tpu.memref_slice %arg3[%add3A, %dma_wait3A_53, %dma_wait3A_54] : memref<32x80x128xi32, #tpu.memory_space<hbm>> -> memref<1x40x128xi32, #tpu.memory_space<hbm>>
      %dma_wait3A_56 = tpu.memref_squeeze %dma_wait3A_55 : memref<1x40x128xi32, #tpu.memory_space<hbm>> -> memref<40x128xi32, #tpu.memory_space<hbm>>
      tpu.wait_dma2 semaphore(%run_scoped3A : memref<!tpu.dma_semaphore, #tpu.memory_space<semaphore_mem>>) src(%dma_wait3A_56 : memref<40x128xi32, #tpu.memory_space<hbm>>) dst(%arg7 : memref<40x128xi32, #tpu.memory_space<vmem>>)
      tpu.yield
    }) : () -> ()
    "tpu.region"() ({
      %run_scoped3A = tpu.sem_alloc : memref<!tpu.dma_semaphore, #tpu.memory_space<semaphore_mem>>
      %dma_start3A_41 = arith.constant 0 : i32
      %dma_start3A_42 = arith.constant 0 : i32
      %dma_start3A_43 = tpu.memref_slice %arg4[%add3A, %dma_start3A_41, %dma_start3A_42] : memref<32x80x128xi32, #tpu.memory_space<hbm>> -> memref<1x40x128xi32, #tpu.memory_space<hbm>>
      %dma_start3A_44 = tpu.memref_squeeze %dma_start3A_43 : memref<1x40x128xi32, #tpu.memory_space<hbm>> -> memref<40x128xi32, #tpu.memory_space<hbm>>
      %dma_start3A_45 = arith.constant 0 : i32
      %dma_start3A_46 = arith.constant 0 : i32
      %dma_start3A_47 = tpu.memref_slice %arg4[%add3A, %dma_start3A_45, %dma_start3A_46] : memref<32x80x128xi32, #tpu.memory_space<hbm>> -> memref<1x40x128xi32, #tpu.memory_space<hbm>>
      %dma_start3A_48 = tpu.memref_squeeze %dma_start3A_47 : memref<1x40x128xi32, #tpu.memory_space<hbm>> -> memref<40x128xi32, #tpu.memory_space<hbm>>
      tpu.enqueue_dma source(%dma_start3A_48 : memref<40x128xi32, #tpu.memory_space<hbm>>) target(%arg8 : memref<40x128xi32, #tpu.memory_space<vmem>>) target_semaphore(%run_scoped3A : memref<!tpu.dma_semaphore, #tpu.memory_space<semaphore_mem>>)
      %dma_wait3A_49 = arith.constant 0 : i32
      %dma_wait3A_50 = arith.constant 0 : i32
      %dma_wait3A_51 = tpu.memref_slice %arg4[%add3A, %dma_wait3A_49, %dma_wait3A_50] : memref<32x80x128xi32, #tpu.memory_space<hbm>> -> memref<1x40x128xi32, #tpu.memory_space<hbm>>
      %dma_wait3A_52 = tpu.memref_squeeze %dma_wait3A_51 : memref<1x40x128xi32, #tpu.memory_space<hbm>> -> memref<40x128xi32, #tpu.memory_space<hbm>>
      %dma_wait3A_53 = arith.constant 0 : i32
      %dma_wait3A_54 = arith.constant 0 : i32
      %dma_wait3A_55 = tpu.memref_slice %arg4[%add3A, %dma_wait3A_53, %dma_wait3A_54] : memref<32x80x128xi32, #tpu.memory_space<hbm>> -> memref<1x40x128xi32, #tpu.memory_space<hbm>>
      %dma_wait3A_56 = tpu.memref_squeeze %dma_wait3A_55 : memref<1x40x128xi32, #tpu.memory_space<hbm>> -> memref<40x128xi32, #tpu.memory_space<hbm>>
      tpu.wait_dma2 semaphore(%run_scoped3A : memref<!tpu.dma_semaphore, #tpu.memory_space<semaphore_mem>>) src(%dma_wait3A_56 : memref<40x128xi32, #tpu.memory_space<hbm>>) dst(%arg8 : memref<40x128xi32, #tpu.memory_space<vmem>>)
      tpu.yield
    }) : () -> ()
    %dma_start3A = arith.constant 0 : i32
    %dma_start3A_3 = arith.constant 0 : i32
    %dma_start3A_4 = tpu.memref_slice %arg7[%dma_start3A, %dma_start3A_3] : memref<40x128xi32, #tpu.memory_space<vmem>> -> memref<1x128xi32, #tpu.memory_space<vmem>>
    %dma_start3A_5 = tpu.memref_squeeze %dma_start3A_4 : memref<1x128xi32, #tpu.memory_space<vmem>> -> memref<128xi32, #tpu.memory_space<vmem>>
    %dma_start3A_6 = arith.constant 0 : i32
    %dma_start3A_7 = arith.constant 0 : i32
    %dma_start3A_8 = tpu.memref_slice %arg2[%dma_start3A_6, %dma_start3A_7] : memref<10240x128xf32, #tpu.memory_space<hbm>> -> memref<10240x128xf32, #tpu.memory_space<hbm>>
    tpu.enqueue_indirect_dma source(%dma_start3A_8 : memref<10240x128xf32, #tpu.memory_space<hbm>>) target(%arg9 : memref<128x128xf32, #tpu.memory_space<vmem>>) offsets(%dma_start3A_5 : memref<128xi32, #tpu.memory_space<vmem>>) semaphore(%arg12 : memref<!tpu.dma_semaphore, #tpu.memory_space<semaphore_mem>>)
    %scan3A = arith.constant 0 : i32
    %scan3A_9 = arith.constant 0 : i32
    %scan3A_10 = arith.constant 20 : i32
    %scan3A_11 = arith.addi %scan3A_9, %scan3A_10 : i32
    %scan3A_12 = arith.constant 1 : i32
    scf.for %scan3A_41 = %scan3A_9 to %scan3A_11 step %scan3A_12  : i32 {
      %mul3A_42 = arith.constant 2 : i32
      %mul3A_43 = arith.muli %mul3A_42, %scan3A_41 : i32
      %dma_wait3A_44 = arith.constant 0 : i32
      %dma_wait3A_45 = tpu.memref_slice %arg7[%mul3A_43, %dma_wait3A_44] : memref<40x128xi32, #tpu.memory_space<vmem>> -> memref<1x128xi32, #tpu.memory_space<vmem>>
      %dma_wait3A_46 = tpu.memref_squeeze %dma_wait3A_45 : memref<1x128xi32, #tpu.memory_space<vmem>> -> memref<128xi32, #tpu.memory_space<vmem>>
      %dma_wait3A_47 = arith.constant 0 : i32
      %dma_wait3A_48 = arith.constant 0 : i32
      %dma_wait3A_49 = tpu.memref_slice %arg2[%dma_wait3A_47, %dma_wait3A_48] : memref<10240x128xf32, #tpu.memory_space<hbm>> -> memref<10240x128xf32, #tpu.memory_space<hbm>>
      tpu.wait_indirect_dma semaphore(%arg12 : memref<!tpu.dma_semaphore, #tpu.memory_space<semaphore_mem>>) src(%dma_wait3A_49 : memref<10240x128xf32, #tpu.memory_space<hbm>>) dst(%arg9 : memref<128x128xf32, #tpu.memory_space<vmem>>)
      %add3A_50 = arith.constant 1 : i32
      %add3A_51 = arith.addi %mul3A_43, %add3A_50 : i32
      %dma_start3A_52 = arith.constant 0 : i32
      %dma_start3A_53 = tpu.memref_slice %arg7[%add3A_51, %dma_start3A_52] : memref<40x128xi32, #tpu.memory_space<vmem>> -> memref<1x128xi32, #tpu.memory_space<vmem>>
      %dma_start3A_54 = tpu.memref_squeeze %dma_start3A_53 : memref<1x128xi32, #tpu.memory_space<vmem>> -> memref<128xi32, #tpu.memory_space<vmem>>
      %dma_start3A_55 = arith.constant 0 : i32
      %dma_start3A_56 = arith.constant 0 : i32
      %dma_start3A_57 = tpu.memref_slice %arg2[%dma_start3A_55, %dma_start3A_56] : memref<10240x128xf32, #tpu.memory_space<hbm>> -> memref<10240x128xf32, #tpu.memory_space<hbm>>
      tpu.enqueue_indirect_dma source(%dma_start3A_57 : memref<10240x128xf32, #tpu.memory_space<hbm>>) target(%arg10 : memref<128x128xf32, #tpu.memory_space<vmem>>) offsets(%dma_start3A_54 : memref<128xi32, #tpu.memory_space<vmem>>) semaphore(%arg13 : memref<!tpu.dma_semaphore, #tpu.memory_space<semaphore_mem>>)
      "tpu.region"() ({
        %run_scoped3A = tpu.sem_alloc : memref<!tpu.dma_semaphore, #tpu.memory_space<semaphore_mem>>
        %dma_start3A_77 = arith.constant 0 : i32
        %dma_start3A_78 = tpu.memref_slice %arg8[%mul3A_43, %dma_start3A_77] : memref<40x128xi32, #tpu.memory_space<vmem>> -> memref<1x128xi32, #tpu.memory_space<vmem>>
        %dma_start3A_79 = tpu.memref_squeeze %dma_start3A_78 : memref<1x128xi32, #tpu.memory_space<vmem>> -> memref<128xi32, #tpu.memory_space<vmem>>
        %dma_start3A_80 = arith.constant 0 : i32
        %dma_start3A_81 = arith.constant 0 : i32
        %dma_start3A_82 = tpu.memref_slice %arg11[%dma_start3A_80, %dma_start3A_81] : memref<10240x128xf32, #tpu.memory_space<vmem_shared>> -> memref<10240x128xf32, #tpu.memory_space<vmem_shared>>
        tpu.enqueue_indirect_dma source(%arg9 : memref<128x128xf32, #tpu.memory_space<vmem>>) target(%dma_start3A_82 : memref<10240x128xf32, #tpu.memory_space<vmem_shared>>) offsets(%dma_start3A_79 : memref<128xi32, #tpu.memory_space<vmem>>) semaphore(%run_scoped3A : memref<!tpu.dma_semaphore, #tpu.memory_space<semaphore_mem>>) {add = true}
        %dma_wait3A_83 = arith.constant 0 : i32
        %dma_wait3A_84 = tpu.memref_slice %arg8[%mul3A_43, %dma_wait3A_83] : memref<40x128xi32, #tpu.memory_space<vmem>> -> memref<1x128xi32, #tpu.memory_space<vmem>>
        %dma_wait3A_85 = tpu.memref_squeeze %dma_wait3A_84 : memref<1x128xi32, #tpu.memory_space<vmem>> -> memref<128xi32, #tpu.memory_space<vmem>>
        %dma_wait3A_86 = arith.constant 0 : i32
        %dma_wait3A_87 = arith.constant 0 : i32
        %dma_wait3A_88 = tpu.memref_slice %arg11[%dma_wait3A_86, %dma_wait3A_87] : memref<10240x128xf32, #tpu.memory_space<vmem_shared>> -> memref<10240x128xf32, #tpu.memory_space<vmem_shared>>
        tpu.wait_indirect_dma semaphore(%run_scoped3A : memref<!tpu.dma_semaphore, #tpu.memory_space<semaphore_mem>>) src(%arg9 : memref<128x128xf32, #tpu.memory_space<vmem>>) dst(%dma_wait3A_88 : memref<10240x128xf32, #tpu.memory_space<vmem_shared>>)
        tpu.yield
      }) : () -> ()
      %add3A_58 = arith.constant 1 : i32
      %add3A_59 = arith.addi %mul3A_43, %add3A_58 : i32
      %dma_wait3A_60 = arith.constant 0 : i32
      %dma_wait3A_61 = tpu.memref_slice %arg7[%add3A_59, %dma_wait3A_60] : memref<40x128xi32, #tpu.memory_space<vmem>> -> memref<1x128xi32, #tpu.memory_space<vmem>>
      %dma_wait3A_62 = tpu.memref_squeeze %dma_wait3A_61 : memref<1x128xi32, #tpu.memory_space<vmem>> -> memref<128xi32, #tpu.memory_space<vmem>>
      %dma_wait3A_63 = arith.constant 0 : i32
      %dma_wait3A_64 = arith.constant 0 : i32
      %dma_wait3A_65 = tpu.memref_slice %arg2[%dma_wait3A_63, %dma_wait3A_64] : memref<10240x128xf32, #tpu.memory_space<hbm>> -> memref<10240x128xf32, #tpu.memory_space<hbm>>
      tpu.wait_indirect_dma semaphore(%arg13 : memref<!tpu.dma_semaphore, #tpu.memory_space<semaphore_mem>>) src(%dma_wait3A_65 : memref<10240x128xf32, #tpu.memory_space<hbm>>) dst(%arg10 : memref<128x128xf32, #tpu.memory_space<vmem>>)
      %add3A_66 = arith.constant 2 : i32
      %add3A_67 = arith.addi %mul3A_43, %add3A_66 : i32
      %min3A = arith.constant 39 : i32
      %min3A_68 = arith.minsi %add3A_67, %min3A : i32
      %dma_start3A_69 = arith.constant 0 : i32
      %dma_start3A_70 = tpu.memref_slice %arg7[%min3A_68, %dma_start3A_69] : memref<40x128xi32, #tpu.memory_space<vmem>> -> memref<1x128xi32, #tpu.memory_space<vmem>>
      %dma_start3A_71 = tpu.memref_squeeze %dma_start3A_70 : memref<1x128xi32, #tpu.memory_space<vmem>> -> memref<128xi32, #tpu.memory_space<vmem>>
      %dma_start3A_72 = arith.constant 0 : i32
      %dma_start3A_73 = arith.constant 0 : i32
      %dma_start3A_74 = tpu.memref_slice %arg2[%dma_start3A_72, %dma_start3A_73] : memref<10240x128xf32, #tpu.memory_space<hbm>> -> memref<10240x128xf32, #tpu.memory_space<hbm>>
      tpu.enqueue_indirect_dma source(%dma_start3A_74 : memref<10240x128xf32, #tpu.memory_space<hbm>>) target(%arg9 : memref<128x128xf32, #tpu.memory_space<vmem>>) offsets(%dma_start3A_71 : memref<128xi32, #tpu.memory_space<vmem>>) semaphore(%arg12 : memref<!tpu.dma_semaphore, #tpu.memory_space<semaphore_mem>>)
      %add3A_75 = arith.constant 1 : i32
      %add3A_76 = arith.addi %mul3A_43, %add3A_75 : i32
      "tpu.region"() ({
        %run_scoped3A = tpu.sem_alloc : memref<!tpu.dma_semaphore, #tpu.memory_space<semaphore_mem>>
        %dma_start3A_77 = arith.constant 0 : i32
        %dma_start3A_78 = tpu.memref_slice %arg8[%add3A_76, %dma_start3A_77] : memref<40x128xi32, #tpu.memory_space<vmem>> -> memref<1x128xi32, #tpu.memory_space<vmem>>
        %dma_start3A_79 = tpu.memref_squeeze %dma_start3A_78 : memref<1x128xi32, #tpu.memory_space<vmem>> -> memref<128xi32, #tpu.memory_space<vmem>>
        %dma_start3A_80 = arith.constant 0 : i32
        %dma_start3A_81 = arith.constant 0 : i32
        %dma_start3A_82 = tpu.memref_slice %arg11[%dma_start3A_80, %dma_start3A_81] : memref<10240x128xf32, #tpu.memory_space<vmem_shared>> -> memref<10240x128xf32, #tpu.memory_space<vmem_shared>>
        tpu.enqueue_indirect_dma source(%arg10 : memref<128x128xf32, #tpu.memory_space<vmem>>) target(%dma_start3A_82 : memref<10240x128xf32, #tpu.memory_space<vmem_shared>>) offsets(%dma_start3A_79 : memref<128xi32, #tpu.memory_space<vmem>>) semaphore(%run_scoped3A : memref<!tpu.dma_semaphore, #tpu.memory_space<semaphore_mem>>) {add = true}
        %dma_wait3A_83 = arith.constant 0 : i32
        %dma_wait3A_84 = tpu.memref_slice %arg8[%add3A_76, %dma_wait3A_83] : memref<40x128xi32, #tpu.memory_space<vmem>> -> memref<1x128xi32, #tpu.memory_space<vmem>>
        %dma_wait3A_85 = tpu.memref_squeeze %dma_wait3A_84 : memref<1x128xi32, #tpu.memory_space<vmem>> -> memref<128xi32, #tpu.memory_space<vmem>>
        %dma_wait3A_86 = arith.constant 0 : i32
        %dma_wait3A_87 = arith.constant 0 : i32
        %dma_wait3A_88 = tpu.memref_slice %arg11[%dma_wait3A_86, %dma_wait3A_87] : memref<10240x128xf32, #tpu.memory_space<vmem_shared>> -> memref<10240x128xf32, #tpu.memory_space<vmem_shared>>
        tpu.wait_indirect_dma semaphore(%run_scoped3A : memref<!tpu.dma_semaphore, #tpu.memory_space<semaphore_mem>>) src(%arg10 : memref<128x128xf32, #tpu.memory_space<vmem>>) dst(%dma_wait3A_88 : memref<10240x128xf32, #tpu.memory_space<vmem_shared>>)
        tpu.yield
      }) : () -> ()
    }
    %scan3A_13 = arith.constant 20 : i32
    %dma_wait3A = arith.constant 39 : i32
    %dma_wait3A_14 = arith.constant 0 : i32
    %dma_wait3A_15 = tpu.memref_slice %arg7[%dma_wait3A, %dma_wait3A_14] : memref<40x128xi32, #tpu.memory_space<vmem>> -> memref<1x128xi32, #tpu.memory_space<vmem>>
    %dma_wait3A_16 = tpu.memref_squeeze %dma_wait3A_15 : memref<1x128xi32, #tpu.memory_space<vmem>> -> memref<128xi32, #tpu.memory_space<vmem>>
    %dma_wait3A_17 = arith.constant 0 : i32
    %dma_wait3A_18 = arith.constant 0 : i32
    %dma_wait3A_19 = tpu.memref_slice %arg2[%dma_wait3A_17, %dma_wait3A_18] : memref<10240x128xf32, #tpu.memory_space<hbm>> -> memref<10240x128xf32, #tpu.memory_space<hbm>>
    tpu.wait_indirect_dma semaphore(%arg12 : memref<!tpu.dma_semaphore, #tpu.memory_space<semaphore_mem>>) src(%dma_wait3A_19 : memref<10240x128xf32, #tpu.memory_space<hbm>>) dst(%arg9 : memref<128x128xf32, #tpu.memory_space<vmem>>)
    "tpu.region"() ({
      %run_scoped3A = tpu.sem_alloc : memref<!tpu.dma_semaphore, #tpu.memory_space<semaphore_mem>>
      %dma_start3A_41 = arith.constant 40 : i32
      %dma_start3A_42 = arith.constant 0 : i32
      %dma_start3A_43 = tpu.memref_slice %arg3[%add3A, %dma_start3A_41, %dma_start3A_42] : memref<32x80x128xi32, #tpu.memory_space<hbm>> -> memref<1x40x128xi32, #tpu.memory_space<hbm>>
      %dma_start3A_44 = tpu.memref_squeeze %dma_start3A_43 : memref<1x40x128xi32, #tpu.memory_space<hbm>> -> memref<40x128xi32, #tpu.memory_space<hbm>>
      %dma_start3A_45 = arith.constant 40 : i32
      %dma_start3A_46 = arith.constant 0 : i32
      %dma_start3A_47 = tpu.memref_slice %arg3[%add3A, %dma_start3A_45, %dma_start3A_46] : memref<32x80x128xi32, #tpu.memory_space<hbm>> -> memref<1x40x128xi32, #tpu.memory_space<hbm>>
      %dma_start3A_48 = tpu.memref_squeeze %dma_start3A_47 : memref<1x40x128xi32, #tpu.memory_space<hbm>> -> memref<40x128xi32, #tpu.memory_space<hbm>>
      tpu.enqueue_dma source(%dma_start3A_48 : memref<40x128xi32, #tpu.memory_space<hbm>>) target(%arg7 : memref<40x128xi32, #tpu.memory_space<vmem>>) target_semaphore(%run_scoped3A : memref<!tpu.dma_semaphore, #tpu.memory_space<semaphore_mem>>)
      %dma_wait3A_49 = arith.constant 40 : i32
      %dma_wait3A_50 = arith.constant 0 : i32
      %dma_wait3A_51 = tpu.memref_slice %arg3[%add3A, %dma_wait3A_49, %dma_wait3A_50] : memref<32x80x128xi32, #tpu.memory_space<hbm>> -> memref<1x40x128xi32, #tpu.memory_space<hbm>>
      %dma_wait3A_52 = tpu.memref_squeeze %dma_wait3A_51 : memref<1x40x128xi32, #tpu.memory_space<hbm>> -> memref<40x128xi32, #tpu.memory_space<hbm>>
      %dma_wait3A_53 = arith.constant 40 : i32
      %dma_wait3A_54 = arith.constant 0 : i32
      %dma_wait3A_55 = tpu.memref_slice %arg3[%add3A, %dma_wait3A_53, %dma_wait3A_54] : memref<32x80x128xi32, #tpu.memory_space<hbm>> -> memref<1x40x128xi32, #tpu.memory_space<hbm>>
      %dma_wait3A_56 = tpu.memref_squeeze %dma_wait3A_55 : memref<1x40x128xi32, #tpu.memory_space<hbm>> -> memref<40x128xi32, #tpu.memory_space<hbm>>
      tpu.wait_dma2 semaphore(%run_scoped3A : memref<!tpu.dma_semaphore, #tpu.memory_space<semaphore_mem>>) src(%dma_wait3A_56 : memref<40x128xi32, #tpu.memory_space<hbm>>) dst(%arg7 : memref<40x128xi32, #tpu.memory_space<vmem>>)
      tpu.yield
    }) : () -> ()
    "tpu.region"() ({
      %run_scoped3A = tpu.sem_alloc : memref<!tpu.dma_semaphore, #tpu.memory_space<semaphore_mem>>
      %dma_start3A_41 = arith.constant 40 : i32
      %dma_start3A_42 = arith.constant 0 : i32
      %dma_start3A_43 = tpu.memref_slice %arg4[%add3A, %dma_start3A_41, %dma_start3A_42] : memref<32x80x128xi32, #tpu.memory_space<hbm>> -> memref<1x40x128xi32, #tpu.memory_space<hbm>>
      %dma_start3A_44 = tpu.memref_squeeze %dma_start3A_43 : memref<1x40x128xi32, #tpu.memory_space<hbm>> -> memref<40x128xi32, #tpu.memory_space<hbm>>
      %dma_start3A_45 = arith.constant 40 : i32
      %dma_start3A_46 = arith.constant 0 : i32
      %dma_start3A_47 = tpu.memref_slice %arg4[%add3A, %dma_start3A_45, %dma_start3A_46] : memref<32x80x128xi32, #tpu.memory_space<hbm>> -> memref<1x40x128xi32, #tpu.memory_space<hbm>>
      %dma_start3A_48 = tpu.memref_squeeze %dma_start3A_47 : memref<1x40x128xi32, #tpu.memory_space<hbm>> -> memref<40x128xi32, #tpu.memory_space<hbm>>
      tpu.enqueue_dma source(%dma_start3A_48 : memref<40x128xi32, #tpu.memory_space<hbm>>) target(%arg8 : memref<40x128xi32, #tpu.memory_space<vmem>>) target_semaphore(%run_scoped3A : memref<!tpu.dma_semaphore, #tpu.memory_space<semaphore_mem>>)
      %dma_wait3A_49 = arith.constant 40 : i32
      %dma_wait3A_50 = arith.constant 0 : i32
      %dma_wait3A_51 = tpu.memref_slice %arg4[%add3A, %dma_wait3A_49, %dma_wait3A_50] : memref<32x80x128xi32, #tpu.memory_space<hbm>> -> memref<1x40x128xi32, #tpu.memory_space<hbm>>
      %dma_wait3A_52 = tpu.memref_squeeze %dma_wait3A_51 : memref<1x40x128xi32, #tpu.memory_space<hbm>> -> memref<40x128xi32, #tpu.memory_space<hbm>>
      %dma_wait3A_53 = arith.constant 40 : i32
      %dma_wait3A_54 = arith.constant 0 : i32
      %dma_wait3A_55 = tpu.memref_slice %arg4[%add3A, %dma_wait3A_53, %dma_wait3A_54] : memref<32x80x128xi32, #tpu.memory_space<hbm>> -> memref<1x40x128xi32, #tpu.memory_space<hbm>>
      %dma_wait3A_56 = tpu.memref_squeeze %dma_wait3A_55 : memref<1x40x128xi32, #tpu.memory_space<hbm>> -> memref<40x128xi32, #tpu.memory_space<hbm>>
      tpu.wait_dma2 semaphore(%run_scoped3A : memref<!tpu.dma_semaphore, #tpu.memory_space<semaphore_mem>>) src(%dma_wait3A_56 : memref<40x128xi32, #tpu.memory_space<hbm>>) dst(%arg8 : memref<40x128xi32, #tpu.memory_space<vmem>>)
      tpu.yield
    }) : () -> ()
    %dma_start3A_20 = arith.constant 0 : i32
    %dma_start3A_21 = arith.constant 0 : i32
    %dma_start3A_22 = tpu.memref_slice %arg7[%dma_start3A_20, %dma_start3A_21] : memref<40x128xi32, #tpu.memory_space<vmem>> -> memref<1x128xi32, #tpu.memory_space<vmem>>
    %dma_start3A_23 = tpu.memref_squeeze %dma_start3A_22 : memref<1x128xi32, #tpu.memory_space<vmem>> -> memref<128xi32, #tpu.memory_space<vmem>>
    %dma_start3A_24 = arith.constant 0 : i32
    %dma_start3A_25 = arith.constant 0 : i32
    %dma_start3A_26 = tpu.memref_slice %arg2[%dma_start3A_24, %dma_start3A_25] : memref<10240x128xf32, #tpu.memory_space<hbm>> -> memref<10240x128xf32, #tpu.memory_space<hbm>>
    tpu.enqueue_indirect_dma source(%dma_start3A_26 : memref<10240x128xf32, #tpu.memory_space<hbm>>) target(%arg9 : memref<128x128xf32, #tpu.memory_space<vmem>>) offsets(%dma_start3A_23 : memref<128xi32, #tpu.memory_space<vmem>>) semaphore(%arg12 : memref<!tpu.dma_semaphore, #tpu.memory_space<semaphore_mem>>)
    %scan3A_27 = arith.constant 0 : i32
    %scan3A_28 = arith.constant 0 : i32
    %scan3A_29 = arith.constant 20 : i32
    %scan3A_30 = arith.addi %scan3A_28, %scan3A_29 : i32
    %scan3A_31 = arith.constant 1 : i32
    scf.for %scan3A_41 = %scan3A_28 to %scan3A_30 step %scan3A_31  : i32 {
      %mul3A_42 = arith.constant 2 : i32
      %mul3A_43 = arith.muli %mul3A_42, %scan3A_41 : i32
      %dma_wait3A_44 = arith.constant 0 : i32
      %dma_wait3A_45 = tpu.memref_slice %arg7[%mul3A_43, %dma_wait3A_44] : memref<40x128xi32, #tpu.memory_space<vmem>> -> memref<1x128xi32, #tpu.memory_space<vmem>>
      %dma_wait3A_46 = tpu.memref_squeeze %dma_wait3A_45 : memref<1x128xi32, #tpu.memory_space<vmem>> -> memref<128xi32, #tpu.memory_space<vmem>>
      %dma_wait3A_47 = arith.constant 0 : i32
      %dma_wait3A_48 = arith.constant 0 : i32
      %dma_wait3A_49 = tpu.memref_slice %arg2[%dma_wait3A_47, %dma_wait3A_48] : memref<10240x128xf32, #tpu.memory_space<hbm>> -> memref<10240x128xf32, #tpu.memory_space<hbm>>
      tpu.wait_indirect_dma semaphore(%arg12 : memref<!tpu.dma_semaphore, #tpu.memory_space<semaphore_mem>>) src(%dma_wait3A_49 : memref<10240x128xf32, #tpu.memory_space<hbm>>) dst(%arg9 : memref<128x128xf32, #tpu.memory_space<vmem>>)
      %add3A_50 = arith.constant 1 : i32
      %add3A_51 = arith.addi %mul3A_43, %add3A_50 : i32
      %dma_start3A_52 = arith.constant 0 : i32
      %dma_start3A_53 = tpu.memref_slice %arg7[%add3A_51, %dma_start3A_52] : memref<40x128xi32, #tpu.memory_space<vmem>> -> memref<1x128xi32, #tpu.memory_space<vmem>>
      %dma_start3A_54 = tpu.memref_squeeze %dma_start3A_53 : memref<1x128xi32, #tpu.memory_space<vmem>> -> memref<128xi32, #tpu.memory_space<vmem>>
      %dma_start3A_55 = arith.constant 0 : i32
      %dma_start3A_56 = arith.constant 0 : i32
      %dma_start3A_57 = tpu.memref_slice %arg2[%dma_start3A_55, %dma_start3A_56] : memref<10240x128xf32, #tpu.memory_space<hbm>> -> memref<10240x128xf32, #tpu.memory_space<hbm>>
      tpu.enqueue_indirect_dma source(%dma_start3A_57 : memref<10240x128xf32, #tpu.memory_space<hbm>>) target(%arg10 : memref<128x128xf32, #tpu.memory_space<vmem>>) offsets(%dma_start3A_54 : memref<128xi32, #tpu.memory_space<vmem>>) semaphore(%arg13 : memref<!tpu.dma_semaphore, #tpu.memory_space<semaphore_mem>>)
      "tpu.region"() ({
        %run_scoped3A = tpu.sem_alloc : memref<!tpu.dma_semaphore, #tpu.memory_space<semaphore_mem>>
        %dma_start3A_77 = arith.constant 0 : i32
        %dma_start3A_78 = tpu.memref_slice %arg8[%mul3A_43, %dma_start3A_77] : memref<40x128xi32, #tpu.memory_space<vmem>> -> memref<1x128xi32, #tpu.memory_space<vmem>>
        %dma_start3A_79 = tpu.memref_squeeze %dma_start3A_78 : memref<1x128xi32, #tpu.memory_space<vmem>> -> memref<128xi32, #tpu.memory_space<vmem>>
        %dma_start3A_80 = arith.constant 0 : i32
        %dma_start3A_81 = arith.constant 0 : i32
        %dma_start3A_82 = tpu.memref_slice %arg11[%dma_start3A_80, %dma_start3A_81] : memref<10240x128xf32, #tpu.memory_space<vmem_shared>> -> memref<10240x128xf32, #tpu.memory_space<vmem_shared>>
        tpu.enqueue_indirect_dma source(%arg9 : memref<128x128xf32, #tpu.memory_space<vmem>>) target(%dma_start3A_82 : memref<10240x128xf32, #tpu.memory_space<vmem_shared>>) offsets(%dma_start3A_79 : memref<128xi32, #tpu.memory_space<vmem>>) semaphore(%run_scoped3A : memref<!tpu.dma_semaphore, #tpu.memory_space<semaphore_mem>>) {add = true}
        %dma_wait3A_83 = arith.constant 0 : i32
        %dma_wait3A_84 = tpu.memref_slice %arg8[%mul3A_43, %dma_wait3A_83] : memref<40x128xi32, #tpu.memory_space<vmem>> -> memref<1x128xi32, #tpu.memory_space<vmem>>
        %dma_wait3A_85 = tpu.memref_squeeze %dma_wait3A_84 : memref<1x128xi32, #tpu.memory_space<vmem>> -> memref<128xi32, #tpu.memory_space<vmem>>
        %dma_wait3A_86 = arith.constant 0 : i32
        %dma_wait3A_87 = arith.constant 0 : i32
        %dma_wait3A_88 = tpu.memref_slice %arg11[%dma_wait3A_86, %dma_wait3A_87] : memref<10240x128xf32, #tpu.memory_space<vmem_shared>> -> memref<10240x128xf32, #tpu.memory_space<vmem_shared>>
        tpu.wait_indirect_dma semaphore(%run_scoped3A : memref<!tpu.dma_semaphore, #tpu.memory_space<semaphore_mem>>) src(%arg9 : memref<128x128xf32, #tpu.memory_space<vmem>>) dst(%dma_wait3A_88 : memref<10240x128xf32, #tpu.memory_space<vmem_shared>>)
        tpu.yield
      }) : () -> ()
      %add3A_58 = arith.constant 1 : i32
      %add3A_59 = arith.addi %mul3A_43, %add3A_58 : i32
      %dma_wait3A_60 = arith.constant 0 : i32
      %dma_wait3A_61 = tpu.memref_slice %arg7[%add3A_59, %dma_wait3A_60] : memref<40x128xi32, #tpu.memory_space<vmem>> -> memref<1x128xi32, #tpu.memory_space<vmem>>
      %dma_wait3A_62 = tpu.memref_squeeze %dma_wait3A_61 : memref<1x128xi32, #tpu.memory_space<vmem>> -> memref<128xi32, #tpu.memory_space<vmem>>
      %dma_wait3A_63 = arith.constant 0 : i32
      %dma_wait3A_64 = arith.constant 0 : i32
      %dma_wait3A_65 = tpu.memref_slice %arg2[%dma_wait3A_63, %dma_wait3A_64] : memref<10240x128xf32, #tpu.memory_space<hbm>> -> memref<10240x128xf32, #tpu.memory_space<hbm>>
      tpu.wait_indirect_dma semaphore(%arg13 : memref<!tpu.dma_semaphore, #tpu.memory_space<semaphore_mem>>) src(%dma_wait3A_65 : memref<10240x128xf32, #tpu.memory_space<hbm>>) dst(%arg10 : memref<128x128xf32, #tpu.memory_space<vmem>>)
      %add3A_66 = arith.constant 2 : i32
      %add3A_67 = arith.addi %mul3A_43, %add3A_66 : i32
      %min3A = arith.constant 39 : i32
      %min3A_68 = arith.minsi %add3A_67, %min3A : i32
      %dma_start3A_69 = arith.constant 0 : i32
      %dma_start3A_70 = tpu.memref_slice %arg7[%min3A_68, %dma_start3A_69] : memref<40x128xi32, #tpu.memory_space<vmem>> -> memref<1x128xi32, #tpu.memory_space<vmem>>
      %dma_start3A_71 = tpu.memref_squeeze %dma_start3A_70 : memref<1x128xi32, #tpu.memory_space<vmem>> -> memref<128xi32, #tpu.memory_space<vmem>>
      %dma_start3A_72 = arith.constant 0 : i32
      %dma_start3A_73 = arith.constant 0 : i32
      %dma_start3A_74 = tpu.memref_slice %arg2[%dma_start3A_72, %dma_start3A_73] : memref<10240x128xf32, #tpu.memory_space<hbm>> -> memref<10240x128xf32, #tpu.memory_space<hbm>>
      tpu.enqueue_indirect_dma source(%dma_start3A_74 : memref<10240x128xf32, #tpu.memory_space<hbm>>) target(%arg9 : memref<128x128xf32, #tpu.memory_space<vmem>>) offsets(%dma_start3A_71 : memref<128xi32, #tpu.memory_space<vmem>>) semaphore(%arg12 : memref<!tpu.dma_semaphore, #tpu.memory_space<semaphore_mem>>)
      %add3A_75 = arith.constant 1 : i32
      %add3A_76 = arith.addi %mul3A_43, %add3A_75 : i32
      "tpu.region"() ({
        %run_scoped3A = tpu.sem_alloc : memref<!tpu.dma_semaphore, #tpu.memory_space<semaphore_mem>>
        %dma_start3A_77 = arith.constant 0 : i32
        %dma_start3A_78 = tpu.memref_slice %arg8[%add3A_76, %dma_start3A_77] : memref<40x128xi32, #tpu.memory_space<vmem>> -> memref<1x128xi32, #tpu.memory_space<vmem>>
        %dma_start3A_79 = tpu.memref_squeeze %dma_start3A_78 : memref<1x128xi32, #tpu.memory_space<vmem>> -> memref<128xi32, #tpu.memory_space<vmem>>
        %dma_start3A_80 = arith.constant 0 : i32
        %dma_start3A_81 = arith.constant 0 : i32
        %dma_start3A_82 = tpu.memref_slice %arg11[%dma_start3A_80, %dma_start3A_81] : memref<10240x128xf32, #tpu.memory_space<vmem_shared>> -> memref<10240x128xf32, #tpu.memory_space<vmem_shared>>
        tpu.enqueue_indirect_dma source(%arg10 : memref<128x128xf32, #tpu.memory_space<vmem>>) target(%dma_start3A_82 : memref<10240x128xf32, #tpu.memory_space<vmem_shared>>) offsets(%dma_start3A_79 : memref<128xi32, #tpu.memory_space<vmem>>) semaphore(%run_scoped3A : memref<!tpu.dma_semaphore, #tpu.memory_space<semaphore_mem>>) {add = true}
        %dma_wait3A_83 = arith.constant 0 : i32
        %dma_wait3A_84 = tpu.memref_slice %arg8[%add3A_76, %dma_wait3A_83] : memref<40x128xi32, #tpu.memory_space<vmem>> -> memref<1x128xi32, #tpu.memory_space<vmem>>
        %dma_wait3A_85 = tpu.memref_squeeze %dma_wait3A_84 : memref<1x128xi32, #tpu.memory_space<vmem>> -> memref<128xi32, #tpu.memory_space<vmem>>
        %dma_wait3A_86 = arith.constant 0 : i32
        %dma_wait3A_87 = arith.constant 0 : i32
        %dma_wait3A_88 = tpu.memref_slice %arg11[%dma_wait3A_86, %dma_wait3A_87] : memref<10240x128xf32, #tpu.memory_space<vmem_shared>> -> memref<10240x128xf32, #tpu.memory_space<vmem_shared>>
        tpu.wait_indirect_dma semaphore(%run_scoped3A : memref<!tpu.dma_semaphore, #tpu.memory_space<semaphore_mem>>) src(%arg10 : memref<128x128xf32, #tpu.memory_space<vmem>>) dst(%dma_wait3A_88 : memref<10240x128xf32, #tpu.memory_space<vmem_shared>>)
        tpu.yield
      }) : () -> ()
    }
    %scan3A_32 = arith.constant 20 : i32
    %dma_wait3A_33 = arith.constant 39 : i32
    %dma_wait3A_34 = arith.constant 0 : i32
    %dma_wait3A_35 = tpu.memref_slice %arg7[%dma_wait3A_33, %dma_wait3A_34] : memref<40x128xi32, #tpu.memory_space<vmem>> -> memref<1x128xi32, #tpu.memory_space<vmem>>
    %dma_wait3A_36 = tpu.memref_squeeze %dma_wait3A_35 : memref<1x128xi32, #tpu.memory_space<vmem>> -> memref<128xi32, #tpu.memory_space<vmem>>
    %dma_wait3A_37 = arith.constant 0 : i32
    %dma_wait3A_38 = arith.constant 0 : i32
    %dma_wait3A_39 = tpu.memref_slice %arg2[%dma_wait3A_37, %dma_wait3A_38] : memref<10240x128xf32, #tpu.memory_space<hbm>> -> memref<10240x128xf32, #tpu.memory_space<hbm>>
    tpu.wait_indirect_dma semaphore(%arg12 : memref<!tpu.dma_semaphore, #tpu.memory_space<semaphore_mem>>) src(%dma_wait3A_39 : memref<10240x128xf32, #tpu.memory_space<hbm>>) dst(%arg9 : memref<128x128xf32, #tpu.memory_space<vmem>>)
    %barrier3A_40 = arith.constant 0 : index
    tpu.barrier barrier_id(%barrier3A_40)
    "tpu.region"() ({
      %run_scoped3A = tpu.sem_alloc : memref<!tpu.dma_semaphore, #tpu.memory_space<semaphore_mem>>
      %dma_start3A_41 = arith.constant 0 : i32
      %dma_start3A_42 = tpu.memref_slice %arg6[%arg0, %mul3A_2, %dma_start3A_41] : memref<2x10240x128xf32, #tpu.memory_space<hbm>> -> memref<1x640x128xf32, #tpu.memory_space<hbm>>
      %dma_start3A_43 = tpu.memref_squeeze %dma_start3A_42 : memref<1x640x128xf32, #tpu.memory_space<hbm>> -> memref<640x128xf32, #tpu.memory_space<hbm>>
      %dma_start3A_44 = arith.constant 0 : i32
      %dma_start3A_45 = tpu.memref_slice %arg11[%mul3A_2, %dma_start3A_44] : memref<10240x128xf32, #tpu.memory_space<vmem_shared>> -> memref<640x128xf32, #tpu.memory_space<vmem_shared>>
      tpu.enqueue_dma source(%dma_start3A_45 : memref<640x128xf32, #tpu.memory_space<vmem_shared>>) target(%dma_start3A_43 : memref<640x128xf32, #tpu.memory_space<hbm>>) target_semaphore(%run_scoped3A : memref<!tpu.dma_semaphore, #tpu.memory_space<semaphore_mem>>)
      %dma_wait3A_46 = arith.constant 0 : i32
      %dma_wait3A_47 = tpu.memref_slice %arg6[%arg0, %mul3A_2, %dma_wait3A_46] : memref<2x10240x128xf32, #tpu.memory_space<hbm>> -> memref<1x640x128xf32, #tpu.memory_space<hbm>>
      %dma_wait3A_48 = tpu.memref_squeeze %dma_wait3A_47 : memref<1x640x128xf32, #tpu.memory_space<hbm>> -> memref<640x128xf32, #tpu.memory_space<hbm>>
      %dma_wait3A_49 = arith.constant 0 : i32
      %dma_wait3A_50 = tpu.memref_slice %arg11[%mul3A_2, %dma_wait3A_49] : memref<10240x128xf32, #tpu.memory_space<vmem_shared>> -> memref<640x128xf32, #tpu.memory_space<vmem_shared>>
      tpu.wait_dma2 semaphore(%run_scoped3A : memref<!tpu.dma_semaphore, #tpu.memory_space<semaphore_mem>>) src(%dma_wait3A_50 : memref<640x128xf32, #tpu.memory_space<vmem_shared>>) dst(%dma_wait3A_48 : memref<640x128xf32, #tpu.memory_space<hbm>>)
      tpu.yield
    }) : () -> ()
    return
  }
}

#map = affine_map<(d0, d1) -> (0, 0)>
#map1 = affine_map<(d0, d1) -> (0, 0, 0)>
module attributes {stable_mosaic.version = 14 : i64} {
  func.func @_msgpass(%arg0: i32, %arg1: i32, %arg2: memref<10240x128xf32, #tpu.memory_space<hbm>>, %arg3: memref<32x80x128xi32, #tpu.memory_space<hbm>>, %arg4: memref<32x80x128xi32, #tpu.memory_space<hbm>>, %arg5: memref<640x128xf32, #tpu.memory_space<hbm>>, %arg6: memref<2x10240x128xf32, #tpu.memory_space<hbm>>, %arg7: memref<40x128xi32, #tpu.memory_space<vmem>>, %arg8: memref<40x128xi32, #tpu.memory_space<vmem>>, %arg9: memref<128x128xf32, #tpu.memory_space<vmem>>, %arg10: memref<128x128xf32, #tpu.memory_space<vmem>>, %arg11: memref<10240x128xf32, #tpu.memory_space<vmem_shared>>, %arg12: memref<!tpu.dma_semaphore, #tpu.memory_space<semaphore_mem>>, %arg13: memref<!tpu.dma_semaphore, #tpu.memory_space<semaphore_mem>>, %arg14: memref<!tpu.dma_semaphore, #tpu.memory_space<semaphore_mem>>, %arg15: memref<!tpu.dma_semaphore, #tpu.memory_space<semaphore_mem>>) attributes {dimension_semantics = [#tpu.dimension_semantics<core_parallel>, #tpu.dimension_semantics<subcore_parallel>], iteration_bounds = array<i64: 2, 16>, scalar_prefetch = 0 : i64, scratch_operands = 9 : i64, tpu.core_type = #tpu.core_type<sc_vector_subcore>, window_params = [{transform_indices = #map}, {transform_indices = #map1}, {transform_indices = #map1}, {transform_indices = #map}, {transform_indices = #map1}]} {
    %mul3A = arith.constant 16 : i32
    %mul3A_0 = arith.muli %arg0, %mul3A : i32
    %add3A = arith.addi %mul3A_0, %arg1 : i32
    %mul3A_1 = arith.constant 640 : i32
    %mul3A_2 = arith.muli %arg1, %mul3A_1 : i32
    "tpu.region"() ({
      %run_scoped3A = tpu.sem_alloc : memref<!tpu.dma_semaphore, #tpu.memory_space<semaphore_mem>>
      %dma_start3A_41 = arith.constant 0 : i32
      %dma_start3A_42 = tpu.memref_slice %arg11[%mul3A_2, %dma_start3A_41] : memref<10240x128xf32, #tpu.memory_space<vmem_shared>> -> memref<640x128xf32, #tpu.memory_space<vmem_shared>>
      tpu.enqueue_dma source(%arg5 : memref<640x128xf32, #tpu.memory_space<hbm>>) target(%dma_start3A_42 : memref<640x128xf32, #tpu.memory_space<vmem_shared>>) target_semaphore(%run_scoped3A : memref<!tpu.dma_semaphore, #tpu.memory_space<semaphore_mem>>)
      %dma_wait3A_43 = arith.constant 0 : i32
      %dma_wait3A_44 = tpu.memref_slice %arg11[%mul3A_2, %dma_wait3A_43] : memref<10240x128xf32, #tpu.memory_space<vmem_shared>> -> memref<640x128xf32, #tpu.memory_space<vmem_shared>>
      tpu.wait_dma2 semaphore(%run_scoped3A : memref<!tpu.dma_semaphore, #tpu.memory_space<semaphore_mem>>) src(%arg5 : memref<640x128xf32, #tpu.memory_space<hbm>>) dst(%dma_wait3A_44 : memref<640x128xf32, #tpu.memory_space<vmem_shared>>)
      tpu.yield
    }) : () -> ()
    %barrier3A = arith.constant 0 : index
    tpu.barrier barrier_id(%barrier3A)
    "tpu.region"() ({
      %run_scoped3A = tpu.sem_alloc : memref<!tpu.dma_semaphore, #tpu.memory_space<semaphore_mem>>
      %dma_start3A_41 = arith.constant 0 : i32
      %dma_start3A_42 = arith.constant 0 : i32
      %dma_start3A_43 = tpu.memref_slice %arg3[%add3A, %dma_start3A_41, %dma_start3A_42] : memref<32x80x128xi32, #tpu.memory_space<hbm>> -> memref<1x40x128xi32, #tpu.memory_space<hbm>>
      %dma_start3A_44 = tpu.memref_squeeze %dma_start3A_43 : memref<1x40x128xi32, #tpu.memory_space<hbm>> -> memref<40x128xi32, #tpu.memory_space<hbm>>
      %dma_start3A_45 = arith.constant 0 : i32
      %dma_start3A_46 = arith.constant 0 : i32
      %dma_start3A_47 = tpu.memref_slice %arg3[%add3A, %dma_start3A_45, %dma_start3A_46] : memref<32x80x128xi32, #tpu.memory_space<hbm>> -> memref<1x40x128xi32, #tpu.memory_space<hbm>>
      %dma_start3A_48 = tpu.memref_squeeze %dma_start3A_47 : memref<1x40x128xi32, #tpu.memory_space<hbm>> -> memref<40x128xi32, #tpu.memory_space<hbm>>
      tpu.enqueue_dma source(%dma_start3A_48 : memref<40x128xi32, #tpu.memory_space<hbm>>) target(%arg7 : memref<40x128xi32, #tpu.memory_space<vmem>>) target_semaphore(%run_scoped3A : memref<!tpu.dma_semaphore, #tpu.memory_space<semaphore_mem>>)
      %dma_wait3A_49 = arith.constant 0 : i32
      %dma_wait3A_50 = arith.constant 0 : i32
      %dma_wait3A_51 = tpu.memref_slice %arg3[%add3A, %dma_wait3A_49, %dma_wait3A_50] : memref<32x80x128xi32, #tpu.memory_space<hbm>> -> memref<1x40x128xi32, #tpu.memory_space<hbm>>
      %dma_wait3A_52 = tpu.memref_squeeze %dma_wait3A_51 : memref<1x40x128xi32, #tpu.memory_space<hbm>> -> memref<40x128xi32, #tpu.memory_space<hbm>>
      %dma_wait3A_53 = arith.constant 0 : i32
      %dma_wait3A_54 = arith.constant 0 : i32
      %dma_wait3A_55 = tpu.memref_slice %arg3[%add3A, %dma_wait3A_53, %dma_wait3A_54] : memref<32x80x128xi32, #tpu.memory_space<hbm>> -> memref<1x40x128xi32, #tpu.memory_space<hbm>>
      %dma_wait3A_56 = tpu.memref_squeeze %dma_wait3A_55 : memref<1x40x128xi32, #tpu.memory_space<hbm>> -> memref<40x128xi32, #tpu.memory_space<hbm>>
      tpu.wait_dma2 semaphore(%run_scoped3A : memref<!tpu.dma_semaphore, #tpu.memory_space<semaphore_mem>>) src(%dma_wait3A_56 : memref<40x128xi32, #tpu.memory_space<hbm>>) dst(%arg7 : memref<40x128xi32, #tpu.memory_space<vmem>>)
      tpu.yield
    }) : () -> ()
    "tpu.region"() ({
      %run_scoped3A = tpu.sem_alloc : memref<!tpu.dma_semaphore, #tpu.memory_space<semaphore_mem>>
      %dma_start3A_41 = arith.constant 0 : i32
      %dma_start3A_42 = arith.constant 0 : i32
      %dma_start3A_43 = tpu.memref_slice %arg4[%add3A, %dma_start3A_41, %dma_start3A_42] : memref<32x80x128xi32, #tpu.memory_space<hbm>> -> memref<1x40x128xi32, #tpu.memory_space<hbm>>
      %dma_start3A_44 = tpu.memref_squeeze %dma_start3A_43 : memref<1x40x128xi32, #tpu.memory_space<hbm>> -> memref<40x128xi32, #tpu.memory_space<hbm>>
      %dma_start3A_45 = arith.constant 0 : i32
      %dma_start3A_46 = arith.constant 0 : i32
      %dma_start3A_47 = tpu.memref_slice %arg4[%add3A, %dma_start3A_45, %dma_start3A_46] : memref<32x80x128xi32, #tpu.memory_space<hbm>> -> memref<1x40x128xi32, #tpu.memory_space<hbm>>
      %dma_start3A_48 = tpu.memref_squeeze %dma_start3A_47 : memref<1x40x128xi32, #tpu.memory_space<hbm>> -> memref<40x128xi32, #tpu.memory_space<hbm>>
      tpu.enqueue_dma source(%dma_start3A_48 : memref<40x128xi32, #tpu.memory_space<hbm>>) target(%arg8 : memref<40x128xi32, #tpu.memory_space<vmem>>) target_semaphore(%run_scoped3A : memref<!tpu.dma_semaphore, #tpu.memory_space<semaphore_mem>>)
      %dma_wait3A_49 = arith.constant 0 : i32
      %dma_wait3A_50 = arith.constant 0 : i32
      %dma_wait3A_51 = tpu.memref_slice %arg4[%add3A, %dma_wait3A_49, %dma_wait3A_50] : memref<32x80x128xi32, #tpu.memory_space<hbm>> -> memref<1x40x128xi32, #tpu.memory_space<hbm>>
      %dma_wait3A_52 = tpu.memref_squeeze %dma_wait3A_51 : memref<1x40x128xi32, #tpu.memory_space<hbm>> -> memref<40x128xi32, #tpu.memory_space<hbm>>
      %dma_wait3A_53 = arith.constant 0 : i32
      %dma_wait3A_54 = arith.constant 0 : i32
      %dma_wait3A_55 = tpu.memref_slice %arg4[%add3A, %dma_wait3A_53, %dma_wait3A_54] : memref<32x80x128xi32, #tpu.memory_space<hbm>> -> memref<1x40x128xi32, #tpu.memory_space<hbm>>
      %dma_wait3A_56 = tpu.memref_squeeze %dma_wait3A_55 : memref<1x40x128xi32, #tpu.memory_space<hbm>> -> memref<40x128xi32, #tpu.memory_space<hbm>>
      tpu.wait_dma2 semaphore(%run_scoped3A : memref<!tpu.dma_semaphore, #tpu.memory_space<semaphore_mem>>) src(%dma_wait3A_56 : memref<40x128xi32, #tpu.memory_space<hbm>>) dst(%arg8 : memref<40x128xi32, #tpu.memory_space<vmem>>)
      tpu.yield
    }) : () -> ()
    %dma_start3A = arith.constant 0 : i32
    %dma_start3A_3 = arith.constant 0 : i32
    %dma_start3A_4 = tpu.memref_slice %arg7[%dma_start3A, %dma_start3A_3] : memref<40x128xi32, #tpu.memory_space<vmem>> -> memref<1x128xi32, #tpu.memory_space<vmem>>
    %dma_start3A_5 = tpu.memref_squeeze %dma_start3A_4 : memref<1x128xi32, #tpu.memory_space<vmem>> -> memref<128xi32, #tpu.memory_space<vmem>>
    %dma_start3A_6 = arith.constant 0 : i32
    %dma_start3A_7 = arith.constant 0 : i32
    %dma_start3A_8 = tpu.memref_slice %arg2[%dma_start3A_6, %dma_start3A_7] : memref<10240x128xf32, #tpu.memory_space<hbm>> -> memref<10240x128xf32, #tpu.memory_space<hbm>>
    tpu.enqueue_indirect_dma source(%dma_start3A_8 : memref<10240x128xf32, #tpu.memory_space<hbm>>) target(%arg9 : memref<128x128xf32, #tpu.memory_space<vmem>>) offsets(%dma_start3A_5 : memref<128xi32, #tpu.memory_space<vmem>>) semaphore(%arg12 : memref<!tpu.dma_semaphore, #tpu.memory_space<semaphore_mem>>)
    %scan3A = arith.constant 0 : i32
    %scan3A_9 = arith.constant 0 : i32
    %scan3A_10 = arith.constant 20 : i32
    %scan3A_11 = arith.addi %scan3A_9, %scan3A_10 : i32
    %scan3A_12 = arith.constant 1 : i32
    scf.for %scan3A_41 = %scan3A_9 to %scan3A_11 step %scan3A_12  : i32 {
      %mul3A_42 = arith.constant 2 : i32
      %mul3A_43 = arith.muli %mul3A_42, %scan3A_41 : i32
      %dma_wait3A_44 = arith.constant 0 : i32
      %dma_wait3A_45 = tpu.memref_slice %arg7[%mul3A_43, %dma_wait3A_44] : memref<40x128xi32, #tpu.memory_space<vmem>> -> memref<1x128xi32, #tpu.memory_space<vmem>>
      %dma_wait3A_46 = tpu.memref_squeeze %dma_wait3A_45 : memref<1x128xi32, #tpu.memory_space<vmem>> -> memref<128xi32, #tpu.memory_space<vmem>>
      %dma_wait3A_47 = arith.constant 0 : i32
      %dma_wait3A_48 = arith.constant 0 : i32
      %dma_wait3A_49 = tpu.memref_slice %arg2[%dma_wait3A_47, %dma_wait3A_48] : memref<10240x128xf32, #tpu.memory_space<hbm>> -> memref<10240x128xf32, #tpu.memory_space<hbm>>
      tpu.wait_indirect_dma semaphore(%arg12 : memref<!tpu.dma_semaphore, #tpu.memory_space<semaphore_mem>>) src(%dma_wait3A_49 : memref<10240x128xf32, #tpu.memory_space<hbm>>) dst(%arg9 : memref<128x128xf32, #tpu.memory_space<vmem>>)
      %add3A_50 = arith.constant 1 : i32
      %add3A_51 = arith.addi %mul3A_43, %add3A_50 : i32
      %dma_start3A_52 = arith.constant 0 : i32
      %dma_start3A_53 = tpu.memref_slice %arg7[%add3A_51, %dma_start3A_52] : memref<40x128xi32, #tpu.memory_space<vmem>> -> memref<1x128xi32, #tpu.memory_space<vmem>>
      %dma_start3A_54 = tpu.memref_squeeze %dma_start3A_53 : memref<1x128xi32, #tpu.memory_space<vmem>> -> memref<128xi32, #tpu.memory_space<vmem>>
      %dma_start3A_55 = arith.constant 0 : i32
      %dma_start3A_56 = arith.constant 0 : i32
      %dma_start3A_57 = tpu.memref_slice %arg2[%dma_start3A_55, %dma_start3A_56] : memref<10240x128xf32, #tpu.memory_space<hbm>> -> memref<10240x128xf32, #tpu.memory_space<hbm>>
      tpu.enqueue_indirect_dma source(%dma_start3A_57 : memref<10240x128xf32, #tpu.memory_space<hbm>>) target(%arg10 : memref<128x128xf32, #tpu.memory_space<vmem>>) offsets(%dma_start3A_54 : memref<128xi32, #tpu.memory_space<vmem>>) semaphore(%arg13 : memref<!tpu.dma_semaphore, #tpu.memory_space<semaphore_mem>>)
      "tpu.region"() ({
        %run_scoped3A = tpu.sem_alloc : memref<!tpu.dma_semaphore, #tpu.memory_space<semaphore_mem>>
        %dma_start3A_77 = arith.constant 0 : i32
        %dma_start3A_78 = tpu.memref_slice %arg8[%mul3A_43, %dma_start3A_77] : memref<40x128xi32, #tpu.memory_space<vmem>> -> memref<1x128xi32, #tpu.memory_space<vmem>>
        %dma_start3A_79 = tpu.memref_squeeze %dma_start3A_78 : memref<1x128xi32, #tpu.memory_space<vmem>> -> memref<128xi32, #tpu.memory_space<vmem>>
        %dma_start3A_80 = arith.constant 0 : i32
        %dma_start3A_81 = arith.constant 0 : i32
        %dma_start3A_82 = tpu.memref_slice %arg11[%dma_start3A_80, %dma_start3A_81] : memref<10240x128xf32, #tpu.memory_space<vmem_shared>> -> memref<10240x128xf32, #tpu.memory_space<vmem_shared>>
        tpu.enqueue_indirect_dma source(%arg9 : memref<128x128xf32, #tpu.memory_space<vmem>>) target(%dma_start3A_82 : memref<10240x128xf32, #tpu.memory_space<vmem_shared>>) offsets(%dma_start3A_79 : memref<128xi32, #tpu.memory_space<vmem>>) semaphore(%run_scoped3A : memref<!tpu.dma_semaphore, #tpu.memory_space<semaphore_mem>>) {add = true}
        %dma_wait3A_83 = arith.constant 0 : i32
        %dma_wait3A_84 = tpu.memref_slice %arg8[%mul3A_43, %dma_wait3A_83] : memref<40x128xi32, #tpu.memory_space<vmem>> -> memref<1x128xi32, #tpu.memory_space<vmem>>
        %dma_wait3A_85 = tpu.memref_squeeze %dma_wait3A_84 : memref<1x128xi32, #tpu.memory_space<vmem>> -> memref<128xi32, #tpu.memory_space<vmem>>
        %dma_wait3A_86 = arith.constant 0 : i32
        %dma_wait3A_87 = arith.constant 0 : i32
        %dma_wait3A_88 = tpu.memref_slice %arg11[%dma_wait3A_86, %dma_wait3A_87] : memref<10240x128xf32, #tpu.memory_space<vmem_shared>> -> memref<10240x128xf32, #tpu.memory_space<vmem_shared>>
        tpu.wait_indirect_dma semaphore(%run_scoped3A : memref<!tpu.dma_semaphore, #tpu.memory_space<semaphore_mem>>) src(%arg9 : memref<128x128xf32, #tpu.memory_space<vmem>>) dst(%dma_wait3A_88 : memref<10240x128xf32, #tpu.memory_space<vmem_shared>>)
        tpu.yield
      }) : () -> ()
      %add3A_58 = arith.constant 1 : i32
      %add3A_59 = arith.addi %mul3A_43, %add3A_58 : i32
      %dma_wait3A_60 = arith.constant 0 : i32
      %dma_wait3A_61 = tpu.memref_slice %arg7[%add3A_59, %dma_wait3A_60] : memref<40x128xi32, #tpu.memory_space<vmem>> -> memref<1x128xi32, #tpu.memory_space<vmem>>
      %dma_wait3A_62 = tpu.memref_squeeze %dma_wait3A_61 : memref<1x128xi32, #tpu.memory_space<vmem>> -> memref<128xi32, #tpu.memory_space<vmem>>
      %dma_wait3A_63 = arith.constant 0 : i32
      %dma_wait3A_64 = arith.constant 0 : i32
      %dma_wait3A_65 = tpu.memref_slice %arg2[%dma_wait3A_63, %dma_wait3A_64] : memref<10240x128xf32, #tpu.memory_space<hbm>> -> memref<10240x128xf32, #tpu.memory_space<hbm>>
      tpu.wait_indirect_dma semaphore(%arg13 : memref<!tpu.dma_semaphore, #tpu.memory_space<semaphore_mem>>) src(%dma_wait3A_65 : memref<10240x128xf32, #tpu.memory_space<hbm>>) dst(%arg10 : memref<128x128xf32, #tpu.memory_space<vmem>>)
      %add3A_66 = arith.constant 2 : i32
      %add3A_67 = arith.addi %mul3A_43, %add3A_66 : i32
      %min3A = arith.constant 39 : i32
      %min3A_68 = arith.minsi %add3A_67, %min3A : i32
      %dma_start3A_69 = arith.constant 0 : i32
      %dma_start3A_70 = tpu.memref_slice %arg7[%min3A_68, %dma_start3A_69] : memref<40x128xi32, #tpu.memory_space<vmem>> -> memref<1x128xi32, #tpu.memory_space<vmem>>
      %dma_start3A_71 = tpu.memref_squeeze %dma_start3A_70 : memref<1x128xi32, #tpu.memory_space<vmem>> -> memref<128xi32, #tpu.memory_space<vmem>>
      %dma_start3A_72 = arith.constant 0 : i32
      %dma_start3A_73 = arith.constant 0 : i32
      %dma_start3A_74 = tpu.memref_slice %arg2[%dma_start3A_72, %dma_start3A_73] : memref<10240x128xf32, #tpu.memory_space<hbm>> -> memref<10240x128xf32, #tpu.memory_space<hbm>>
      tpu.enqueue_indirect_dma source(%dma_start3A_74 : memref<10240x128xf32, #tpu.memory_space<hbm>>) target(%arg9 : memref<128x128xf32, #tpu.memory_space<vmem>>) offsets(%dma_start3A_71 : memref<128xi32, #tpu.memory_space<vmem>>) semaphore(%arg12 : memref<!tpu.dma_semaphore, #tpu.memory_space<semaphore_mem>>)
      %add3A_75 = arith.constant 1 : i32
      %add3A_76 = arith.addi %mul3A_43, %add3A_75 : i32
      "tpu.region"() ({
        %run_scoped3A = tpu.sem_alloc : memref<!tpu.dma_semaphore, #tpu.memory_space<semaphore_mem>>
        %dma_start3A_77 = arith.constant 0 : i32
        %dma_start3A_78 = tpu.memref_slice %arg8[%add3A_76, %dma_start3A_77] : memref<40x128xi32, #tpu.memory_space<vmem>> -> memref<1x128xi32, #tpu.memory_space<vmem>>
        %dma_start3A_79 = tpu.memref_squeeze %dma_start3A_78 : memref<1x128xi32, #tpu.memory_space<vmem>> -> memref<128xi32, #tpu.memory_space<vmem>>
        %dma_start3A_80 = arith.constant 0 : i32
        %dma_start3A_81 = arith.constant 0 : i32
        %dma_start3A_82 = tpu.memref_slice %arg11[%dma_start3A_80, %dma_start3A_81] : memref<10240x128xf32, #tpu.memory_space<vmem_shared>> -> memref<10240x128xf32, #tpu.memory_space<vmem_shared>>
        tpu.enqueue_indirect_dma source(%arg10 : memref<128x128xf32, #tpu.memory_space<vmem>>) target(%dma_start3A_82 : memref<10240x128xf32, #tpu.memory_space<vmem_shared>>) offsets(%dma_start3A_79 : memref<128xi32, #tpu.memory_space<vmem>>) semaphore(%run_scoped3A : memref<!tpu.dma_semaphore, #tpu.memory_space<semaphore_mem>>) {add = true}
        %dma_wait3A_83 = arith.constant 0 : i32
        %dma_wait3A_84 = tpu.memref_slice %arg8[%add3A_76, %dma_wait3A_83] : memref<40x128xi32, #tpu.memory_space<vmem>> -> memref<1x128xi32, #tpu.memory_space<vmem>>
        %dma_wait3A_85 = tpu.memref_squeeze %dma_wait3A_84 : memref<1x128xi32, #tpu.memory_space<vmem>> -> memref<128xi32, #tpu.memory_space<vmem>>
        %dma_wait3A_86 = arith.constant 0 : i32
        %dma_wait3A_87 = arith.constant 0 : i32
        %dma_wait3A_88 = tpu.memref_slice %arg11[%dma_wait3A_86, %dma_wait3A_87] : memref<10240x128xf32, #tpu.memory_space<vmem_shared>> -> memref<10240x128xf32, #tpu.memory_space<vmem_shared>>
        tpu.wait_indirect_dma semaphore(%run_scoped3A : memref<!tpu.dma_semaphore, #tpu.memory_space<semaphore_mem>>) src(%arg10 : memref<128x128xf32, #tpu.memory_space<vmem>>) dst(%dma_wait3A_88 : memref<10240x128xf32, #tpu.memory_space<vmem_shared>>)
        tpu.yield
      }) : () -> ()
    }
    %scan3A_13 = arith.constant 20 : i32
    %dma_wait3A = arith.constant 39 : i32
    %dma_wait3A_14 = arith.constant 0 : i32
    %dma_wait3A_15 = tpu.memref_slice %arg7[%dma_wait3A, %dma_wait3A_14] : memref<40x128xi32, #tpu.memory_space<vmem>> -> memref<1x128xi32, #tpu.memory_space<vmem>>
    %dma_wait3A_16 = tpu.memref_squeeze %dma_wait3A_15 : memref<1x128xi32, #tpu.memory_space<vmem>> -> memref<128xi32, #tpu.memory_space<vmem>>
    %dma_wait3A_17 = arith.constant 0 : i32
    %dma_wait3A_18 = arith.constant 0 : i32
    %dma_wait3A_19 = tpu.memref_slice %arg2[%dma_wait3A_17, %dma_wait3A_18] : memref<10240x128xf32, #tpu.memory_space<hbm>> -> memref<10240x128xf32, #tpu.memory_space<hbm>>
    tpu.wait_indirect_dma semaphore(%arg12 : memref<!tpu.dma_semaphore, #tpu.memory_space<semaphore_mem>>) src(%dma_wait3A_19 : memref<10240x128xf32, #tpu.memory_space<hbm>>) dst(%arg9 : memref<128x128xf32, #tpu.memory_space<vmem>>)
    "tpu.region"() ({
      %run_scoped3A = tpu.sem_alloc : memref<!tpu.dma_semaphore, #tpu.memory_space<semaphore_mem>>
      %dma_start3A_41 = arith.constant 40 : i32
      %dma_start3A_42 = arith.constant 0 : i32
      %dma_start3A_43 = tpu.memref_slice %arg3[%add3A, %dma_start3A_41, %dma_start3A_42] : memref<32x80x128xi32, #tpu.memory_space<hbm>> -> memref<1x40x128xi32, #tpu.memory_space<hbm>>
      %dma_start3A_44 = tpu.memref_squeeze %dma_start3A_43 : memref<1x40x128xi32, #tpu.memory_space<hbm>> -> memref<40x128xi32, #tpu.memory_space<hbm>>
      %dma_start3A_45 = arith.constant 40 : i32
      %dma_start3A_46 = arith.constant 0 : i32
      %dma_start3A_47 = tpu.memref_slice %arg3[%add3A, %dma_start3A_45, %dma_start3A_46] : memref<32x80x128xi32, #tpu.memory_space<hbm>> -> memref<1x40x128xi32, #tpu.memory_space<hbm>>
      %dma_start3A_48 = tpu.memref_squeeze %dma_start3A_47 : memref<1x40x128xi32, #tpu.memory_space<hbm>> -> memref<40x128xi32, #tpu.memory_space<hbm>>
      tpu.enqueue_dma source(%dma_start3A_48 : memref<40x128xi32, #tpu.memory_space<hbm>>) target(%arg7 : memref<40x128xi32, #tpu.memory_space<vmem>>) target_semaphore(%run_scoped3A : memref<!tpu.dma_semaphore, #tpu.memory_space<semaphore_mem>>)
      %dma_wait3A_49 = arith.constant 40 : i32
      %dma_wait3A_50 = arith.constant 0 : i32
      %dma_wait3A_51 = tpu.memref_slice %arg3[%add3A, %dma_wait3A_49, %dma_wait3A_50] : memref<32x80x128xi32, #tpu.memory_space<hbm>> -> memref<1x40x128xi32, #tpu.memory_space<hbm>>
      %dma_wait3A_52 = tpu.memref_squeeze %dma_wait3A_51 : memref<1x40x128xi32, #tpu.memory_space<hbm>> -> memref<40x128xi32, #tpu.memory_space<hbm>>
      %dma_wait3A_53 = arith.constant 40 : i32
      %dma_wait3A_54 = arith.constant 0 : i32
      %dma_wait3A_55 = tpu.memref_slice %arg3[%add3A, %dma_wait3A_53, %dma_wait3A_54] : memref<32x80x128xi32, #tpu.memory_space<hbm>> -> memref<1x40x128xi32, #tpu.memory_space<hbm>>
      %dma_wait3A_56 = tpu.memref_squeeze %dma_wait3A_55 : memref<1x40x128xi32, #tpu.memory_space<hbm>> -> memref<40x128xi32, #tpu.memory_space<hbm>>
      tpu.wait_dma2 semaphore(%run_scoped3A : memref<!tpu.dma_semaphore, #tpu.memory_space<semaphore_mem>>) src(%dma_wait3A_56 : memref<40x128xi32, #tpu.memory_space<hbm>>) dst(%arg7 : memref<40x128xi32, #tpu.memory_space<vmem>>)
      tpu.yield
    }) : () -> ()
    "tpu.region"() ({
      %run_scoped3A = tpu.sem_alloc : memref<!tpu.dma_semaphore, #tpu.memory_space<semaphore_mem>>
      %dma_start3A_41 = arith.constant 40 : i32
      %dma_start3A_42 = arith.constant 0 : i32
      %dma_start3A_43 = tpu.memref_slice %arg4[%add3A, %dma_start3A_41, %dma_start3A_42] : memref<32x80x128xi32, #tpu.memory_space<hbm>> -> memref<1x40x128xi32, #tpu.memory_space<hbm>>
      %dma_start3A_44 = tpu.memref_squeeze %dma_start3A_43 : memref<1x40x128xi32, #tpu.memory_space<hbm>> -> memref<40x128xi32, #tpu.memory_space<hbm>>
      %dma_start3A_45 = arith.constant 40 : i32
      %dma_start3A_46 = arith.constant 0 : i32
      %dma_start3A_47 = tpu.memref_slice %arg4[%add3A, %dma_start3A_45, %dma_start3A_46] : memref<32x80x128xi32, #tpu.memory_space<hbm>> -> memref<1x40x128xi32, #tpu.memory_space<hbm>>
      %dma_start3A_48 = tpu.memref_squeeze %dma_start3A_47 : memref<1x40x128xi32, #tpu.memory_space<hbm>> -> memref<40x128xi32, #tpu.memory_space<hbm>>
      tpu.enqueue_dma source(%dma_start3A_48 : memref<40x128xi32, #tpu.memory_space<hbm>>) target(%arg8 : memref<40x128xi32, #tpu.memory_space<vmem>>) target_semaphore(%run_scoped3A : memref<!tpu.dma_semaphore, #tpu.memory_space<semaphore_mem>>)
      %dma_wait3A_49 = arith.constant 40 : i32
      %dma_wait3A_50 = arith.constant 0 : i32
      %dma_wait3A_51 = tpu.memref_slice %arg4[%add3A, %dma_wait3A_49, %dma_wait3A_50] : memref<32x80x128xi32, #tpu.memory_space<hbm>> -> memref<1x40x128xi32, #tpu.memory_space<hbm>>
      %dma_wait3A_52 = tpu.memref_squeeze %dma_wait3A_51 : memref<1x40x128xi32, #tpu.memory_space<hbm>> -> memref<40x128xi32, #tpu.memory_space<hbm>>
      %dma_wait3A_53 = arith.constant 40 : i32
      %dma_wait3A_54 = arith.constant 0 : i32
      %dma_wait3A_55 = tpu.memref_slice %arg4[%add3A, %dma_wait3A_53, %dma_wait3A_54] : memref<32x80x128xi32, #tpu.memory_space<hbm>> -> memref<1x40x128xi32, #tpu.memory_space<hbm>>
      %dma_wait3A_56 = tpu.memref_squeeze %dma_wait3A_55 : memref<1x40x128xi32, #tpu.memory_space<hbm>> -> memref<40x128xi32, #tpu.memory_space<hbm>>
      tpu.wait_dma2 semaphore(%run_scoped3A : memref<!tpu.dma_semaphore, #tpu.memory_space<semaphore_mem>>) src(%dma_wait3A_56 : memref<40x128xi32, #tpu.memory_space<hbm>>) dst(%arg8 : memref<40x128xi32, #tpu.memory_space<vmem>>)
      tpu.yield
    }) : () -> ()
    %dma_start3A_20 = arith.constant 0 : i32
    %dma_start3A_21 = arith.constant 0 : i32
    %dma_start3A_22 = tpu.memref_slice %arg7[%dma_start3A_20, %dma_start3A_21] : memref<40x128xi32, #tpu.memory_space<vmem>> -> memref<1x128xi32, #tpu.memory_space<vmem>>
    %dma_start3A_23 = tpu.memref_squeeze %dma_start3A_22 : memref<1x128xi32, #tpu.memory_space<vmem>> -> memref<128xi32, #tpu.memory_space<vmem>>
    %dma_start3A_24 = arith.constant 0 : i32
    %dma_start3A_25 = arith.constant 0 : i32
    %dma_start3A_26 = tpu.memref_slice %arg2[%dma_start3A_24, %dma_start3A_25] : memref<10240x128xf32, #tpu.memory_space<hbm>> -> memref<10240x128xf32, #tpu.memory_space<hbm>>
    tpu.enqueue_indirect_dma source(%dma_start3A_26 : memref<10240x128xf32, #tpu.memory_space<hbm>>) target(%arg9 : memref<128x128xf32, #tpu.memory_space<vmem>>) offsets(%dma_start3A_23 : memref<128xi32, #tpu.memory_space<vmem>>) semaphore(%arg12 : memref<!tpu.dma_semaphore, #tpu.memory_space<semaphore_mem>>)
    %scan3A_27 = arith.constant 0 : i32
    %scan3A_28 = arith.constant 0 : i32
    %scan3A_29 = arith.constant 20 : i32
    %scan3A_30 = arith.addi %scan3A_28, %scan3A_29 : i32
    %scan3A_31 = arith.constant 1 : i32
    scf.for %scan3A_41 = %scan3A_28 to %scan3A_30 step %scan3A_31  : i32 {
      %mul3A_42 = arith.constant 2 : i32
      %mul3A_43 = arith.muli %mul3A_42, %scan3A_41 : i32
      %dma_wait3A_44 = arith.constant 0 : i32
      %dma_wait3A_45 = tpu.memref_slice %arg7[%mul3A_43, %dma_wait3A_44] : memref<40x128xi32, #tpu.memory_space<vmem>> -> memref<1x128xi32, #tpu.memory_space<vmem>>
      %dma_wait3A_46 = tpu.memref_squeeze %dma_wait3A_45 : memref<1x128xi32, #tpu.memory_space<vmem>> -> memref<128xi32, #tpu.memory_space<vmem>>
      %dma_wait3A_47 = arith.constant 0 : i32
      %dma_wait3A_48 = arith.constant 0 : i32
      %dma_wait3A_49 = tpu.memref_slice %arg2[%dma_wait3A_47, %dma_wait3A_48] : memref<10240x128xf32, #tpu.memory_space<hbm>> -> memref<10240x128xf32, #tpu.memory_space<hbm>>
      tpu.wait_indirect_dma semaphore(%arg12 : memref<!tpu.dma_semaphore, #tpu.memory_space<semaphore_mem>>) src(%dma_wait3A_49 : memref<10240x128xf32, #tpu.memory_space<hbm>>) dst(%arg9 : memref<128x128xf32, #tpu.memory_space<vmem>>)
      %add3A_50 = arith.constant 1 : i32
      %add3A_51 = arith.addi %mul3A_43, %add3A_50 : i32
      %dma_start3A_52 = arith.constant 0 : i32
      %dma_start3A_53 = tpu.memref_slice %arg7[%add3A_51, %dma_start3A_52] : memref<40x128xi32, #tpu.memory_space<vmem>> -> memref<1x128xi32, #tpu.memory_space<vmem>>
      %dma_start3A_54 = tpu.memref_squeeze %dma_start3A_53 : memref<1x128xi32, #tpu.memory_space<vmem>> -> memref<128xi32, #tpu.memory_space<vmem>>
      %dma_start3A_55 = arith.constant 0 : i32
      %dma_start3A_56 = arith.constant 0 : i32
      %dma_start3A_57 = tpu.memref_slice %arg2[%dma_start3A_55, %dma_start3A_56] : memref<10240x128xf32, #tpu.memory_space<hbm>> -> memref<10240x128xf32, #tpu.memory_space<hbm>>
      tpu.enqueue_indirect_dma source(%dma_start3A_57 : memref<10240x128xf32, #tpu.memory_space<hbm>>) target(%arg10 : memref<128x128xf32, #tpu.memory_space<vmem>>) offsets(%dma_start3A_54 : memref<128xi32, #tpu.memory_space<vmem>>) semaphore(%arg13 : memref<!tpu.dma_semaphore, #tpu.memory_space<semaphore_mem>>)
      "tpu.region"() ({
        %run_scoped3A = tpu.sem_alloc : memref<!tpu.dma_semaphore, #tpu.memory_space<semaphore_mem>>
        %dma_start3A_77 = arith.constant 0 : i32
        %dma_start3A_78 = tpu.memref_slice %arg8[%mul3A_43, %dma_start3A_77] : memref<40x128xi32, #tpu.memory_space<vmem>> -> memref<1x128xi32, #tpu.memory_space<vmem>>
        %dma_start3A_79 = tpu.memref_squeeze %dma_start3A_78 : memref<1x128xi32, #tpu.memory_space<vmem>> -> memref<128xi32, #tpu.memory_space<vmem>>
        %dma_start3A_80 = arith.constant 0 : i32
        %dma_start3A_81 = arith.constant 0 : i32
        %dma_start3A_82 = tpu.memref_slice %arg11[%dma_start3A_80, %dma_start3A_81] : memref<10240x128xf32, #tpu.memory_space<vmem_shared>> -> memref<10240x128xf32, #tpu.memory_space<vmem_shared>>
        tpu.enqueue_indirect_dma source(%arg9 : memref<128x128xf32, #tpu.memory_space<vmem>>) target(%dma_start3A_82 : memref<10240x128xf32, #tpu.memory_space<vmem_shared>>) offsets(%dma_start3A_79 : memref<128xi32, #tpu.memory_space<vmem>>) semaphore(%run_scoped3A : memref<!tpu.dma_semaphore, #tpu.memory_space<semaphore_mem>>) {add = true}
        %dma_wait3A_83 = arith.constant 0 : i32
        %dma_wait3A_84 = tpu.memref_slice %arg8[%mul3A_43, %dma_wait3A_83] : memref<40x128xi32, #tpu.memory_space<vmem>> -> memref<1x128xi32, #tpu.memory_space<vmem>>
        %dma_wait3A_85 = tpu.memref_squeeze %dma_wait3A_84 : memref<1x128xi32, #tpu.memory_space<vmem>> -> memref<128xi32, #tpu.memory_space<vmem>>
        %dma_wait3A_86 = arith.constant 0 : i32
        %dma_wait3A_87 = arith.constant 0 : i32
        %dma_wait3A_88 = tpu.memref_slice %arg11[%dma_wait3A_86, %dma_wait3A_87] : memref<10240x128xf32, #tpu.memory_space<vmem_shared>> -> memref<10240x128xf32, #tpu.memory_space<vmem_shared>>
        tpu.wait_indirect_dma semaphore(%run_scoped3A : memref<!tpu.dma_semaphore, #tpu.memory_space<semaphore_mem>>) src(%arg9 : memref<128x128xf32, #tpu.memory_space<vmem>>) dst(%dma_wait3A_88 : memref<10240x128xf32, #tpu.memory_space<vmem_shared>>)
        tpu.yield
      }) : () -> ()
      %add3A_58 = arith.constant 1 : i32
      %add3A_59 = arith.addi %mul3A_43, %add3A_58 : i32
      %dma_wait3A_60 = arith.constant 0 : i32
      %dma_wait3A_61 = tpu.memref_slice %arg7[%add3A_59, %dma_wait3A_60] : memref<40x128xi32, #tpu.memory_space<vmem>> -> memref<1x128xi32, #tpu.memory_space<vmem>>
      %dma_wait3A_62 = tpu.memref_squeeze %dma_wait3A_61 : memref<1x128xi32, #tpu.memory_space<vmem>> -> memref<128xi32, #tpu.memory_space<vmem>>
      %dma_wait3A_63 = arith.constant 0 : i32
      %dma_wait3A_64 = arith.constant 0 : i32
      %dma_wait3A_65 = tpu.memref_slice %arg2[%dma_wait3A_63, %dma_wait3A_64] : memref<10240x128xf32, #tpu.memory_space<hbm>> -> memref<10240x128xf32, #tpu.memory_space<hbm>>
      tpu.wait_indirect_dma semaphore(%arg13 : memref<!tpu.dma_semaphore, #tpu.memory_space<semaphore_mem>>) src(%dma_wait3A_65 : memref<10240x128xf32, #tpu.memory_space<hbm>>) dst(%arg10 : memref<128x128xf32, #tpu.memory_space<vmem>>)
      %add3A_66 = arith.constant 2 : i32
      %add3A_67 = arith.addi %mul3A_43, %add3A_66 : i32
      %min3A = arith.constant 39 : i32
      %min3A_68 = arith.minsi %add3A_67, %min3A : i32
      %dma_start3A_69 = arith.constant 0 : i32
      %dma_start3A_70 = tpu.memref_slice %arg7[%min3A_68, %dma_start3A_69] : memref<40x128xi32, #tpu.memory_space<vmem>> -> memref<1x128xi32, #tpu.memory_space<vmem>>
      %dma_start3A_71 = tpu.memref_squeeze %dma_start3A_70 : memref<1x128xi32, #tpu.memory_space<vmem>> -> memref<128xi32, #tpu.memory_space<vmem>>
      %dma_start3A_72 = arith.constant 0 : i32
      %dma_start3A_73 = arith.constant 0 : i32
      %dma_start3A_74 = tpu.memref_slice %arg2[%dma_start3A_72, %dma_start3A_73] : memref<10240x128xf32, #tpu.memory_space<hbm>> -> memref<10240x128xf32, #tpu.memory_space<hbm>>
      tpu.enqueue_indirect_dma source(%dma_start3A_74 : memref<10240x128xf32, #tpu.memory_space<hbm>>) target(%arg9 : memref<128x128xf32, #tpu.memory_space<vmem>>) offsets(%dma_start3A_71 : memref<128xi32, #tpu.memory_space<vmem>>) semaphore(%arg12 : memref<!tpu.dma_semaphore, #tpu.memory_space<semaphore_mem>>)
      %add3A_75 = arith.constant 1 : i32
      %add3A_76 = arith.addi %mul3A_43, %add3A_75 : i32
      "tpu.region"() ({
        %run_scoped3A = tpu.sem_alloc : memref<!tpu.dma_semaphore, #tpu.memory_space<semaphore_mem>>
        %dma_start3A_77 = arith.constant 0 : i32
        %dma_start3A_78 = tpu.memref_slice %arg8[%add3A_76, %dma_start3A_77] : memref<40x128xi32, #tpu.memory_space<vmem>> -> memref<1x128xi32, #tpu.memory_space<vmem>>
        %dma_start3A_79 = tpu.memref_squeeze %dma_start3A_78 : memref<1x128xi32, #tpu.memory_space<vmem>> -> memref<128xi32, #tpu.memory_space<vmem>>
        %dma_start3A_80 = arith.constant 0 : i32
        %dma_start3A_81 = arith.constant 0 : i32
        %dma_start3A_82 = tpu.memref_slice %arg11[%dma_start3A_80, %dma_start3A_81] : memref<10240x128xf32, #tpu.memory_space<vmem_shared>> -> memref<10240x128xf32, #tpu.memory_space<vmem_shared>>
        tpu.enqueue_indirect_dma source(%arg10 : memref<128x128xf32, #tpu.memory_space<vmem>>) target(%dma_start3A_82 : memref<10240x128xf32, #tpu.memory_space<vmem_shared>>) offsets(%dma_start3A_79 : memref<128xi32, #tpu.memory_space<vmem>>) semaphore(%run_scoped3A : memref<!tpu.dma_semaphore, #tpu.memory_space<semaphore_mem>>) {add = true}
        %dma_wait3A_83 = arith.constant 0 : i32
        %dma_wait3A_84 = tpu.memref_slice %arg8[%add3A_76, %dma_wait3A_83] : memref<40x128xi32, #tpu.memory_space<vmem>> -> memref<1x128xi32, #tpu.memory_space<vmem>>
        %dma_wait3A_85 = tpu.memref_squeeze %dma_wait3A_84 : memref<1x128xi32, #tpu.memory_space<vmem>> -> memref<128xi32, #tpu.memory_space<vmem>>
        %dma_wait3A_86 = arith.constant 0 : i32
        %dma_wait3A_87 = arith.constant 0 : i32
        %dma_wait3A_88 = tpu.memref_slice %arg11[%dma_wait3A_86, %dma_wait3A_87] : memref<10240x128xf32, #tpu.memory_space<vmem_shared>> -> memref<10240x128xf32, #tpu.memory_space<vmem_shared>>
        tpu.wait_indirect_dma semaphore(%run_scoped3A : memref<!tpu.dma_semaphore, #tpu.memory_space<semaphore_mem>>) src(%arg10 : memref<128x128xf32, #tpu.memory_space<vmem>>) dst(%dma_wait3A_88 : memref<10240x128xf32, #tpu.memory_space<vmem_shared>>)
        tpu.yield
      }) : () -> ()
    }
    %scan3A_32 = arith.constant 20 : i32
    %dma_wait3A_33 = arith.constant 39 : i32
    %dma_wait3A_34 = arith.constant 0 : i32
    %dma_wait3A_35 = tpu.memref_slice %arg7[%dma_wait3A_33, %dma_wait3A_34] : memref<40x128xi32, #tpu.memory_space<vmem>> -> memref<1x128xi32, #tpu.memory_space<vmem>>
    %dma_wait3A_36 = tpu.memref_squeeze %dma_wait3A_35 : memref<1x128xi32, #tpu.memory_space<vmem>> -> memref<128xi32, #tpu.memory_space<vmem>>
    %dma_wait3A_37 = arith.constant 0 : i32
    %dma_wait3A_38 = arith.constant 0 : i32
    %dma_wait3A_39 = tpu.memref_slice %arg2[%dma_wait3A_37, %dma_wait3A_38] : memref<10240x128xf32, #tpu.memory_space<hbm>> -> memref<10240x128xf32, #tpu.memory_space<hbm>>
    tpu.wait_indirect_dma semaphore(%arg12 : memref<!tpu.dma_semaphore, #tpu.memory_space<semaphore_mem>>) src(%dma_wait3A_39 : memref<10240x128xf32, #tpu.memory_space<hbm>>) dst(%arg9 : memref<128x128xf32, #tpu.memory_space<vmem>>)
    %barrier3A_40 = arith.constant 0 : index
    tpu.barrier barrier_id(%barrier3A_40)
    "tpu.region"() ({
      %run_scoped3A = tpu.sem_alloc : memref<!tpu.dma_semaphore, #tpu.memory_space<semaphore_mem>>
      %dma_start3A_41 = arith.constant 0 : i32
      %dma_start3A_42 = tpu.memref_slice %arg6[%arg0, %mul3A_2, %dma_start3A_41] : memref<2x10240x128xf32, #tpu.memory_space<hbm>> -> memref<1x640x128xf32, #tpu.memory_space<hbm>>
      %dma_start3A_43 = tpu.memref_squeeze %dma_start3A_42 : memref<1x640x128xf32, #tpu.memory_space<hbm>> -> memref<640x128xf32, #tpu.memory_space<hbm>>
      %dma_start3A_44 = arith.constant 0 : i32
      %dma_start3A_45 = tpu.memref_slice %arg11[%mul3A_2, %dma_start3A_44] : memref<10240x128xf32, #tpu.memory_space<vmem_shared>> -> memref<640x128xf32, #tpu.memory_space<vmem_shared>>
      tpu.enqueue_dma source(%dma_start3A_45 : memref<640x128xf32, #tpu.memory_space<vmem_shared>>) target(%dma_start3A_43 : memref<640x128xf32, #tpu.memory_space<hbm>>) target_semaphore(%run_scoped3A : memref<!tpu.dma_semaphore, #tpu.memory_space<semaphore_mem>>)
      %dma_wait3A_46 = arith.constant 0 : i32
      %dma_wait3A_47 = tpu.memref_slice %arg6[%arg0, %mul3A_2, %dma_wait3A_46] : memref<2x10240x128xf32, #tpu.memory_space<hbm>> -> memref<1x640x128xf32, #tpu.memory_space<hbm>>
      %dma_wait3A_48 = tpu.memref_squeeze %dma_wait3A_47 : memref<1x640x128xf32, #tpu.memory_space<hbm>> -> memref<640x128xf32, #tpu.memory_space<hbm>>
      %dma_wait3A_49 = arith.constant 0 : i32
      %dma_wait3A_50 = tpu.memref_slice %arg11[%mul3A_2, %dma_wait3A_49] : memref<10240x128xf32, #tpu.memory_space<vmem_shared>> -> memref<640x128xf32, #tpu.memory_space<vmem_shared>>
      tpu.wait_dma2 semaphore(%run_scoped3A : memref<!tpu.dma_semaphore, #tpu.memory_space<semaphore_mem>>) src(%dma_wait3A_50 : memref<640x128xf32, #tpu.memory_space<vmem_shared>>) dst(%dma_wait3A_48 : memref<640x128xf32, #tpu.memory_space<hbm>>)
      tpu.yield
    }) : () -> ()
    return
  }
}

module attributes {stable_mosaic.version = 14 : i64} {
  func.func @_tc_prep_body(%arg0: memref<10240x128xf32, #tpu.memory_space<vmem>>, %arg1: memref<2x10240xf32, #tpu.memory_space<vmem>>, %arg2: memref<10240x128xf32, #tpu.memory_space<vmem>>) attributes {dimension_semantics = [], scalar_prefetch = 0 : i64, scratch_operands = 0 : i64, tpu.core_type = #tpu.core_type<tc>} {
    %get3A = arith.constant 0 : index
    %get3A_0 = arith.constant 0 : index
    %get3A_1 = vector.load %arg0[%get3A, %get3A_0] : memref<10240x128xf32, #tpu.memory_space<vmem>>, vector<10240x128xf32>
    %get3A_2 = arith.constant 0 : index
    %get3A_3 = arith.constant 0 : index
    %get3A_4 = vector.load %arg1[%get3A_2, %get3A_3] : memref<2x10240xf32, #tpu.memory_space<vmem>>, vector<2x10240xf32>
    %slice3A = vector.extract_strided_slice %get3A_4 {offsets = [0, 0], sizes = [1, 10240], strides = [1, 1]} : vector<2x10240xf32> to vector<1x10240xf32>
    %squeeze3A = vector.shape_cast %slice3A : vector<1x10240xf32> to vector<10240xf32>
    %slice3A_5 = vector.extract_strided_slice %get3A_4 {offsets = [1, 0], sizes = [1, 10240], strides = [1, 1]} : vector<2x10240xf32> to vector<1x10240xf32>
    %squeeze3A_6 = vector.shape_cast %slice3A_5 : vector<1x10240xf32> to vector<10240xf32>
    %add3A = arith.addf %squeeze3A, %squeeze3A_6 : vector<10240xf32>
    %max3A = arith.constant 1.000000e+00 : f32
    %max3A_7 = vector.broadcast %max3A : f32 to vector<10240xf32>
    %max3A_8 = arith.maximumf %add3A, %max3A_7 : vector<10240xf32>
    %rsqrt3A = math.rsqrt %max3A_8 : vector<10240xf32>
    %broadcast_in_dim3A = vector.shape_cast %rsqrt3A : vector<10240xf32> to vector<10240x1xf32>
    %mul3A = vector.broadcast %broadcast_in_dim3A : vector<10240x1xf32> to vector<10240x128xf32>
    %mul3A_9 = arith.mulf %get3A_1, %mul3A : vector<10240x128xf32>
    %swap3A = arith.constant 0 : index
    %swap3A_10 = arith.constant 0 : index
    %swap3A_11 = vector.load %arg2[%swap3A, %swap3A_10] : memref<10240x128xf32, #tpu.memory_space<vmem>>, vector<10240x128xf32>
    tpu.vector_store %arg2[%swap3A, %swap3A_10], %mul3A_9 {strides = array<i32>} : memref<10240x128xf32, #tpu.memory_space<vmem>>, vector<10240x128xf32>,
    return
  }
}

module attributes {stable_mosaic.version = 14 : i64} {
  func.func @_tc_layer_body(%arg0: memref<2x10240x128xf32, #tpu.memory_space<vmem>>, %arg1: memref<2x10240xf32, #tpu.memory_space<vmem>>, %arg2: memref<2x10240xf32, #tpu.memory_space<vmem>>, %arg3: memref<128x128xf32, #tpu.memory_space<vmem>>, %arg4: memref<1x128xf32, #tpu.memory_space<vmem>>, %arg5: memref<10240x128xf32, #tpu.memory_space<vmem>>) attributes {dimension_semantics = [], scalar_prefetch = 0 : i64, scratch_operands = 0 : i64, tpu.core_type = #tpu.core_type<tc>} {
    %get3A = arith.constant 0 : index
    %get3A_0 = arith.constant 0 : index
    %get3A_1 = arith.constant 0 : index
    %get3A_2 = vector.load %arg0[%get3A, %get3A_0, %get3A_1] : memref<2x10240x128xf32, #tpu.memory_space<vmem>>, vector<2x10240x128xf32>
    %slice3A = vector.extract_strided_slice %get3A_2 {offsets = [0, 0, 0], sizes = [1, 10240, 128], strides = [1, 1, 1]} : vector<2x10240x128xf32> to vector<1x10240x128xf32>
    %squeeze3A = vector.shape_cast %slice3A : vector<1x10240x128xf32> to vector<10240x128xf32>
    %slice3A_3 = vector.extract_strided_slice %get3A_2 {offsets = [1, 0, 0], sizes = [1, 10240, 128], strides = [1, 1, 1]} : vector<2x10240x128xf32> to vector<1x10240x128xf32>
    %squeeze3A_4 = vector.shape_cast %slice3A_3 : vector<1x10240x128xf32> to vector<10240x128xf32>
    %add3A = arith.addf %squeeze3A, %squeeze3A_4 : vector<10240x128xf32>
    %get3A_5 = arith.constant 0 : index
    %get3A_6 = arith.constant 0 : index
    %get3A_7 = vector.load %arg2[%get3A_5, %get3A_6] : memref<2x10240xf32, #tpu.memory_space<vmem>>, vector<2x10240xf32>
    %slice3A_8 = vector.extract_strided_slice %get3A_7 {offsets = [0, 0], sizes = [1, 10240], strides = [1, 1]} : vector<2x10240xf32> to vector<1x10240xf32>
    %squeeze3A_9 = vector.shape_cast %slice3A_8 : vector<1x10240xf32> to vector<10240xf32>
    %slice3A_10 = vector.extract_strided_slice %get3A_7 {offsets = [1, 0], sizes = [1, 10240], strides = [1, 1]} : vector<2x10240xf32> to vector<1x10240xf32>
    %squeeze3A_11 = vector.shape_cast %slice3A_10 : vector<1x10240xf32> to vector<10240xf32>
    %add3A_12 = arith.addf %squeeze3A_9, %squeeze3A_11 : vector<10240xf32>
    %max3A = arith.constant 1.000000e+00 : f32
    %max3A_13 = vector.broadcast %max3A : f32 to vector<10240xf32>
    %max3A_14 = arith.maximumf %add3A_12, %max3A_13 : vector<10240xf32>
    %rsqrt3A = math.rsqrt %max3A_14 : vector<10240xf32>
    %broadcast_in_dim3A = vector.shape_cast %rsqrt3A : vector<10240xf32> to vector<10240x1xf32>
    %mul3A = vector.broadcast %broadcast_in_dim3A : vector<10240x1xf32> to vector<10240x128xf32>
    %mul3A_15 = arith.mulf %add3A, %mul3A : vector<10240x128xf32>
    %get3A_16 = arith.constant 0 : index
    %get3A_17 = arith.constant 0 : index
    %get3A_18 = vector.load %arg3[%get3A_16, %get3A_17] : memref<128x128xf32, #tpu.memory_space<vmem>>, vector<128x128xf32>
    %dot_general3A = arith.constant dense<0.000000e+00> : vector<10240x128xf32>
    %dot_general3A_19 = tpu.matmul %mul3A_15, %get3A_18, %dot_general3A {dimension_numbers = #tpu.dot_dimension_numbers<[1], [0], [0], [1], [0, 0, 1, 1], [], []>, transpose_lhs_hint = false} : vector<10240x128xf32>, vector<128x128xf32>, vector<10240x128xf32> -> vector<10240x128xf32>
    %get3A_20 = arith.constant 0 : index
    %get3A_21 = arith.constant 0 : index
    %get3A_22 = vector.load %arg4[%get3A_20, %get3A_21] : memref<1x128xf32, #tpu.memory_space<vmem>>, vector<1x128xf32>
    %add3A_23 = vector.broadcast %get3A_22 : vector<1x128xf32> to vector<10240x128xf32>
    %add3A_24 = arith.addf %dot_general3A_19, %add3A_23 : vector<10240x128xf32>
    %max3A_25 = arith.constant 0.000000e+00 : f32
    %max3A_26 = vector.broadcast %max3A_25 : f32 to vector<10240x128xf32>
    %max3A_27 = arith.maximumf %add3A_24, %max3A_26 : vector<10240x128xf32>
    %get3A_28 = arith.constant 0 : index
    %get3A_29 = arith.constant 0 : index
    %get3A_30 = vector.load %arg1[%get3A_28, %get3A_29] : memref<2x10240xf32, #tpu.memory_space<vmem>>, vector<2x10240xf32>
    %slice3A_31 = vector.extract_strided_slice %get3A_30 {offsets = [0, 0], sizes = [1, 10240], strides = [1, 1]} : vector<2x10240xf32> to vector<1x10240xf32>
    %squeeze3A_32 = vector.shape_cast %slice3A_31 : vector<1x10240xf32> to vector<10240xf32>
    %slice3A_33 = vector.extract_strided_slice %get3A_30 {offsets = [1, 0], sizes = [1, 10240], strides = [1, 1]} : vector<2x10240xf32> to vector<1x10240xf32>
    %squeeze3A_34 = vector.shape_cast %slice3A_33 : vector<1x10240xf32> to vector<10240xf32>
    %add3A_35 = arith.addf %squeeze3A_32, %squeeze3A_34 : vector<10240xf32>
    %max3A_36 = arith.constant 1.000000e+00 : f32
    %max3A_37 = vector.broadcast %max3A_36 : f32 to vector<10240xf32>
    %max3A_38 = arith.maximumf %add3A_35, %max3A_37 : vector<10240xf32>
    %rsqrt3A_39 = math.rsqrt %max3A_38 : vector<10240xf32>
    %broadcast_in_dim3A_40 = vector.shape_cast %rsqrt3A_39 : vector<10240xf32> to vector<10240x1xf32>
    %mul3A_41 = vector.broadcast %broadcast_in_dim3A_40 : vector<10240x1xf32> to vector<10240x128xf32>
    %mul3A_42 = arith.mulf %max3A_27, %mul3A_41 : vector<10240x128xf32>
    %swap3A = arith.constant 0 : index
    %swap3A_43 = arith.constant 0 : index
    %swap3A_44 = vector.load %arg5[%swap3A, %swap3A_43] : memref<10240x128xf32, #tpu.memory_space<vmem>>, vector<10240x128xf32>
    tpu.vector_store %arg5[%swap3A, %swap3A_43], %mul3A_42 {strides = array<i32>} : memref<10240x128xf32, #tpu.memory_space<vmem>>, vector<10240x128xf32>,
    return
  }
}

module attributes {stable_mosaic.version = 14 : i64} {
  func.func @_tc_layer2_body(%arg0: memref<2x10240x128xf32, #tpu.memory_space<vmem>>, %arg1: memref<2x10240xf32, #tpu.memory_space<vmem>>, %arg2: memref<2x10240xf32, #tpu.memory_space<vmem>>, %arg3: memref<128x128xf32, #tpu.memory_space<vmem>>, %arg4: memref<1x128xf32, #tpu.memory_space<vmem>>, %arg5: memref<128x64xf32, #tpu.memory_space<vmem>>, %arg6: memref<10240x64xf32, #tpu.memory_space<vmem>>) attributes {dimension_semantics = [], scalar_prefetch = 0 : i64, scratch_operands = 0 : i64, tpu.core_type = #tpu.core_type<tc>} {
    %get3A = arith.constant 0 : index
    %get3A_0 = arith.constant 0 : index
    %get3A_1 = arith.constant 0 : index
    %get3A_2 = vector.load %arg0[%get3A, %get3A_0, %get3A_1] : memref<2x10240x128xf32, #tpu.memory_space<vmem>>, vector<2x10240x128xf32>
    %slice3A = vector.extract_strided_slice %get3A_2 {offsets = [0, 0, 0], sizes = [1, 10240, 128], strides = [1, 1, 1]} : vector<2x10240x128xf32> to vector<1x10240x128xf32>
    %squeeze3A = vector.shape_cast %slice3A : vector<1x10240x128xf32> to vector<10240x128xf32>
    %slice3A_3 = vector.extract_strided_slice %get3A_2 {offsets = [1, 0, 0], sizes = [1, 10240, 128], strides = [1, 1, 1]} : vector<2x10240x128xf32> to vector<1x10240x128xf32>
    %squeeze3A_4 = vector.shape_cast %slice3A_3 : vector<1x10240x128xf32> to vector<10240x128xf32>
    %add3A = arith.addf %squeeze3A, %squeeze3A_4 : vector<10240x128xf32>
    %get3A_5 = arith.constant 0 : index
    %get3A_6 = arith.constant 0 : index
    %get3A_7 = vector.load %arg2[%get3A_5, %get3A_6] : memref<2x10240xf32, #tpu.memory_space<vmem>>, vector<2x10240xf32>
    %slice3A_8 = vector.extract_strided_slice %get3A_7 {offsets = [0, 0], sizes = [1, 10240], strides = [1, 1]} : vector<2x10240xf32> to vector<1x10240xf32>
    %squeeze3A_9 = vector.shape_cast %slice3A_8 : vector<1x10240xf32> to vector<10240xf32>
    %slice3A_10 = vector.extract_strided_slice %get3A_7 {offsets = [1, 0], sizes = [1, 10240], strides = [1, 1]} : vector<2x10240xf32> to vector<1x10240xf32>
    %squeeze3A_11 = vector.shape_cast %slice3A_10 : vector<1x10240xf32> to vector<10240xf32>
    %add3A_12 = arith.addf %squeeze3A_9, %squeeze3A_11 : vector<10240xf32>
    %max3A = arith.constant 1.000000e+00 : f32
    %max3A_13 = vector.broadcast %max3A : f32 to vector<10240xf32>
    %max3A_14 = arith.maximumf %add3A_12, %max3A_13 : vector<10240xf32>
    %rsqrt3A = math.rsqrt %max3A_14 : vector<10240xf32>
    %broadcast_in_dim3A = vector.shape_cast %rsqrt3A : vector<10240xf32> to vector<10240x1xf32>
    %mul3A = vector.broadcast %broadcast_in_dim3A : vector<10240x1xf32> to vector<10240x128xf32>
    %mul3A_15 = arith.mulf %add3A, %mul3A : vector<10240x128xf32>
    %get3A_16 = arith.constant 0 : index
    %get3A_17 = arith.constant 0 : index
    %get3A_18 = vector.load %arg3[%get3A_16, %get3A_17] : memref<128x128xf32, #tpu.memory_space<vmem>>, vector<128x128xf32>
    %dot_general3A = arith.constant dense<0.000000e+00> : vector<10240x128xf32>
    %dot_general3A_19 = tpu.matmul %mul3A_15, %get3A_18, %dot_general3A {dimension_numbers = #tpu.dot_dimension_numbers<[1], [0], [0], [1], [0, 0, 1, 1], [], []>, transpose_lhs_hint = false} : vector<10240x128xf32>, vector<128x128xf32>, vector<10240x128xf32> -> vector<10240x128xf32>
    %get3A_20 = arith.constant 0 : index
    %get3A_21 = arith.constant 0 : index
    %get3A_22 = vector.load %arg4[%get3A_20, %get3A_21] : memref<1x128xf32, #tpu.memory_space<vmem>>, vector<1x128xf32>
    %add3A_23 = vector.broadcast %get3A_22 : vector<1x128xf32> to vector<10240x128xf32>
    %add3A_24 = arith.addf %dot_general3A_19, %add3A_23 : vector<10240x128xf32>
    %max3A_25 = arith.constant 0.000000e+00 : f32
    %max3A_26 = vector.broadcast %max3A_25 : f32 to vector<10240x128xf32>
    %max3A_27 = arith.maximumf %add3A_24, %max3A_26 : vector<10240x128xf32>
    %get3A_28 = arith.constant 0 : index
    %get3A_29 = arith.constant 0 : index
    %get3A_30 = vector.load %arg1[%get3A_28, %get3A_29] : memref<2x10240xf32, #tpu.memory_space<vmem>>, vector<2x10240xf32>
    %slice3A_31 = vector.extract_strided_slice %get3A_30 {offsets = [0, 0], sizes = [1, 10240], strides = [1, 1]} : vector<2x10240xf32> to vector<1x10240xf32>
    %squeeze3A_32 = vector.shape_cast %slice3A_31 : vector<1x10240xf32> to vector<10240xf32>
    %slice3A_33 = vector.extract_strided_slice %get3A_30 {offsets = [1, 0], sizes = [1, 10240], strides = [1, 1]} : vector<2x10240xf32> to vector<1x10240xf32>
    %squeeze3A_34 = vector.shape_cast %slice3A_33 : vector<1x10240xf32> to vector<10240xf32>
    %add3A_35 = arith.addf %squeeze3A_32, %squeeze3A_34 : vector<10240xf32>
    %max3A_36 = arith.constant 1.000000e+00 : f32
    %max3A_37 = vector.broadcast %max3A_36 : f32 to vector<10240xf32>
    %max3A_38 = arith.maximumf %add3A_35, %max3A_37 : vector<10240xf32>
    %rsqrt3A_39 = math.rsqrt %max3A_38 : vector<10240xf32>
    %broadcast_in_dim3A_40 = vector.shape_cast %rsqrt3A_39 : vector<10240xf32> to vector<10240x1xf32>
    %mul3A_41 = vector.broadcast %broadcast_in_dim3A_40 : vector<10240x1xf32> to vector<10240x128xf32>
    %mul3A_42 = arith.mulf %max3A_27, %mul3A_41 : vector<10240x128xf32>
    %get3A_43 = arith.constant 0 : index
    %get3A_44 = arith.constant 0 : index
    %get3A_45 = vector.load %arg5[%get3A_43, %get3A_44] : memref<128x64xf32, #tpu.memory_space<vmem>>, vector<128x64xf32>
    %dot_general3A_46 = arith.constant dense<0.000000e+00> : vector<10240x64xf32>
    %dot_general3A_47 = tpu.matmul %mul3A_42, %get3A_45, %dot_general3A_46 {dimension_numbers = #tpu.dot_dimension_numbers<[1], [0], [0], [1], [0, 0, 1, 1], [], []>, transpose_lhs_hint = false} : vector<10240x128xf32>, vector<128x64xf32>, vector<10240x64xf32> -> vector<10240x64xf32>
    %swap3A = arith.constant 0 : index
    %swap3A_48 = arith.constant 0 : index
    %swap3A_49 = vector.load %arg6[%swap3A, %swap3A_48] : memref<10240x64xf32, #tpu.memory_space<vmem>>, vector<10240x64xf32>
    tpu.vector_store %arg6[%swap3A, %swap3A_48], %dot_general3A_47 {strides = array<i32>} : memref<10240x64xf32, #tpu.memory_space<vmem>>, vector<10240x64xf32>,
    return
  }
}

module attributes {stable_mosaic.version = 14 : i64} {
  func.func @_tc_final_body(%arg0: memref<2x10240x64xf32, #tpu.memory_space<vmem>>, %arg1: memref<2x10240xf32, #tpu.memory_space<vmem>>, %arg2: memref<1x64xf32, #tpu.memory_space<vmem>>, %arg3: memref<64x1xf32, #tpu.memory_space<vmem>>, %arg4: memref<1x1xf32, #tpu.memory_space<vmem>>, %arg5: memref<64x1xf32, #tpu.memory_space<vmem>>, %arg6: memref<1x1xf32, #tpu.memory_space<vmem>>, %arg7: memref<10240x1xf32, #tpu.memory_space<vmem>>, %arg8: memref<1x1xf32, #tpu.memory_space<vmem>>) attributes {dimension_semantics = [], scalar_prefetch = 0 : i64, scratch_operands = 0 : i64, tpu.core_type = #tpu.core_type<tc>} {
    %get3A = arith.constant 0 : index
    %get3A_0 = arith.constant 0 : index
    %get3A_1 = arith.constant 0 : index
    %get3A_2 = vector.load %arg0[%get3A, %get3A_0, %get3A_1] : memref<2x10240x64xf32, #tpu.memory_space<vmem>>, vector<2x10240x64xf32>
    %slice3A = vector.extract_strided_slice %get3A_2 {offsets = [0, 0, 0], sizes = [1, 10240, 64], strides = [1, 1, 1]} : vector<2x10240x64xf32> to vector<1x10240x64xf32>
    %squeeze3A = vector.shape_cast %slice3A : vector<1x10240x64xf32> to vector<10240x64xf32>
    %slice3A_3 = vector.extract_strided_slice %get3A_2 {offsets = [1, 0, 0], sizes = [1, 10240, 64], strides = [1, 1, 1]} : vector<2x10240x64xf32> to vector<1x10240x64xf32>
    %squeeze3A_4 = vector.shape_cast %slice3A_3 : vector<1x10240x64xf32> to vector<10240x64xf32>
    %add3A = arith.addf %squeeze3A, %squeeze3A_4 : vector<10240x64xf32>
    %get3A_5 = arith.constant 0 : index
    %get3A_6 = arith.constant 0 : index
    %get3A_7 = vector.load %arg1[%get3A_5, %get3A_6] : memref<2x10240xf32, #tpu.memory_space<vmem>>, vector<2x10240xf32>
    %slice3A_8 = vector.extract_strided_slice %get3A_7 {offsets = [0, 0], sizes = [1, 10240], strides = [1, 1]} : vector<2x10240xf32> to vector<1x10240xf32>
    %squeeze3A_9 = vector.shape_cast %slice3A_8 : vector<1x10240xf32> to vector<10240xf32>
    %slice3A_10 = vector.extract_strided_slice %get3A_7 {offsets = [1, 0], sizes = [1, 10240], strides = [1, 1]} : vector<2x10240xf32> to vector<1x10240xf32>
    %squeeze3A_11 = vector.shape_cast %slice3A_10 : vector<1x10240xf32> to vector<10240xf32>
    %add3A_12 = arith.addf %squeeze3A_9, %squeeze3A_11 : vector<10240xf32>
    %max3A = arith.constant 1.000000e+00 : f32
    %max3A_13 = vector.broadcast %max3A : f32 to vector<10240xf32>
    %max3A_14 = arith.maximumf %add3A_12, %max3A_13 : vector<10240xf32>
    %rsqrt3A = math.rsqrt %max3A_14 : vector<10240xf32>
    %broadcast_in_dim3A = vector.shape_cast %rsqrt3A : vector<10240xf32> to vector<10240x1xf32>
    %mul3A = vector.broadcast %broadcast_in_dim3A : vector<10240x1xf32> to vector<10240x64xf32>
    %mul3A_15 = arith.mulf %add3A, %mul3A : vector<10240x64xf32>
    %get3A_16 = arith.constant 0 : index
    %get3A_17 = arith.constant 0 : index
    %get3A_18 = vector.load %arg2[%get3A_16, %get3A_17] : memref<1x64xf32, #tpu.memory_space<vmem>>, vector<1x64xf32>
    %add3A_19 = vector.broadcast %get3A_18 : vector<1x64xf32> to vector<10240x64xf32>
    %add3A_20 = arith.addf %mul3A_15, %add3A_19 : vector<10240x64xf32>
    %get3A_21 = arith.constant 0 : index
    %get3A_22 = arith.constant 0 : index
    %get3A_23 = vector.load %arg3[%get3A_21, %get3A_22] : memref<64x1xf32, #tpu.memory_space<vmem>>, vector<64x1xf32>
    %dot_general3A = arith.constant dense<0.000000e+00> : vector<10240x1xf32>
    %dot_general3A_24 = tpu.matmul %add3A_20, %get3A_23, %dot_general3A {dimension_numbers = #tpu.dot_dimension_numbers<[1], [0], [0], [1], [0, 0, 1, 1], [], []>, transpose_lhs_hint = false} : vector<10240x64xf32>, vector<64x1xf32>, vector<10240x1xf32> -> vector<10240x1xf32>
    %get3A_25 = arith.constant 0 : index
    %get3A_26 = arith.constant 0 : index
    %get3A_27 = vector.load %arg4[%get3A_25, %get3A_26] : memref<1x1xf32, #tpu.memory_space<vmem>>, vector<1x1xf32>
    %add3A_28 = vector.broadcast %get3A_27 : vector<1x1xf32> to vector<10240x1xf32>
    %add3A_29 = arith.addf %dot_general3A_24, %add3A_28 : vector<10240x1xf32>
    %swap3A = arith.constant 0 : index
    %swap3A_30 = arith.constant 0 : index
    %swap3A_31 = vector.load %arg7[%swap3A, %swap3A_30] : memref<10240x1xf32, #tpu.memory_space<vmem>>, vector<10240x1xf32>
    tpu.vector_store %arg7[%swap3A, %swap3A_30], %add3A_29 {strides = array<i32>} : memref<10240x1xf32, #tpu.memory_space<vmem>>, vector<10240x1xf32>,
    %slice3A_32 = vector.extract_strided_slice %add3A_20 {offsets = [0, 0], sizes = [10000, 64], strides = [1, 1]} : vector<10240x64xf32> to vector<10000x64xf32>
    %reduce_sum3A = arith.constant dense<0.000000e+00> : vector<64xf32>
    %reduce_sum3A_33 = vector.multi_reduction <add>, %slice3A_32, %reduce_sum3A [0] : vector<10000x64xf32> to vector<64xf32>
    %broadcast_in_dim3A_34 = vector.shape_cast %reduce_sum3A_33 : vector<64xf32> to vector<1x64xf32>
    %mul3A_35 = arith.constant 9.99999974E-5 : f32
    %mul3A_36 = vector.broadcast %mul3A_35 : f32 to vector<1x64xf32>
    %mul3A_37 = arith.mulf %broadcast_in_dim3A_34, %mul3A_36 : vector<1x64xf32>
    %get3A_38 = arith.constant 0 : index
    %get3A_39 = arith.constant 0 : index
    %get3A_40 = vector.load %arg5[%get3A_38, %get3A_39] : memref<64x1xf32, #tpu.memory_space<vmem>>, vector<64x1xf32>
    %dot_general3A_41 = arith.constant dense<0.000000e+00> : vector<1x1xf32>
    %dot_general3A_42 = tpu.matmul %mul3A_37, %get3A_40, %dot_general3A_41 {dimension_numbers = #tpu.dot_dimension_numbers<[1], [0], [0], [1], [0, 0, 1, 1], [], []>, transpose_lhs_hint = false} : vector<1x64xf32>, vector<64x1xf32>, vector<1x1xf32> -> vector<1x1xf32>
    %get3A_43 = arith.constant 0 : index
    %get3A_44 = arith.constant 0 : index
    %get3A_45 = vector.load %arg6[%get3A_43, %get3A_44] : memref<1x1xf32, #tpu.memory_space<vmem>>, vector<1x1xf32>
    %add3A_46 = arith.addf %dot_general3A_42, %get3A_45 : vector<1x1xf32>
    %swap3A_47 = arith.constant 0 : index
    %swap3A_48 = arith.constant 0 : index
    %swap3A_49 = vector.load %arg8[%swap3A_47, %swap3A_48] : memref<1x1xf32, #tpu.memory_space<vmem>>, vector<1x1xf32>
    tpu.vector_store %arg8[%swap3A_47, %swap3A_48], %add3A_46 {strides = array<i32>} : memref<1x1xf32, #tpu.memory_space<vmem>>, vector<1x1xf32>,
    return
  }
}

</mosaic_0001>

<sc_bundles>
// kernel: kernel.10.cloned.1.call-start
scs
__scs_entry_jumppad:
0x0: {  	(pc) =	sbr.rel $0x88, $3  }
0x1: {  	(tag) =	ssettag $0x0;
	lr =	simm.s32 $0x1  }
0x2: {  	[smem:$0x3F95] =	sst lr;
	_ =	strace $0xD0000000  }
0x3: {  	_ = 	snop  }
0x4: {  	_ = 	snop  }
0x5: {  	_ = 	snop  }
0x6: {  	_ = 	snop  }
0x7: {  	_ = 	snop  }
__scs_overlays_trampoline_lowered:
0x8: {  	[smem:$0x3FA4] =	sst s0  }
0x9: {  	[smem:$0x3FA5] =	sst s1  }
0xa: {  	[smem:$0x3FA6] =	sst s2  }
0xb: {  	[smem:$0x3FA7] =	sst s3  }
0xc: {  	[smem:$0x3FA8] =	sst s4  }
0xd: {  	[smem:$0x3FA9] =	sst s5  }
0xe: {  	[smem:$0x3FAA] =	sst s6  }
0xf: {  	[smem:$0x3FAB] =	sst s7  }
0x10: {  	[smem:$0x3FAC] =	sst s8  }
0x11: {  	[smem:$0x3FAD] =	sst s9;
	s0 =	simm.s32 @!p0 $0x0  }
0x12: {  	s1 =	sld [smem:$0x3F93];
	s0 =	simm.s32 @p0 $0x1  }
0x13: {  	[smem:$0x3FAE] =	sst s0;
	s0 =	simm.s32 @!p1 $0x0  }
0x14: {  	s2 =	sld [smem:$0x3F92];
	s0 =	simm.s32 @p1 $0x1  }
0x15: {  	[smem:$0x3FAF] =	sst s0;
	s0 =	simm.s32 @!p2 $0x0  }
0x16: {  	s3 =	sld [smem:$0x3FDB];
	s0 =	simm.s32 @p2 $0x1  }
0x17: {  	s4 =	simm.s32 $0x1BF5;
	[smem:$0x3FB1] =	sst s0  }
0x18: {  	s0 =	sld [smem:$0x3F94];
	_ =	swait.ge [sflag:s4], $0x0  }
0x19: {  	s7 =	sld [smem:$0x3F95]  }
0x1a: {  	s8 =	sadd.s32 $0xFFFFE003, lr  }
0x1b: {  	s9 =	sadd.s32 $0xFFFFFEF7, lr;
	s5 =	simm.s32 $0xFFFFFFFF;
	p2 =	slt.u32 s8, $0xFFFFF086  }
0x1c: {  	p1 =	slt.u32 s9, $0xF7A;
	s5 =	simm.s32 @!p2 $0x0  }
0x1d: {  	s5 =	simm.s32 @p1 $0x1;
	p0 =	seq.s32 s7, s2  }
0x1e: {  	s7 =	smul.u32 @!p0 $0xF7A, s2;
	p2 =	seq.s32 @!p0 s5, $0x0  }
0x1f: {  	s9 =	smul.u32 $0xF7A, s1;
	s8 =	simm.s32 @!p0 $0x1BF5;
	p2 =	por !p2, p0  }
0x20: {  	[sflag:s8] =	ssyncset.s32 @!p0 $0xFFFFF086;
	s6 =	sadd.s32 @!p0 s3, s7;
	s7 =	simm.s32 @!p0 $0x108  }
0x21: {  	s3 =	sadd.s32 s3, s9;
	s6 =	sadd.s32 @!p0 $0x88, s6;
	s7 =	simm.s32 @p2 $0x1082  }
0x22: {  	[simem:s7], [sflag:s8] =	dma.local @!p0 [hbm:s6], $0xF7A  }
0x23: {  	s9 =	sor.u32 $0xD0000000, s2;
	s6 =	simm.s32 $0x108;
	_ =	swait.ge @!p0 [sflag:s8], $0x0  }
0x24: {  	s3 =	sadd.s32 $0x88, s3;
	s6 =	simm.s32 @!p1 $0x1082;
	[sflag:s4] =	ssyncset.s32 $0xFFFFF086  }
0x25: {  	[simem:s6], [sflag:s4] =	dma.local [hbm:s3], $0xF7A  }
0x26: {  	[smem:$0x3F95] =	sst s1;
	(tag) =	ssettag s2;
	_ =	strace s9  }
0x27: {  	s1 =	sld [smem:$0x3FA5]  }
0x28: {  	s2 =	sld [smem:$0x3FA6]  }
0x29: {  	s4 =	sld [smem:$0x3FA8]  }
0x2a: {  	p0 =	seq.s32 s5, $0x0;
	s5 =	sld [smem:$0x3FA9]  }
0x2b: {  	s6 =	sld [smem:$0x3FAA]  }
0x2c: {  	s7 =	sld [smem:$0x3FAB]  }
0x2d: {  	s3 =	simm.s32 $0x108;
	s8 =	sld [smem:$0x3FAC]  }
0x2e: {  	s3 =	simm.s32 @!p0 $0x1082;
	s9 =	sld [smem:$0x3FAD]  }
0x2f: {  	lr =	sadd.s32 s0, s3;
	s0 =	sld [smem:$0x3FA4]  }
0x30: {  	s3 =	sld [smem:$0x3FA7]  }
0x31: {  	[smem:$0x3FB0] =	sst s10  }
0x32: {  	s10 =	sld [smem:$0x3FAE];
	_ =	sdelay $0x3  }
0x33: {  	p0 =	seq.s32 s10, $0x1;
	s10 =	sld [smem:$0x3FB0];
	_ =	sdelay $0x3  }
0x34: {  	[smem:$0x3FB0] =	sst s10  }
0x35: {  	s10 =	sld [smem:$0x3FAF];
	_ =	sdelay $0x3  }
0x36: {  	p1 =	seq.s32 s10, $0x1;
	s10 =	sld [smem:$0x3FB0];
	_ =	sdelay $0x3  }
0x37: {  	[smem:$0x3FB0] =	sst s10  }
0x38: {  	s10 =	sld [smem:$0x3FB1]  }
0x39: {  	_ = 	snop;
	(pc) =	sbr.ind lr, $3  }
0x3a: {  	_ = 	snop  }
0x3b: {  	_ = 	snop  }
0x3c: {  	p2 =	seq.s32 s10, $0x1;
	s10 =	sld [smem:$0x3FB0]  }
0x3d: {  	_ =	shalt  }
0x3e: {  	_ =	shalt  }
0x3f: {  	_ =	shalt  }
0x40: {  	_ =	shalt  }
0x41: {  	_ =	shalt  }
0x42: {  	_ =	shalt  }
0x43: {  	_ =	shalt  }
0x44: {  	_ =	shalt  }
0x45: {  	_ =	shalt  }
0x46: {  	_ =	shalt  }
0x47: {  	_ =	shalt  }
0x48: {  	_ =	shalt  }
0x49: {  	_ =	shalt  }
0x4a: {  	_ =	shalt  }
0x4b: {  	_ =	shalt  }
0x4c: {  	_ =	shalt  }
0x4d: {  	_ =	shalt  }
0x4e: {  	_ =	shalt  }
0x4f: {  	_ =	shalt  }
0x50: {  	_ =	shalt  }
0x51: {  	_ =	shalt  }
0x52: {  	_ =	shalt  }
0x53: {  	_ =	shalt  }
0x54: {  	_ =	shalt  }
0x55: {  	_ =	shalt  }
0x56: {  	_ =	shalt  }
0x57: {  	_ =	shalt  }
0x58: {  	_ =	shalt  }
0x59: {  	_ =	shalt  }
0x5a: {  	_ =	shalt  }
0x5b: {  	_ =	shalt  }
0x5c: {  	_ =	shalt  }
0x5d: {  	_ =	shalt  }
0x5e: {  	_ =	shalt  }
0x5f: {  	_ =	shalt  }
0x60: {  	_ =	shalt  }
0x61: {  	_ =	shalt  }
0x62: {  	_ =	shalt  }
0x63: {  	_ =	shalt  }
0x64: {  	_ =	shalt  }
0x65: {  	_ =	shalt  }
0x66: {  	_ =	shalt  }
0x67: {  	_ =	shalt  }
0x68: {  	_ =	shalt  }
0x69: {  	_ =	shalt  }
0x6a: {  	_ =	shalt  }
0x6b: {  	_ =	shalt  }
0x6c: {  	_ =	shalt  }
0x6d: {  	_ =	shalt  }
0x6e: {  	_ =	shalt  }
0x6f: {  	_ =	shalt  }
0x70: {  	_ =	shalt  }
0x71: {  	_ =	shalt  }
0x72: {  	_ =	shalt  }
0x73: {  	_ =	shalt  }
0x74: {  	_ =	shalt  }
0x75: {  	_ =	shalt  }
0x76: {  	_ =	shalt  }
0x77: {  	_ =	shalt  }
0x78: {  	_ =	shalt  }
0x79: {  	_ =	shalt  }
0x7a: {  	_ =	shalt  }
0x7b: {  	_ =	shalt  }
0x7c: {  	_ =	shalt  }
0x7d: {  	_ =	shalt  }
0x7e: {  	_ =	shalt  }
0x7f: {  	_ =	shalt  }
0x80: {  	_ =	shalt  }
0x81: {  	_ =	shalt  }
0x82: {  	_ =	shalt  }
0x83: {  	_ =	shalt  }
0x84: {  	_ =	shalt  }
0x85: {  	_ =	shalt  }
0x86: {  	_ =	shalt  }
0x87: {  	_ =	shalt  }
.Lfunc_end0:
.L_simem_size_0:
called_computation_lowered:
.L_overlay_start_0:
0x88: {  	s2 =	sld [smem:$0x3FD9]  }
0x89: {  	s3 =	sld [smem:$0x3FFE];
	_ =	sdelay $0x1  }
0x8a: {  	s1 =	srdreg.scid  }
0x8b: {  	s0 =	sand.u32 $0x1, s1  }
0x8c: {  	s14 =	sshll.u32 s0, $0xA;
	s2 =	sadd.s32 s3, s2  }
0x8d: {  	s2 =	sadd.s32 s2, s14  }
0x8e: {  	[smem:$0x3FBC] =	sst s2  }
0x8f: {  	_ = 	snop  }
0x90: {  	s2 =	sld [smem:$0x3FD0];
	_ =	sdelay $0x2  }
0x91: {  	s15 =	simm.s32 $0xA;
	s4 =	simm.s32 $0x10  }
0x92: {  	[smem:s4], [sflag:s15] =	dma.local [hbm:s2], $0x1  }
0x93: {  	_ =	swait.eq [sflag:s15], $0x1  }
0x94: {  	[sflag:s15] =	ssyncset.done $0x0  }
0x95: {  	s16 =	sld [smem:$0x10];
	[sflag:s15] =	ssyncadd.s32 $0xFFFFFFFF  }
0x96: {  	s17 =	sld [smem:$0x11];
	(tm) =	ssettm $0x1  }
0x97: {  	s18 =	sld [smem:$0x3FFB];
	_ =	sdelay $0x3  }
0x98: {  	_ =	strace s18  }
0x99: {  	s4 =	sld [smem:$0x3FFC];
	_ =	sdelay $0x3  }
0x9a: {  	_ =	strace s4  }
0x9b: {  	s4 =	sld [smem:$0x3FFD];
	_ =	sdelay $0x3  }
0x9c: {  	_ =	strace s4  }
0x9d: {  	_ =	strace $0x8FFFFFFF  }
0x9e: {  	s19 =	sld [smem:$0x3FDB];
	_ =	sdelay $0x1  }
0x9f: {  	s5 =	simm.s32 $_scs_section_size  }
0xa0: {  	s6 =	simm.s32 $_size__tile_overlayer_lowered;
	s7 =	simm.s32 $_tile_overlayer_lowered  }
0xa1: {  	s22 =	simm.s32 $0x1BFF;
	s21 =	sshll.u32 s7, $0x1;
	s4 =	sadd.s32 s5, s19  }
0xa2: {  	s8 =	simm.s32 $0x0;
	s20 =	sshll.u32 s6, $0x1;
	s6 =	sadd.s32 s21, s4  }
0xa3: {  	[timem:s8], [sflag:s22] =	dma.local [hbm:s6], s20  }
0xa4: {  	_ =	swait.ge [sflag:s22], s20  }
0xa5: {  	s5 =	ssub.s32 $0x0, s20;
	[sflag:s22] =	ssyncset.done $0x0  }
0xa6: {  	[sflag:s22] =	ssyncadd.s32 s5;
	_ =	sdelay $0x1  }
0xa7: {  	s23 =	simm.s32 $0x1B8B  }
0xa8: {  	_ =	swait.ge [sflag:s23], $0x1  }
0xa9: {  	[sflag:s23] =	ssyncset.done $0x0  }
0xaa: {  	s25 =	simm.s32 $0x1B8E;
	s24 =	sld [smem:$0x3FFE];
	[sflag:s23] =	ssyncadd.s32 $0xFFFFFFFF  }
0xab: {  	s26 =	simm.s32 $execute0_lowered;
	[smem:$0x3FD2] =	sst s25  }
0xac: {  	s6 =	sshll.u32 s26, $0x1;
	_ =	strace $0x80000046;
	[dreg:$0x1] =	wrdreg $0xFFFFFFFF  }
0xad: {  	s28 =	simm.s32 $_size_execute0_lowered;
	s4 =	sadd.s32 s4, s6;
	[dreg:$0x0] =	wrdreg $0x0  }
0xae: {  	s6 =	sshll.u32 s28, $0x1;
	[dreg:$0x2] =	wrdreg s4  }
0xaf: {  	[dreg:$0x3] =	wrdreg s6  }
0xb0: {  	[dreg:$0x4] =	wrdreg $0xC0  }
0xb1: {  	_ =	task [dreg:s8], $0x5FFFF  }
0xb2: {  	[dreg:$0x1] =	wrdreg $0xFFFFFFFF  }
0xb3: {  	[dreg:$0x0] =	wrdreg $0x60  }
0xb4: {  	[dreg:$0x2] =	wrdreg s24  }
0xb5: {  	[dreg:$0x3] =	wrdreg s17  }
0xb6: {  	[dreg:$0x4] =	wrdreg s16  }
0xb7: {  	[dreg:$0x5] =	wrdreg $0x50800  }
0xb8: {  	[dreg:$0x6] =	wrdreg $0x53000  }
0xb9: {  	[dreg:$0x7] =	wrdreg $0x9  }
0xba: {  	_ =	task.clear_ibuf [dreg:s8], $0x8FFFF;
	_ =	strace $0x90000046  }
0xbb: {  	s29 =	simm.s32 $0x9;
	_ =	strace $0x80000048  }
0xbc: {  	_ =	swait.ge [sflag:s29], $0x1  }
0xbd: {  	[sflag:s29] =	ssyncadd.s32 $0xFFFFFFFF  }
0xbe: {  	_ =	strace $0x90000048  }
0xbf: {  	_ =	sfence  }
0xc0: {  	s30 =	sld [smem:$0x0];
	_ =	sdelay $0x2  }
0xc1: {  	s31 =	sshll.u32 s1, $0xD;
	s1 =	sshrl.u32 s1, $0x2  }
0xc2: {  	s3 =	sand.u32 $0x4000, s31;
	s1 =	sadd.s32 s1, s30  }
0xc3: {  	s0 =	sor.u32 s3, s0;
	s1 =	sshll.u32 s1, $0x11  }
0xc4: {  	s0 =	sor.u32 s1, s0  }
0xc5: {  	s0 =	sadd.s32 $0x8F2B, s0  }
0xc6: {  	[sflag:s0] =	ssyncadd.remote.s32 $0x1  }
0xc7: {  	_ =	sfence.sel $0xFFFF  }
0xc8: {  	[dreg:$0x0] =	wrdreg $0xFFFFFFFF;
	(pc) =	sbr.abs _section_cstart, $3  }
0xc9: {  	[dreg:$0x1] =	wrdreg $0xFFFFFFFF  }
0xca: {  	_ =	task.clear_ibuf [dreg:s8], $0x2FFFF;
	_ =	strace $0x9FFFFFFF  }
0xcb: {  	(tm) =	ssettm $0x7FFFFFFF  }
tec
execute0_lowered:
.L_overlay_start_1:
0x0: {  	(tag) =	ssettag $0x1  }
0x1: {  	s7 =	rddreg [dreg:$0x0]  }
0x2: {  	s1 =	rddreg [dreg:$0x1]  }
0x3: {  	s2 =	rddreg [dreg:$0x2]  }
0x4: {  	s3 =	rddreg [dreg:$0x3]  }
0x5: {  	s5 =	rddreg [dreg:$0x4]  }
0x6: {  	s0 =	rddreg [dreg:$0x5];
	s8 =	srdreg.scid  }
0x7: {  	s6 =	simm.s32 $0x0;
	s4 =	stileid.u32;
	s13 =	simm.s32 $0x2800  }
0x8: {  	s14 =	simm.s32 $0x5000;
	s18 =	simm.s32 $0x80;
	s19 =	simm.s32 $0x20  }
0x9: {  	s20 =	simm.s32 $0x10;
	s21 =	simm.s32 $0x0;
	s10 =	smul.u32 $0x500, s4  }
0xa: {  	s8 =	sand.u32 $0x1, s8;
	[smem:$0x7FF] =	sst s6;
	s12 =	smul.u32 $0x280, s4  }
0xb: {  	s15 =	sshll.u32 s4, $0x6;
	s9 =	sshll.u32 s8, $0x4;
	_ =	strace $0x80000047  }
0xc: {  	s11 =	sshll.u32 s8, $0x7;
	s8 =	ssub.s32 $0x2, s8;
	s15 =	sor.u32 $0x1C01, s15  }
0xd: {  	s9 =	sor.u32 s4, s9;
	s10 =	sor.u32 s11, s10;
	s31 =	sshrl.u32 s8, $0x1  }
0xe: {  	s16 =	sadd.s32 s12, s3;
	s17 =	sadd.s32 s12, s5;
	s9 =	smul.u32 $0x500, s9  }
0xf: {  	s12 =	simm.s32 $0x1;
	s10 =	sshrl.u32 s10, $0x3;
	s11 =	ssub.s32 s8, s31  }
0x10: {  	s16 =	sshrl.u32 s16, $0x3;
	s17 =	sshrl.u32 s17, $0x3;
	s9 =	sadd.s32 s9, s7  }
0x11: {  	s10 =	sadd.s32 s10, s7;
	s11 =	smax.u32 s11, $0x1;
	s7 =	sadd.s32 $0xD400, s9  }
0x12: {  	s8 =	sadd.s32 $0x3400, s9;
	s9 =	sadd.s32 $0x17400, s10;
	s10 =	sadd.s32 $0x17E00, s10  }
.LBB2_1:
0x13: {  	[tilespmem:s6], [sflag:$0x1] =	stream.linear.gather [hbm4b:s7+s6], $0x2800, $0x38;
	[tilespmem:$0x5580] =	vst v63  }
0x14: {  	_ =	swait.ge [sflag:s12], $0x2800  }
0x15: {  	[sflag:s12] =	ssyncset.done $0x0  }
0x16: {  	[sflag:s12] =	ssyncadd.s32 $0xFFFFD800  }
0x17: {  	[tilespmem:s13], [sflag:$0x1] =	stream.linear.gather [hbm4b:s8+s6], $0x2800, $0x38;
	[tilespmem:$0x5580] =	vst v63  }
0x18: {  	_ =	swait.ge [sflag:s12], $0x2800  }
0x19: {  	[sflag:s12] =	ssyncset.done $0x0  }
0x1a: {  	[sflag:s12] =	ssyncadd.s32 $0xFFFFD800  }
0x1b: {  	[tilespmem:s14], [sflag:$0x1] =	stream.linear.gather [hbm4b:s1+s6], $0x80, $0x38;
	[tilespmem:$0x5580] =	vst v63  }
0x1c: {  	_ =	swait.ge [sflag:s12], $0x80  }
0x1d: {  	[sflag:s12] =	ssyncset.done $0x0  }
0x1e: {  	[sflag:s12] =	ssyncadd.s32 $0xFFFFFF80  }
0x1f: {  	[spmem:s16], [sflag:s15] =	dma.local [hbm:s2], $0x50  }
0x20: {  	_ =	swait.ge [sflag:s12], $0x50  }
0x21: {  	[sflag:s12] =	ssyncset.done $0x0  }
0x22: {  	[sflag:s12] =	ssyncadd.s32 $0xFFFFFFB0  }
0x23: {  	[spmem:s17], [sflag:s15] =	dma.local [hbm:s2], $0x50  }
0x24: {  	_ =	swait.ge [sflag:s12], $0x50  }
0x25: {  	[sflag:s12] =	ssyncset.done $0x0  }
0x26: {  	[sflag:s12] =	ssyncadd.s32 $0xFFFFFFB0  }
0x27: {  	s22 =	simm.s32 $0x0;
	[bflag:$0x0] =	sbarrier.arrive $0xFFFF  }
0x28: {  	[spmem:s3] =	stream.indirect.scatter.add.f32 [tilespmem:s14], [sflag:$0x1], $0x1, s22, s18, $0xb8;
	[tilespmem:$0x5580] =	vst v63  }
0x29: {  	_ =	swait.ge [sflag:s12], $0x80  }
0x2a: {  	[sflag:s12] =	ssyncset.done $0x0  }
0x2b: {  	s31 =	simm.s32 $0x2800;
	[sflag:s12] =	ssyncadd.s32 $0xFFFFFF80  }
0x2c: {  	[spmem:s5] =	stream.indirect.scatter.add.f32 [tilespmem:s14], [sflag:$0x1], $0x1, s31, s18, $0xb8;
	[tilespmem:$0x5580] =	vst v63  }
0x2d: {  	_ =	swait.ge [sflag:s12], $0x80  }
0x2e: {  	s23 =	simm.s32 $0x400;
	s22 =	simm.s32 $0x200;
	[sflag:s12] =	ssyncset.done $0x0  }
.LBB2_2:
0x2f: {  	s24 =	sshra.s32 s22, $0x2  }
0x30: {  	[sflag:s12] =	ssyncadd.s32 $0xFFFFFF80;
	s22 =	smov.u32 s23;
	s25 =	sadd.s32 $0x200, s23  }
0x31: {  	[spmem:s3] =	stream.indirect.scatter.add.f32 [tilespmem:s14], [sflag:$0x1], $0x1, s24, s18, $0xb8;
	[tilespmem:$0x5580] =	vst v63  }
0x32: {  	p0 =	sne.s32 s23, $0x9E00;
	_ =	swait.ge [sflag:s12], $0x80  }
.Ltmp0:
0x33: {  	[sflag:s12] =	ssyncset.done $0x0;
	(pc) =	sbr.rel @p0 .LBB2_2-.Ltmp0, $4  }
0x34: {  	s23 =	sadd.s32 $0x2800, s24;
	[sflag:s12] =	ssyncadd.s32 $0xFFFFFF80  }
0x35: {  	[spmem:s5] =	stream.indirect.scatter.add.f32 [tilespmem:s14], [sflag:$0x1], $0x1, s23, s18, $0xb8;
	[tilespmem:$0x5580] =	vst v63  }
0x36: {  	_ =	swait.ge [sflag:s12], $0x80  }
0x37: {  	s23 =	smov.u32 s25;
	[sflag:s12] =	ssyncset.done $0x0  }
0x38: {  	s22 =	sshra.s32 s22, $0x2;
	[sflag:s12] =	ssyncadd.s32 $0xFFFFFF80  }
0x39: {  	[spmem:s3] =	stream.indirect.scatter.add.f32 [tilespmem:s14], [sflag:$0x1], $0x1, s22, s18, $0xb8;
	[tilespmem:$0x5580] =	vst v63  }
0x3a: {  	_ =	swait.ge [sflag:s12], $0x80  }
0x3b: {  	[sflag:s12] =	ssyncset.done $0x0  }
0x3c: {  	s22 =	sadd.s32 $0x2800, s22;
	[sflag:s12] =	ssyncadd.s32 $0xFFFFFF80  }
0x3d: {  	[spmem:s5] =	stream.indirect.scatter.add.f32 [tilespmem:s14], [sflag:$0x1], $0x1, s22, s18, $0xb8;
	[tilespmem:$0x5580] =	vst v63  }
0x3e: {  	_ =	swait.ge [sflag:s12], $0x80  }
0x3f: {  	[sflag:s12] =	ssyncset.done $0x0  }
0x40: {  	[sflag:s12] =	ssyncadd.s32 $0xFFFFFF80  }
0x41: {  	[bflag:$0x0] =	sbarrier.arrive $0xFFFF  }
0x42: {  	[hbm:s9@s19], [sflag:s15] =	dma.strided [spmem:s16@s20], $0x50, s12, $0x10   }
0x43: {  	s21 =	sadd.s32 $0x1, s21;
	_ =	swait.ge [sflag:s12], $0x50  }
0x44: {  	p0 =	sne.s32 s21, s11;
	[sflag:s12] =	ssyncset.done $0x0  }
.Ltmp1:
0x45: {  	[sflag:s12] =	ssyncadd.s32 $0xFFFFFFB0;
	(pc) =	sbr.rel @p0 .LBB2_1-.Ltmp1, $4  }
0x46: {  	[hbm:s10@s19], [sflag:s15] =	dma.strided [spmem:s17@s20], $0x50, s12, $0x10   }
0x47: {  	_ =	swait.ge [sflag:s12], $0x50  }
0x48: {  	[sflag:s12] =	ssyncset.done $0x0  }
0x49: {  	[sflag:s12] =	ssyncadd.s32 $0xFFFFFFB0  }
0x4a: {  	_ =	sfence.sel $0x180000  }
0x4b: {  	[bflag:$0x0] =	sbarrier.arrive $0xFFFF  }
0x4c: {  	p0 =	sne.s32 s4, $0x0;
	_ =	strace $0x90000047  }
0x4d: {  	s0 =	sadd.s32 @!p0 $0x100000, s0;
	[bflag:$0x2] =	sbarrier.arrive $0xFFFF  }
0x4e: {  	[sflag:s0] =	ssyncadd.tile.s32 @!p0 $0x1;
	_ =	shalt  }
.Lfunc_end2:
_tile_overlayer_lowered:
.L_overlay_start_2:
0x4f: {  	(tag) =	ssettag $0x2  }
0x50: {  	s0 =	rddreg [dreg:$0x0];
	s2 =	stileid.u32  }
0x51: {  	s1 =	rddreg [dreg:$0x1];
	p0 =	sne.s32 s2, $0x0  }
0x52: {  	s3 =	rddreg [dreg:$0x2];
	[bflag:$0x3] =	sbarrier.arrive $0xFFFF;
	s2 =	simm.s32 @!p0 $0x1C01  }
0x53: {  	[timem:s3], [sflag:s2] =	dma.local @!p0 [hbm:s0], s1  }
0x54: {  	s0 =	simm.s32 @!p0 $0x1  }
0x55: {  	_ =	swait.ge @!p0 [sflag:s0], s1  }
0x56: {  	s1 =	ssub.s32 @!p0 $0x0, s1;
	[sflag:s0] =	ssyncset.done @!p0 $0x0  }
0x57: {  	[sflag:s0] =	ssyncadd.s32 @!p0 s1  }
0x58: {  	[bflag:$0x3] =	sbarrier.arrive $0xFFFF  }
0x59: {  	_ =	shalt  }

// kernel: kernel.13.cloned.1.call-start
scs
__scs_entry_jumppad:
0x0: {  	(pc) =	sbr.rel $0x88, $3  }
0x1: {  	(tag) =	ssettag $0x0;
	lr =	simm.s32 $0x1  }
0x2: {  	[smem:$0x3F95] =	sst lr;
	_ =	strace $0xD0000000  }
0x3: {  	_ = 	snop  }
0x4: {  	_ = 	snop  }
0x5: {  	_ = 	snop  }
0x6: {  	_ = 	snop  }
0x7: {  	_ = 	snop  }
__scs_overlays_trampoline_lowered:
0x8: {  	[smem:$0x3FA4] =	sst s0  }
0x9: {  	[smem:$0x3FA5] =	sst s1  }
0xa: {  	[smem:$0x3FA6] =	sst s2  }
0xb: {  	[smem:$0x3FA7] =	sst s3  }
0xc: {  	[smem:$0x3FA8] =	sst s4  }
0xd: {  	[smem:$0x3FA9] =	sst s5  }
0xe: {  	[smem:$0x3FAA] =	sst s6  }
0xf: {  	[smem:$0x3FAB] =	sst s7  }
0x10: {  	[smem:$0x3FAC] =	sst s8  }
0x11: {  	[smem:$0x3FAD] =	sst s9;
	s0 =	simm.s32 @!p0 $0x0  }
0x12: {  	s1 =	sld [smem:$0x3F93];
	s0 =	simm.s32 @p0 $0x1  }
0x13: {  	[smem:$0x3FAE] =	sst s0;
	s0 =	simm.s32 @!p1 $0x0  }
0x14: {  	s2 =	sld [smem:$0x3F92];
	s0 =	simm.s32 @p1 $0x1  }
0x15: {  	[smem:$0x3FAF] =	sst s0;
	s0 =	simm.s32 @!p2 $0x0  }
0x16: {  	s3 =	sld [smem:$0x3FDB];
	s0 =	simm.s32 @p2 $0x1  }
0x17: {  	s4 =	simm.s32 $0x1BF5;
	[smem:$0x3FB1] =	sst s0  }
0x18: {  	s0 =	sld [smem:$0x3F94];
	_ =	swait.ge [sflag:s4], $0x0  }
0x19: {  	s7 =	sld [smem:$0x3F95]  }
0x1a: {  	s8 =	sadd.s32 $0xFFFFE003, lr  }
0x1b: {  	s9 =	sadd.s32 $0xFFFFFEF7, lr;
	s5 =	simm.s32 $0xFFFFFFFF;
	p2 =	slt.u32 s8, $0xFFFFF086  }
0x1c: {  	p1 =	slt.u32 s9, $0xF7A;
	s5 =	simm.s32 @!p2 $0x0  }
0x1d: {  	s5 =	simm.s32 @p1 $0x1;
	p0 =	seq.s32 s7, s2  }
0x1e: {  	s7 =	smul.u32 @!p0 $0xF7A, s2;
	p2 =	seq.s32 @!p0 s5, $0x0  }
0x1f: {  	s9 =	smul.u32 $0xF7A, s1;
	s8 =	simm.s32 @!p0 $0x1BF5;
	p2 =	por !p2, p0  }
0x20: {  	[sflag:s8] =	ssyncset.s32 @!p0 $0xFFFFF086;
	s6 =	sadd.s32 @!p0 s3, s7;
	s7 =	simm.s32 @!p0 $0x108  }
0x21: {  	s3 =	sadd.s32 s3, s9;
	s6 =	sadd.s32 @!p0 $0x88, s6;
	s7 =	simm.s32 @p2 $0x1082  }
0x22: {  	[simem:s7], [sflag:s8] =	dma.local @!p0 [hbm:s6], $0xF7A  }
0x23: {  	s9 =	sor.u32 $0xD0000000, s2;
	s6 =	simm.s32 $0x108;
	_ =	swait.ge @!p0 [sflag:s8], $0x0  }
0x24: {  	s3 =	sadd.s32 $0x88, s3;
	s6 =	simm.s32 @!p1 $0x1082;
	[sflag:s4] =	ssyncset.s32 $0xFFFFF086  }
0x25: {  	[simem:s6], [sflag:s4] =	dma.local [hbm:s3], $0xF7A  }
0x26: {  	[smem:$0x3F95] =	sst s1;
	(tag) =	ssettag s2;
	_ =	strace s9  }
0x27: {  	s1 =	sld [smem:$0x3FA5]  }
0x28: {  	s2 =	sld [smem:$0x3FA6]  }
0x29: {  	s4 =	sld [smem:$0x3FA8]  }
0x2a: {  	p0 =	seq.s32 s5, $0x0;
	s5 =	sld [smem:$0x3FA9]  }
0x2b: {  	s6 =	sld [smem:$0x3FAA]  }
0x2c: {  	s7 =	sld [smem:$0x3FAB]  }
0x2d: {  	s3 =	simm.s32 $0x108;
	s8 =	sld [smem:$0x3FAC]  }
0x2e: {  	s3 =	simm.s32 @!p0 $0x1082;
	s9 =	sld [smem:$0x3FAD]  }
0x2f: {  	lr =	sadd.s32 s0, s3;
	s0 =	sld [smem:$0x3FA4]  }
0x30: {  	s3 =	sld [smem:$0x3FA7]  }
0x31: {  	[smem:$0x3FB0] =	sst s10  }
0x32: {  	s10 =	sld [smem:$0x3FAE];
	_ =	sdelay $0x3  }
0x33: {  	p0 =	seq.s32 s10, $0x1;
	s10 =	sld [smem:$0x3FB0];
	_ =	sdelay $0x3  }
0x34: {  	[smem:$0x3FB0] =	sst s10  }
0x35: {  	s10 =	sld [smem:$0x3FAF];
	_ =	sdelay $0x3  }
0x36: {  	p1 =	seq.s32 s10, $0x1;
	s10 =	sld [smem:$0x3FB0];
	_ =	sdelay $0x3  }
0x37: {  	[smem:$0x3FB0] =	sst s10  }
0x38: {  	s10 =	sld [smem:$0x3FB1]  }
0x39: {  	_ = 	snop;
	(pc) =	sbr.ind lr, $3  }
0x3a: {  	_ = 	snop  }
0x3b: {  	_ = 	snop  }
0x3c: {  	p2 =	seq.s32 s10, $0x1;
	s10 =	sld [smem:$0x3FB0]  }
0x3d: {  	_ =	shalt  }
0x3e: {  	_ =	shalt  }
0x3f: {  	_ =	shalt  }
0x40: {  	_ =	shalt  }
0x41: {  	_ =	shalt  }
0x42: {  	_ =	shalt  }
0x43: {  	_ =	shalt  }
0x44: {  	_ =	shalt  }
0x45: {  	_ =	shalt  }
0x46: {  	_ =	shalt  }
0x47: {  	_ =	shalt  }
0x48: {  	_ =	shalt  }
0x49: {  	_ =	shalt  }
0x4a: {  	_ =	shalt  }
0x4b: {  	_ =	shalt  }
0x4c: {  	_ =	shalt  }
0x4d: {  	_ =	shalt  }
0x4e: {  	_ =	shalt  }
0x4f: {  	_ =	shalt  }
0x50: {  	_ =	shalt  }
0x51: {  	_ =	shalt  }
0x52: {  	_ =	shalt  }
0x53: {  	_ =	shalt  }
0x54: {  	_ =	shalt  }
0x55: {  	_ =	shalt  }
0x56: {  	_ =	shalt  }
0x57: {  	_ =	shalt  }
0x58: {  	_ =	shalt  }
0x59: {  	_ =	shalt  }
0x5a: {  	_ =	shalt  }
0x5b: {  	_ =	shalt  }
0x5c: {  	_ =	shalt  }
0x5d: {  	_ =	shalt  }
0x5e: {  	_ =	shalt  }
0x5f: {  	_ =	shalt  }
0x60: {  	_ =	shalt  }
0x61: {  	_ =	shalt  }
0x62: {  	_ =	shalt  }
0x63: {  	_ =	shalt  }
0x64: {  	_ =	shalt  }
0x65: {  	_ =	shalt  }
0x66: {  	_ =	shalt  }
0x67: {  	_ =	shalt  }
0x68: {  	_ =	shalt  }
0x69: {  	_ =	shalt  }
0x6a: {  	_ =	shalt  }
0x6b: {  	_ =	shalt  }
0x6c: {  	_ =	shalt  }
0x6d: {  	_ =	shalt  }
0x6e: {  	_ =	shalt  }
0x6f: {  	_ =	shalt  }
0x70: {  	_ =	shalt  }
0x71: {  	_ =	shalt  }
0x72: {  	_ =	shalt  }
0x73: {  	_ =	shalt  }
0x74: {  	_ =	shalt  }
0x75: {  	_ =	shalt  }
0x76: {  	_ =	shalt  }
0x77: {  	_ =	shalt  }
0x78: {  	_ =	shalt  }
0x79: {  	_ =	shalt  }
0x7a: {  	_ =	shalt  }
0x7b: {  	_ =	shalt  }
0x7c: {  	_ =	shalt  }
0x7d: {  	_ =	shalt  }
0x7e: {  	_ =	shalt  }
0x7f: {  	_ =	shalt  }
0x80: {  	_ =	shalt  }
0x81: {  	_ =	shalt  }
0x82: {  	_ =	shalt  }
0x83: {  	_ =	shalt  }
0x84: {  	_ =	shalt  }
0x85: {  	_ =	shalt  }
0x86: {  	_ =	shalt  }
0x87: {  	_ =	shalt  }
.Lfunc_end0:
.L_simem_size_0:
called_computation.1_lowered:
.L_overlay_start_0:
0x88: {  	s2 =	sld [smem:$0x3FD9]  }
0x89: {  	s3 =	sld [smem:$0x3FFE];
	_ =	sdelay $0x1  }
0x8a: {  	s1 =	srdreg.scid  }
0x8b: {  	s0 =	sand.u32 $0x1, s1  }
0x8c: {  	s16 =	sshll.u32 s0, $0xA;
	s2 =	sadd.s32 s3, s2  }
0x8d: {  	s2 =	sadd.s32 s2, s16  }
0x8e: {  	[smem:$0x3FBC] =	sst s2  }
0x8f: {  	_ = 	snop  }
0x90: {  	(tm) =	ssettm $0x1  }
0x91: {  	s17 =	sld [smem:$0x3FFB];
	_ =	sdelay $0x3  }
0x92: {  	_ =	strace s17  }
0x93: {  	s2 =	sld [smem:$0x3FFC];
	_ =	sdelay $0x3  }
0x94: {  	_ =	strace s2  }
0x95: {  	s2 =	sld [smem:$0x3FFD];
	_ =	sdelay $0x3  }
0x96: {  	_ =	strace s2  }
0x97: {  	_ =	strace $0x8FFFFFFF  }
0x98: {  	s18 =	sld [smem:$0x3FDB];
	_ =	sdelay $0x1  }
0x99: {  	s19 =	simm.s32 $_scs_section_size  }
0x9a: {  	s4 =	simm.s32 $_size__tile_overlayer_lowered;
	s5 =	simm.s32 $_tile_overlayer_lowered  }
0x9b: {  	s22 =	simm.s32 $0x1BFF;
	s21 =	sshll.u32 s5, $0x1;
	s2 =	sadd.s32 s19, s18  }
0x9c: {  	s6 =	simm.s32 $0x0;
	s20 =	sshll.u32 s4, $0x1;
	s4 =	sadd.s32 s21, s2  }
0x9d: {  	[timem:s6], [sflag:s22] =	dma.local [hbm:s4], s20  }
0x9e: {  	_ =	swait.ge [sflag:s22], s20  }
0x9f: {  	s3 =	ssub.s32 $0x0, s20;
	[sflag:s22] =	ssyncset.done $0x0  }
0xa0: {  	[sflag:s22] =	ssyncadd.s32 s3;
	_ =	sdelay $0x1  }
0xa1: {  	s23 =	simm.s32 $0x1B8B  }
0xa2: {  	_ =	swait.ge [sflag:s23], $0x1  }
0xa3: {  	[sflag:s23] =	ssyncset.done $0x0  }
0xa4: {  	s25 =	simm.s32 $0x1B8E;
	s24 =	sld [smem:$0x3FFE];
	[sflag:s23] =	ssyncadd.s32 $0xFFFFFFFF  }
0xa5: {  	s26 =	simm.s32 $execute0_lowered;
	[smem:$0x3FD2] =	sst s25  }
0xa6: {  	s4 =	sshll.u32 s26, $0x1;
	_ =	strace $0x80000049;
	[dreg:$0x1] =	wrdreg $0xFFFFFFFF  }
0xa7: {  	s28 =	simm.s32 $_size_execute0_lowered;
	s2 =	sadd.s32 s2, s4;
	[dreg:$0x0] =	wrdreg $0x0  }
0xa8: {  	s4 =	sshll.u32 s28, $0x1;
	[dreg:$0x2] =	wrdreg s2  }
0xa9: {  	[dreg:$0x3] =	wrdreg s4  }
0xaa: {  	[dreg:$0x4] =	wrdreg $0xC0  }
0xab: {  	_ =	task [dreg:s6], $0x5FFFF  }
0xac: {  	[dreg:$0x1] =	wrdreg $0xFFFFFFFF  }
0xad: {  	[dreg:$0x0] =	wrdreg $0x60  }
0xae: {  	[dreg:$0x2] =	wrdreg s24  }
0xaf: {  	[dreg:$0x3] =	wrdreg $0xA8000  }
0xb0: {  	[dreg:$0x4] =	wrdreg $0x9  }
0xb1: {  	_ =	task.clear_ibuf [dreg:s6], $0x5FFFF;
	_ =	strace $0x90000049  }
0xb2: {  	s29 =	simm.s32 $0x9;
	_ =	strace $0x8000004B  }
0xb3: {  	_ =	swait.ge [sflag:s29], $0x1  }
0xb4: {  	[sflag:s29] =	ssyncadd.s32 $0xFFFFFFFF  }
0xb5: {  	_ =	strace $0x9000004B  }
0xb6: {  	_ =	sfence  }
0xb7: {  	s30 =	sld [smem:$0x0];
	_ =	sdelay $0x2  }
0xb8: {  	s31 =	sshll.u32 s1, $0xD;
	s1 =	sshrl.u32 s1, $0x2  }
0xb9: {  	s3 =	sand.u32 $0x4000, s31;
	s1 =	sadd.s32 s1, s30  }
0xba: {  	s0 =	sor.u32 s3, s0;
	s1 =	sshll.u32 s1, $0x11  }
0xbb: {  	s0 =	sor.u32 s1, s0  }
0xbc: {  	s0 =	sadd.s32 $0x8F2B, s0  }
0xbd: {  	[sflag:s0] =	ssyncadd.remote.s32 $0x1  }
0xbe: {  	_ =	sfence.sel $0xFFFF  }
0xbf: {  	[dreg:$0x0] =	wrdreg $0xFFFFFFFF;
	(pc) =	sbr.abs _section_cstart, $3  }
0xc0: {  	[dreg:$0x1] =	wrdreg $0xFFFFFFFF  }
0xc1: {  	_ =	task.clear_ibuf [dreg:s6], $0x2FFFF;
	_ =	strace $0x9FFFFFFF  }
0xc2: {  	(tm) =	ssettm $0x7FFFFFFF  }
0xc3: {  	_ =	shalt  }
tec
execute0_lowered:
.L_overlay_start_1:
0x0: {  	(tag) =	ssettag $0x1  }
0x1: {  	s6 =	rddreg [dreg:$0x0]  }
0x2: {  	s1 =	rddreg [dreg:$0x1]  }
0x3: {  	s2 =	srdreg.scid;
	s0 =	rddreg [dreg:$0x2]  }
0x4: {  	s3 =	simm.s32 $0x0;
	s15 =	simm.s32 $0x1400;
	s16 =	simm.s32 $0x80  }
0x5: {  	s17 =	simm.s32 $0x2800;
	s18 =	simm.s32 $0x1;
	s19 =	simm.s32 $0x6800  }
0x6: {  	s20 =	simm.s32 $0x2;
	s21 =	simm.s32 $0x1380;
	s22 =	simm.s32 $0x2700  }
0x7: {  	s5 =	sand.u32 $0x1, s2;
	s2 =	stileid.u32;
	[smem:$0x7FF] =	sst s3  }
0x8: {  	s4 =	sadd.s32 $0x18800, s6;
	s9 =	sadd.s32 $0xD400, s6;
	s7 =	smul.u32 $0x140000, s5  }
0x9: {  	s10 =	sadd.s32 $0x3400, s6;
	s8 =	smul.u32 $0x14000, s2;
	_ =	strace $0x8000004A  }
0xa: {  	s23 =	sshll.u32 s5, $0x4;
	s11 =	ssub.s32 $0x2, s5;
	s25 =	smul.u32 $0x50000, s2  }
0xb: {  	s5 =	sadd.s32 $0x40800, s6;
	s28 =	sshll.u32 s2, $0x6;
	s24 =	sor.u32 s2, s23  }
0xc: {  	s12 =	sshrl.u32 s11, $0x1;
	s23 =	simm.s32 $0x2780;
	s7 =	sadd.s32 s8, s7  }
0xd: {  	s13 =	smul.u32 $0x2800, s24;
	s12 =	ssub.s32 s11, s12;
	s26 =	sshrl.u32 s25, $0x2  }
0xe: {  	s24 =	simm.s32 $0x0;
	s7 =	sshrl.u32 s7, $0x3;
	s30 =	sadd.s32 s26, s1  }
0xf: {  	s12 =	smax.u32 s12, $0x1;
	s14 =	sadd.s32 s7, s6;
	s29 =	sshrl.u32 s13, $0x3  }
0x10: {  	s6 =	sor.u32 $0x1C03, s28;
	s13 =	sshrl.u32 s30, $0x3;
	s31 =	sadd.s32 $0x280, s29  }
0x11: {  	s7 =	sadd.s32 s9, s29;
	s8 =	sadd.s32 s10, s29;
	s11 =	sadd.s32 $0x43000, s14  }
0x12: {  	s14 =	simm.s32 $0x3;
	s9 =	sadd.s32 s9, s31;
	s10 =	sadd.s32 s10, s31  }
.LBB2_1:
0x13: {  	[spmem:s13], [sflag:s6] =	dma.local [hbm:s5], $0x2800  }
0x14: {  	_ =	swait.ge [sflag:s14], $0x2800  }
0x15: {  	[sflag:s14] =	ssyncset.done $0x0  }
0x16: {  	[sflag:s14] =	ssyncadd.s32 $0xFFFFD800  }
0x17: {  	[bflag:$0x0] =	sbarrier.arrive $0xFFFF  }
0x18: {  	[tilespmem:s3], [sflag:$0x3] =	stream.linear.gather [hbm4b:s7+s3], $0x1400, $0x38;
	[tilespmem:$0x1E800] =	vst v63  }
0x19: {  	_ =	swait.ge [sflag:s14], $0x1400  }
0x1a: {  	[sflag:s14] =	ssyncset.done $0x0  }
0x1b: {  	[sflag:s14] =	ssyncadd.s32 $0xFFFFEC00  }
0x1c: {  	[tilespmem:s15], [sflag:$0x3] =	stream.linear.gather [hbm4b:s8+s3], $0x1400, $0x38;
	[tilespmem:$0x1E800] =	vst v63  }
0x1d: {  	_ =	swait.ge [sflag:s14], $0x1400  }
0x1e: {  	[sflag:s14] =	ssyncset.done $0x0  }
0x1f: {  	[sflag:s14] =	ssyncadd.s32 $0xFFFFEC00  }
0x20: {  	[tilespmem:s17], [sflag:$0x1] =	stream.indirect.gather [hbm4b:s4+s16], $0x80, s3, s16, $0xb8;
	[tilespmem:$0x1E800] =	vst v63  }
0x21: {  	_ =	swait.ge [sflag:s18], $0x4000  }
0x22: {  	[sflag:s18] =	ssyncset.done $0x0  }
0x23: {  	s25 =	simm.s32 $0x80;
	[sflag:s18] =	ssyncadd.s32 $0xFFFFC000  }
0x24: {  	[tilespmem:s19], [sflag:$0x2] =	stream.indirect.gather [hbm4b:s4+s16], $0x80, s25, s16, $0xb8;
	[tilespmem:$0x1E800] =	vst v63  }
0x25: {  	s29 =	simm.s32 $0x1400  }
0x26: {  	[spmem:s1] =	stream.indirect.scatter.add.f32 [tilespmem:s17], [sflag:$0x3], $0x80, s29, s16, $0xb8;
	[tilespmem:$0x1E800] =	vst v63  }
0x27: {  	_ =	swait.ge [sflag:s14], $0x4000  }
0x28: {  	[sflag:s14] =	ssyncset.done $0x0  }
0x29: {  	[sflag:s14] =	ssyncadd.s32 $0xFFFFC000  }
0x2a: {  	_ =	swait.ge [sflag:s20], $0x4000  }
0x2b: {  	[sflag:s20] =	ssyncset.done $0x0  }
0x2c: {  	s30 =	simm.s32 $0x100;
	[sflag:s20] =	ssyncadd.s32 $0xFFFFC000  }
0x2d: {  	[tilespmem:s17], [sflag:$0x1] =	stream.indirect.gather [hbm4b:s4+s16], $0x80, s30, s16, $0xb8;
	[tilespmem:$0x1E800] =	vst v63  }
0x2e: {  	s31 =	simm.s32 $0x1480  }
0x2f: {  	[spmem:s1] =	stream.indirect.scatter.add.f32 [tilespmem:s19], [sflag:$0x3], $0x80, s31, s16, $0xb8;
	[tilespmem:$0x1E800] =	vst v63  }
0x30: {  	_ =	swait.ge [sflag:s14], $0x4000  }
0x31: {  	s25 =	simm.s32 $0x400;
	[sflag:s14] =	ssyncset.done $0x0  }
.LBB2_2:
0x32: {  	p0 =	sne.s32 s25, $0x4800  }
0x33: {  	[sflag:s14] =	ssyncadd.s32 $0xFFFFC000;
	s26 =	smov.u32 s25;
	s25 =	sadd.s32 $0x400, s25  }
0x34: {  	_ = 	snop  }
0x35: {  	_ =	swait.ge [sflag:s18], $0x4000  }
0x36: {  	s26 =	sshra.s32 s26, $0x2;
	[sflag:s18] =	ssyncset.done $0x0  }
0x37: {  	s28 =	sadd.s32 $0x80, s26;
	[sflag:s18] =	ssyncadd.s32 $0xFFFFC000  }
0x38: {  	[tilespmem:s19], [sflag:$0x2] =	stream.indirect.gather [hbm4b:s4+s16], $0x80, s28, s16, $0xb8;
	[tilespmem:$0x1E800] =	vst v63  }
0x39: {  	s28 =	sadd.s32 $0x1400, s26  }
0x3a: {  	[spmem:s1] =	stream.indirect.scatter.add.f32 [tilespmem:s17], [sflag:$0x3], $0x80, s28, s16, $0xb8;
	[tilespmem:$0x1E800] =	vst v63  }
0x3b: {  	_ =	swait.ge [sflag:s14], $0x4000  }
0x3c: {  	[sflag:s14] =	ssyncset.done $0x0  }
0x3d: {  	[sflag:s14] =	ssyncadd.s32 $0xFFFFC000  }
0x3e: {  	_ =	swait.ge [sflag:s20], $0x4000  }
0x3f: {  	[sflag:s20] =	ssyncset.done $0x0  }
0x40: {  	s28 =	sadd.s32 $0x100, s26;
	[sflag:s20] =	ssyncadd.s32 $0xFFFFC000  }
0x41: {  	[tilespmem:s17], [sflag:$0x1] =	stream.indirect.gather [hbm4b:s4+s16], $0x80, s28, s16, $0xb8;
	[tilespmem:$0x1E800] =	vst v63  }
.Ltmp0:
0x42: {  	_ = 	snop;
	(pc) =	sbr.rel @p0 .LBB2_2-.Ltmp0, $4  }
0x43: {  	s26 =	sadd.s32 $0x1480, s26  }
0x44: {  	[spmem:s1] =	stream.indirect.scatter.add.f32 [tilespmem:s19], [sflag:$0x3], $0x80, s26, s16, $0xb8;
	[tilespmem:$0x1E800] =	vst v63  }
0x45: {  	_ =	swait.ge [sflag:s14], $0x4000  }
0x46: {  	[sflag:s14] =	ssyncset.done $0x0  }
0x47: {  	[sflag:s14] =	ssyncadd.s32 $0xFFFFC000  }
0x48: {  	_ =	swait.ge [sflag:s18], $0x4000  }
0x49: {  	[sflag:s18] =	ssyncset.done $0x0  }
0x4a: {  	[sflag:s18] =	ssyncadd.s32 $0xFFFFC000  }
0x4b: {  	[tilespmem:s19], [sflag:$0x2] =	stream.indirect.gather [hbm4b:s4+s16], $0x80, s21, s16, $0xb8;
	[tilespmem:$0x1E800] =	vst v63  }
0x4c: {  	_ = 	snop  }
0x4d: {  	[spmem:s1] =	stream.indirect.scatter.add.f32 [tilespmem:s17], [sflag:$0x3], $0x80, s22, s16, $0xb8;
	[tilespmem:$0x1E800] =	vst v63  }
0x4e: {  	_ =	swait.ge [sflag:s14], $0x4000  }
0x4f: {  	[sflag:s14] =	ssyncset.done $0x0  }
0x50: {  	[sflag:s14] =	ssyncadd.s32 $0xFFFFC000  }
0x51: {  	_ =	swait.ge [sflag:s20], $0x4000  }
0x52: {  	[sflag:s20] =	ssyncset.done $0x0  }
0x53: {  	[sflag:s20] =	ssyncadd.s32 $0xFFFFC000  }
0x54: {  	[tilespmem:s17], [sflag:$0x1] =	stream.indirect.gather [hbm4b:s4+s16], $0x80, s21, s16, $0xb8;
	[tilespmem:$0x1E800] =	vst v63  }
0x55: {  	_ = 	snop  }
0x56: {  	[spmem:s1] =	stream.indirect.scatter.add.f32 [tilespmem:s19], [sflag:$0x3], $0x80, s23, s16, $0xb8;
	[tilespmem:$0x1E800] =	vst v63  }
0x57: {  	_ =	swait.ge [sflag:s14], $0x4000  }
0x58: {  	[sflag:s14] =	ssyncset.done $0x0  }
0x59: {  	[sflag:s14] =	ssyncadd.s32 $0xFFFFC000  }
0x5a: {  	_ =	swait.ge [sflag:s18], $0x4000  }
0x5b: {  	[sflag:s18] =	ssyncset.done $0x0  }
0x5c: {  	s25 =	simm.s32 $0x0;
	[sflag:s18] =	ssyncadd.s32 $0xFFFFC000  }
0x5d: {  	[tilespmem:s25], [sflag:$0x3] =	stream.linear.gather [hbm4b:s9+s25], $0x1400, $0x38;
	[tilespmem:$0x1E800] =	vst v63  }
0x5e: {  	_ =	swait.ge [sflag:s14], $0x1400  }
0x5f: {  	[sflag:s14] =	ssyncset.done $0x0  }
0x60: {  	[sflag:s14] =	ssyncadd.s32 $0xFFFFEC00  }
0x61: {  	[tilespmem:s15], [sflag:$0x3] =	stream.linear.gather [hbm4b:s10+s25], $0x1400, $0x38;
	[tilespmem:$0x1E800] =	vst v63  }
0x62: {  	_ =	swait.ge [sflag:s14], $0x1400  }
0x63: {  	[sflag:s14] =	ssyncset.done $0x0  }
0x64: {  	[sflag:s14] =	ssyncadd.s32 $0xFFFFEC00  }
0x65: {  	[tilespmem:s17], [sflag:$0x1] =	stream.indirect.gather [hbm4b:s4+s16], $0x80, s25, s16, $0xb8;
	[tilespmem:$0x1E800] =	vst v63  }
0x66: {  	_ =	swait.ge [sflag:s18], $0x4000  }
0x67: {  	[sflag:s18] =	ssyncset.done $0x0  }
0x68: {  	s28 =	simm.s32 $0x80;
	[sflag:s18] =	ssyncadd.s32 $0xFFFFC000  }
0x69: {  	[tilespmem:s19], [sflag:$0x2] =	stream.indirect.gather [hbm4b:s4+s16], $0x80, s28, s16, $0xb8;
	[tilespmem:$0x1E800] =	vst v63  }
0x6a: {  	s29 =	simm.s32 $0x1400  }
0x6b: {  	[spmem:s1] =	stream.indirect.scatter.add.f32 [tilespmem:s17], [sflag:$0x3], $0x80, s29, s16, $0xb8;
	[tilespmem:$0x1E800] =	vst v63  }
0x6c: {  	_ =	swait.ge [sflag:s14], $0x4000  }
0x6d: {  	[sflag:s14] =	ssyncset.done $0x0  }
0x6e: {  	[sflag:s14] =	ssyncadd.s32 $0xFFFFC000  }
0x6f: {  	_ =	swait.ge [sflag:s20], $0x4000  }
0x70: {  	[sflag:s20] =	ssyncset.done $0x0  }
0x71: {  	s30 =	simm.s32 $0x100;
	[sflag:s20] =	ssyncadd.s32 $0xFFFFC000  }
0x72: {  	[tilespmem:s17], [sflag:$0x1] =	stream.indirect.gather [hbm4b:s4+s16], $0x80, s30, s16, $0xb8;
	[tilespmem:$0x1E800] =	vst v63  }
0x73: {  	s31 =	simm.s32 $0x1480  }
0x74: {  	[spmem:s1] =	stream.indirect.scatter.add.f32 [tilespmem:s19], [sflag:$0x3], $0x80, s31, s16, $0xb8;
	[tilespmem:$0x1E800] =	vst v63  }
0x75: {  	_ =	swait.ge [sflag:s14], $0x4000  }
0x76: {  	s25 =	simm.s32 $0x400;
	[sflag:s14] =	ssyncset.done $0x0  }
.LBB2_4:
0x77: {  	p0 =	sne.s32 s25, $0x4800  }
0x78: {  	[sflag:s14] =	ssyncadd.s32 $0xFFFFC000;
	s26 =	smov.u32 s25;
	s25 =	sadd.s32 $0x400, s25  }
0x79: {  	_ = 	snop  }
0x7a: {  	_ =	swait.ge [sflag:s18], $0x4000  }
0x7b: {  	s26 =	sshra.s32 s26, $0x2;
	[sflag:s18] =	ssyncset.done $0x0  }
0x7c: {  	s28 =	sadd.s32 $0x80, s26;
	[sflag:s18] =	ssyncadd.s32 $0xFFFFC000  }
0x7d: {  	[tilespmem:s19], [sflag:$0x2] =	stream.indirect.gather [hbm4b:s4+s16], $0x80, s28, s16, $0xb8;
	[tilespmem:$0x1E800] =	vst v63  }
0x7e: {  	s28 =	sadd.s32 $0x1400, s26  }
0x7f: {  	[spmem:s1] =	stream.indirect.scatter.add.f32 [tilespmem:s17], [sflag:$0x3], $0x80, s28, s16, $0xb8;
	[tilespmem:$0x1E800] =	vst v63  }
0x80: {  	_ =	swait.ge [sflag:s14], $0x4000  }
0x81: {  	[sflag:s14] =	ssyncset.done $0x0  }
0x82: {  	[sflag:s14] =	ssyncadd.s32 $0xFFFFC000  }
0x83: {  	_ =	swait.ge [sflag:s20], $0x4000  }
0x84: {  	[sflag:s20] =	ssyncset.done $0x0  }
0x85: {  	s28 =	sadd.s32 $0x100, s26;
	[sflag:s20] =	ssyncadd.s32 $0xFFFFC000  }
0x86: {  	[tilespmem:s17], [sflag:$0x1] =	stream.indirect.gather [hbm4b:s4+s16], $0x80, s28, s16, $0xb8;
	[tilespmem:$0x1E800] =	vst v63  }
.Ltmp1:
0x87: {  	_ = 	snop;
	(pc) =	sbr.rel @p0 .LBB2_4-.Ltmp1, $4  }
0x88: {  	s26 =	sadd.s32 $0x1480, s26  }
0x89: {  	[spmem:s1] =	stream.indirect.scatter.add.f32 [tilespmem:s19], [sflag:$0x3], $0x80, s26, s16, $0xb8;
	[tilespmem:$0x1E800] =	vst v63  }
0x8a: {  	_ =	swait.ge [sflag:s14], $0x4000  }
0x8b: {  	[sflag:s14] =	ssyncset.done $0x0  }
0x8c: {  	[sflag:s14] =	ssyncadd.s32 $0xFFFFC000  }
0x8d: {  	_ =	swait.ge [sflag:s18], $0x4000  }
0x8e: {  	[sflag:s18] =	ssyncset.done $0x0  }
0x8f: {  	[sflag:s18] =	ssyncadd.s32 $0xFFFFC000  }
0x90: {  	[tilespmem:s19], [sflag:$0x2] =	stream.indirect.gather [hbm4b:s4+s16], $0x80, s21, s16, $0xb8;
	[tilespmem:$0x1E800] =	vst v63  }
0x91: {  	_ = 	snop  }
0x92: {  	[spmem:s1] =	stream.indirect.scatter.add.f32 [tilespmem:s17], [sflag:$0x3], $0x80, s22, s16, $0xb8;
	[tilespmem:$0x1E800] =	vst v63  }
0x93: {  	_ =	swait.ge [sflag:s14], $0x4000  }
0x94: {  	[sflag:s14] =	ssyncset.done $0x0  }
0x95: {  	[sflag:s14] =	ssyncadd.s32 $0xFFFFC000  }
0x96: {  	_ =	swait.ge [sflag:s20], $0x4000  }
0x97: {  	[sflag:s20] =	ssyncset.done $0x0  }
0x98: {  	[sflag:s20] =	ssyncadd.s32 $0xFFFFC000  }
0x99: {  	[tilespmem:s17], [sflag:$0x1] =	stream.indirect.gather [hbm4b:s4+s16], $0x80, s21, s16, $0xb8;
	[tilespmem:$0x1E800] =	vst v63  }
0x9a: {  	_ = 	snop  }
0x9b: {  	[spmem:s1] =	stream.indirect.scatter.add.f32 [tilespmem:s19], [sflag:$0x3], $0x80, s23, s16, $0xb8;
	[tilespmem:$0x1E800] =	vst v63  }
0x9c: {  	_ =	swait.ge [sflag:s14], $0x4000  }
0x9d: {  	[sflag:s14] =	ssyncset.done $0x0  }
0x9e: {  	[sflag:s14] =	ssyncadd.s32 $0xFFFFC000  }
0x9f: {  	_ =	swait.ge [sflag:s18], $0x4000  }
0xa0: {  	s24 =	sadd.s32 $0x1, s24;
	[sflag:s18] =	ssyncset.done $0x0  }
0xa1: {  	p0 =	sne.s32 s24, s12;
	[sflag:s18] =	ssyncadd.s32 $0xFFFFC000  }
.Ltmp2:
0xa2: {  	[bflag:$0x0] =	sbarrier.arrive $0xFFFF;
	(pc) =	sbr.rel @p0 .LBB2_1-.Ltmp2, $4  }
0xa3: {  	[hbm:s11], [sflag:s6] =	dma.local [spmem:s13], $0x2800  }
0xa4: {  	_ =	swait.ge [sflag:s14], $0x2800  }
0xa5: {  	[sflag:s14] =	ssyncset.done $0x0  }
0xa6: {  	[sflag:s14] =	ssyncadd.s32 $0xFFFFD800  }
0xa7: {  	_ =	sfence.sel $0x180000  }
0xa8: {  	[bflag:$0x0] =	sbarrier.arrive $0xFFFF  }
0xa9: {  	p0 =	sne.s32 s2, $0x0;
	_ =	strace $0x9000004A  }
0xaa: {  	s0 =	sadd.s32 @!p0 $0x100000, s0;
	[bflag:$0x2] =	sbarrier.arrive $0xFFFF  }
0xab: {  	[sflag:s0] =	ssyncadd.tile.s32 @!p0 $0x1;
	_ =	shalt  }
.Lfunc_end2:
_tile_overlayer_lowered:
.L_overlay_start_2:
0xac: {  	(tag) =	ssettag $0x2  }
0xad: {  	s0 =	rddreg [dreg:$0x0];
	s2 =	stileid.u32  }
0xae: {  	s1 =	rddreg [dreg:$0x1];
	p0 =	sne.s32 s2, $0x0  }
0xaf: {  	s3 =	rddreg [dreg:$0x2];
	[bflag:$0x3] =	sbarrier.arrive $0xFFFF;
	s2 =	simm.s32 @!p0 $0x1C03  }
0xb0: {  	[timem:s3], [sflag:s2] =	dma.local @!p0 [hbm:s0], s1  }
0xb1: {  	s0 =	simm.s32 @!p0 $0x3  }
0xb2: {  	_ =	swait.ge @!p0 [sflag:s0], s1  }
0xb3: {  	s1 =	ssub.s32 @!p0 $0x0, s1;
	[sflag:s0] =	ssyncset.done @!p0 $0x0  }
0xb4: {  	[sflag:s0] =	ssyncadd.s32 @!p0 s1  }
0xb5: {  	[bflag:$0x3] =	sbarrier.arrive $0xFFFF  }
0xb6: {  	_ =	shalt  }

// kernel: kernel.16.cloned.1.call-start
scs
__scs_entry_jumppad:
0x0: {  	(pc) =	sbr.rel $0x88, $3  }
0x1: {  	(tag) =	ssettag $0x0;
	lr =	simm.s32 $0x1  }
0x2: {  	[smem:$0x3F95] =	sst lr;
	_ =	strace $0xD0000000  }
0x3: {  	_ = 	snop  }
0x4: {  	_ = 	snop  }
0x5: {  	_ = 	snop  }
0x6: {  	_ = 	snop  }
0x7: {  	_ = 	snop  }
__scs_overlays_trampoline_lowered:
0x8: {  	[smem:$0x3FA4] =	sst s0  }
0x9: {  	[smem:$0x3FA5] =	sst s1  }
0xa: {  	[smem:$0x3FA6] =	sst s2  }
0xb: {  	[smem:$0x3FA7] =	sst s3  }
0xc: {  	[smem:$0x3FA8] =	sst s4  }
0xd: {  	[smem:$0x3FA9] =	sst s5  }
0xe: {  	[smem:$0x3FAA] =	sst s6  }
0xf: {  	[smem:$0x3FAB] =	sst s7  }
0x10: {  	[smem:$0x3FAC] =	sst s8  }
0x11: {  	[smem:$0x3FAD] =	sst s9;
	s0 =	simm.s32 @!p0 $0x0  }
0x12: {  	s1 =	sld [smem:$0x3F93];
	s0 =	simm.s32 @p0 $0x1  }
0x13: {  	[smem:$0x3FAE] =	sst s0;
	s0 =	simm.s32 @!p1 $0x0  }
0x14: {  	s2 =	sld [smem:$0x3F92];
	s0 =	simm.s32 @p1 $0x1  }
0x15: {  	[smem:$0x3FAF] =	sst s0;
	s0 =	simm.s32 @!p2 $0x0  }
0x16: {  	s3 =	sld [smem:$0x3FDB];
	s0 =	simm.s32 @p2 $0x1  }
0x17: {  	s4 =	simm.s32 $0x1BF5;
	[smem:$0x3FB1] =	sst s0  }
0x18: {  	s0 =	sld [smem:$0x3F94];
	_ =	swait.ge [sflag:s4], $0x0  }
0x19: {  	s7 =	sld [smem:$0x3F95]  }
0x1a: {  	s8 =	sadd.s32 $0xFFFFE003, lr  }
0x1b: {  	s9 =	sadd.s32 $0xFFFFFEF7, lr;
	s5 =	simm.s32 $0xFFFFFFFF;
	p2 =	slt.u32 s8, $0xFFFFF086  }
0x1c: {  	p1 =	slt.u32 s9, $0xF7A;
	s5 =	simm.s32 @!p2 $0x0  }
0x1d: {  	s5 =	simm.s32 @p1 $0x1;
	p0 =	seq.s32 s7, s2  }
0x1e: {  	s7 =	smul.u32 @!p0 $0xF7A, s2;
	p2 =	seq.s32 @!p0 s5, $0x0  }
0x1f: {  	s9 =	smul.u32 $0xF7A, s1;
	s8 =	simm.s32 @!p0 $0x1BF5;
	p2 =	por !p2, p0  }
0x20: {  	[sflag:s8] =	ssyncset.s32 @!p0 $0xFFFFF086;
	s6 =	sadd.s32 @!p0 s3, s7;
	s7 =	simm.s32 @!p0 $0x108  }
0x21: {  	s3 =	sadd.s32 s3, s9;
	s6 =	sadd.s32 @!p0 $0x88, s6;
	s7 =	simm.s32 @p2 $0x1082  }
0x22: {  	[simem:s7], [sflag:s8] =	dma.local @!p0 [hbm:s6], $0xF7A  }
0x23: {  	s9 =	sor.u32 $0xD0000000, s2;
	s6 =	simm.s32 $0x108;
	_ =	swait.ge @!p0 [sflag:s8], $0x0  }
0x24: {  	s3 =	sadd.s32 $0x88, s3;
	s6 =	simm.s32 @!p1 $0x1082;
	[sflag:s4] =	ssyncset.s32 $0xFFFFF086  }
0x25: {  	[simem:s6], [sflag:s4] =	dma.local [hbm:s3], $0xF7A  }
0x26: {  	[smem:$0x3F95] =	sst s1;
	(tag) =	ssettag s2;
	_ =	strace s9  }
0x27: {  	s1 =	sld [smem:$0x3FA5]  }
0x28: {  	s2 =	sld [smem:$0x3FA6]  }
0x29: {  	s4 =	sld [smem:$0x3FA8]  }
0x2a: {  	p0 =	seq.s32 s5, $0x0;
	s5 =	sld [smem:$0x3FA9]  }
0x2b: {  	s6 =	sld [smem:$0x3FAA]  }
0x2c: {  	s7 =	sld [smem:$0x3FAB]  }
0x2d: {  	s3 =	simm.s32 $0x108;
	s8 =	sld [smem:$0x3FAC]  }
0x2e: {  	s3 =	simm.s32 @!p0 $0x1082;
	s9 =	sld [smem:$0x3FAD]  }
0x2f: {  	lr =	sadd.s32 s0, s3;
	s0 =	sld [smem:$0x3FA4]  }
0x30: {  	s3 =	sld [smem:$0x3FA7]  }
0x31: {  	[smem:$0x3FB0] =	sst s10  }
0x32: {  	s10 =	sld [smem:$0x3FAE];
	_ =	sdelay $0x3  }
0x33: {  	p0 =	seq.s32 s10, $0x1;
	s10 =	sld [smem:$0x3FB0];
	_ =	sdelay $0x3  }
0x34: {  	[smem:$0x3FB0] =	sst s10  }
0x35: {  	s10 =	sld [smem:$0x3FAF];
	_ =	sdelay $0x3  }
0x36: {  	p1 =	seq.s32 s10, $0x1;
	s10 =	sld [smem:$0x3FB0];
	_ =	sdelay $0x3  }
0x37: {  	[smem:$0x3FB0] =	sst s10  }
0x38: {  	s10 =	sld [smem:$0x3FB1]  }
0x39: {  	_ = 	snop;
	(pc) =	sbr.ind lr, $3  }
0x3a: {  	_ = 	snop  }
0x3b: {  	_ = 	snop  }
0x3c: {  	p2 =	seq.s32 s10, $0x1;
	s10 =	sld [smem:$0x3FB0]  }
0x3d: {  	_ =	shalt  }
0x3e: {  	_ =	shalt  }
0x3f: {  	_ =	shalt  }
0x40: {  	_ =	shalt  }
0x41: {  	_ =	shalt  }
0x42: {  	_ =	shalt  }
0x43: {  	_ =	shalt  }
0x44: {  	_ =	shalt  }
0x45: {  	_ =	shalt  }
0x46: {  	_ =	shalt  }
0x47: {  	_ =	shalt  }
0x48: {  	_ =	shalt  }
0x49: {  	_ =	shalt  }
0x4a: {  	_ =	shalt  }
0x4b: {  	_ =	shalt  }
0x4c: {  	_ =	shalt  }
0x4d: {  	_ =	shalt  }
0x4e: {  	_ =	shalt  }
0x4f: {  	_ =	shalt  }
0x50: {  	_ =	shalt  }
0x51: {  	_ =	shalt  }
0x52: {  	_ =	shalt  }
0x53: {  	_ =	shalt  }
0x54: {  	_ =	shalt  }
0x55: {  	_ =	shalt  }
0x56: {  	_ =	shalt  }
0x57: {  	_ =	shalt  }
0x58: {  	_ =	shalt  }
0x59: {  	_ =	shalt  }
0x5a: {  	_ =	shalt  }
0x5b: {  	_ =	shalt  }
0x5c: {  	_ =	shalt  }
0x5d: {  	_ =	shalt  }
0x5e: {  	_ =	shalt  }
0x5f: {  	_ =	shalt  }
0x60: {  	_ =	shalt  }
0x61: {  	_ =	shalt  }
0x62: {  	_ =	shalt  }
0x63: {  	_ =	shalt  }
0x64: {  	_ =	shalt  }
0x65: {  	_ =	shalt  }
0x66: {  	_ =	shalt  }
0x67: {  	_ =	shalt  }
0x68: {  	_ =	shalt  }
0x69: {  	_ =	shalt  }
0x6a: {  	_ =	shalt  }
0x6b: {  	_ =	shalt  }
0x6c: {  	_ =	shalt  }
0x6d: {  	_ =	shalt  }
0x6e: {  	_ =	shalt  }
0x6f: {  	_ =	shalt  }
0x70: {  	_ =	shalt  }
0x71: {  	_ =	shalt  }
0x72: {  	_ =	shalt  }
0x73: {  	_ =	shalt  }
0x74: {  	_ =	shalt  }
0x75: {  	_ =	shalt  }
0x76: {  	_ =	shalt  }
0x77: {  	_ =	shalt  }
0x78: {  	_ =	shalt  }
0x79: {  	_ =	shalt  }
0x7a: {  	_ =	shalt  }
0x7b: {  	_ =	shalt  }
0x7c: {  	_ =	shalt  }
0x7d: {  	_ =	shalt  }
0x7e: {  	_ =	shalt  }
0x7f: {  	_ =	shalt  }
0x80: {  	_ =	shalt  }
0x81: {  	_ =	shalt  }
0x82: {  	_ =	shalt  }
0x83: {  	_ =	shalt  }
0x84: {  	_ =	shalt  }
0x85: {  	_ =	shalt  }
0x86: {  	_ =	shalt  }
0x87: {  	_ =	shalt  }
.Lfunc_end0:
.L_simem_size_0:
called_computation.2_lowered:
.L_overlay_start_0:
0x88: {  	s2 =	sld [smem:$0x3FD9]  }
0x89: {  	s3 =	sld [smem:$0x3FFE];
	_ =	sdelay $0x1  }
0x8a: {  	s1 =	srdreg.scid  }
0x8b: {  	s0 =	sand.u32 $0x1, s1  }
0x8c: {  	s16 =	sshll.u32 s0, $0xA;
	s2 =	sadd.s32 s3, s2  }
0x8d: {  	s2 =	sadd.s32 s2, s16  }
0x8e: {  	[smem:$0x3FBC] =	sst s2  }
0x8f: {  	_ = 	snop  }
0x90: {  	(tm) =	ssettm $0x1  }
0x91: {  	s17 =	sld [smem:$0x3FFB];
	_ =	sdelay $0x3  }
0x92: {  	_ =	strace s17  }
0x93: {  	s2 =	sld [smem:$0x3FFC];
	_ =	sdelay $0x3  }
0x94: {  	_ =	strace s2  }
0x95: {  	s2 =	sld [smem:$0x3FFD];
	_ =	sdelay $0x3  }
0x96: {  	_ =	strace s2  }
0x97: {  	_ =	strace $0x8FFFFFFF  }
0x98: {  	s18 =	sld [smem:$0x3FDB];
	_ =	sdelay $0x1  }
0x99: {  	s19 =	simm.s32 $_scs_section_size  }
0x9a: {  	s4 =	simm.s32 $_size__tile_overlayer_lowered;
	s5 =	simm.s32 $_tile_overlayer_lowered  }
0x9b: {  	s22 =	simm.s32 $0x1BFF;
	s21 =	sshll.u32 s5, $0x1;
	s2 =	sadd.s32 s19, s18  }
0x9c: {  	s6 =	simm.s32 $0x0;
	s20 =	sshll.u32 s4, $0x1;
	s4 =	sadd.s32 s21, s2  }
0x9d: {  	[timem:s6], [sflag:s22] =	dma.local [hbm:s4], s20  }
0x9e: {  	_ =	swait.ge [sflag:s22], s20  }
0x9f: {  	s3 =	ssub.s32 $0x0, s20;
	[sflag:s22] =	ssyncset.done $0x0  }
0xa0: {  	[sflag:s22] =	ssyncadd.s32 s3;
	_ =	sdelay $0x1  }
0xa1: {  	s23 =	simm.s32 $0x1B8B  }
0xa2: {  	_ =	swait.ge [sflag:s23], $0x1  }
0xa3: {  	[sflag:s23] =	ssyncset.done $0x0  }
0xa4: {  	s25 =	simm.s32 $0x1B8E;
	s24 =	sld [smem:$0x3FFE];
	[sflag:s23] =	ssyncadd.s32 $0xFFFFFFFF  }
0xa5: {  	s26 =	simm.s32 $execute0_lowered;
	[smem:$0x3FD2] =	sst s25  }
0xa6: {  	s4 =	sshll.u32 s26, $0x1;
	_ =	strace $0x8000004C;
	[dreg:$0x1] =	wrdreg $0xFFFFFFFF  }
0xa7: {  	s28 =	simm.s32 $_size_execute0_lowered;
	s2 =	sadd.s32 s2, s4;
	[dreg:$0x0] =	wrdreg $0x0  }
0xa8: {  	s4 =	sshll.u32 s28, $0x1;
	[dreg:$0x2] =	wrdreg s2  }
0xa9: {  	[dreg:$0x3] =	wrdreg s4  }
0xaa: {  	[dreg:$0x4] =	wrdreg $0xC0  }
0xab: {  	_ =	task [dreg:s6], $0x5FFFF  }
0xac: {  	[dreg:$0x1] =	wrdreg $0xFFFFFFFF  }
0xad: {  	[dreg:$0x0] =	wrdreg $0x60  }
0xae: {  	[dreg:$0x2] =	wrdreg s24  }
0xaf: {  	[dreg:$0x3] =	wrdreg $0xA8000  }
0xb0: {  	[dreg:$0x4] =	wrdreg $0x9  }
0xb1: {  	_ =	task.clear_ibuf [dreg:s6], $0x5FFFF;
	_ =	strace $0x9000004C  }
0xb2: {  	s29 =	simm.s32 $0x9;
	_ =	strace $0x8000004E  }
0xb3: {  	_ =	swait.ge [sflag:s29], $0x1  }
0xb4: {  	[sflag:s29] =	ssyncadd.s32 $0xFFFFFFFF  }
0xb5: {  	_ =	strace $0x9000004E  }
0xb6: {  	_ =	sfence  }
0xb7: {  	s30 =	sld [smem:$0x0];
	_ =	sdelay $0x2  }
0xb8: {  	s31 =	sshll.u32 s1, $0xD;
	s1 =	sshrl.u32 s1, $0x2  }
0xb9: {  	s3 =	sand.u32 $0x4000, s31;
	s1 =	sadd.s32 s1, s30  }
0xba: {  	s0 =	sor.u32 s3, s0;
	s1 =	sshll.u32 s1, $0x11  }
0xbb: {  	s0 =	sor.u32 s1, s0  }
0xbc: {  	s0 =	sadd.s32 $0x8F2B, s0  }
0xbd: {  	[sflag:s0] =	ssyncadd.remote.s32 $0x1  }
0xbe: {  	_ =	sfence.sel $0xFFFF  }
0xbf: {  	[dreg:$0x0] =	wrdreg $0xFFFFFFFF;
	(pc) =	sbr.abs _section_cstart, $3  }
0xc0: {  	[dreg:$0x1] =	wrdreg $0xFFFFFFFF  }
0xc1: {  	_ =	task.clear_ibuf [dreg:s6], $0x2FFFF;
	_ =	strace $0x9FFFFFFF  }
0xc2: {  	(tm) =	ssettm $0x7FFFFFFF  }
0xc3: {  	_ =	shalt  }
tec
execute0_lowered:
.L_overlay_start_1:
0x0: {  	(tag) =	ssettag $0x1  }
0x1: {  	s6 =	rddreg [dreg:$0x0]  }
0x2: {  	s1 =	rddreg [dreg:$0x1]  }
0x3: {  	s2 =	srdreg.scid;
	s0 =	rddreg [dreg:$0x2]  }
0x4: {  	s3 =	simm.s32 $0x0;
	s15 =	simm.s32 $0x1400;
	s16 =	simm.s32 $0x80  }
0x5: {  	s17 =	simm.s32 $0x2800;
	s18 =	simm.s32 $0x1;
	s19 =	simm.s32 $0x6800  }
0x6: {  	s20 =	simm.s32 $0x2;
	s21 =	simm.s32 $0x1380;
	s22 =	simm.s32 $0x2700  }
0x7: {  	s5 =	sand.u32 $0x1, s2;
	s2 =	stileid.u32;
	[smem:$0x7FF] =	sst s3  }
0x8: {  	s4 =	sadd.s32 $0x17400, s6;
	s9 =	sadd.s32 $0xD400, s6;
	s7 =	smul.u32 $0x140000, s5  }
0x9: {  	s10 =	sadd.s32 $0x3400, s6;
	s8 =	smul.u32 $0x14000, s2;
	_ =	strace $0x8000004D  }
0xa: {  	s23 =	sshll.u32 s5, $0x4;
	s11 =	ssub.s32 $0x2, s5;
	s25 =	smul.u32 $0x50000, s2  }
0xb: {  	s5 =	sadd.s32 $0x40800, s6;
	s28 =	sshll.u32 s2, $0x6;
	s24 =	sor.u32 s2, s23  }
0xc: {  	s12 =	sshrl.u32 s11, $0x1;
	s23 =	simm.s32 $0x2780;
	s7 =	sadd.s32 s8, s7  }
0xd: {  	s13 =	smul.u32 $0x2800, s24;
	s12 =	ssub.s32 s11, s12;
	s26 =	sshrl.u32 s25, $0x2  }
0xe: {  	s24 =	simm.s32 $0x0;
	s7 =	sshrl.u32 s7, $0x3;
	s30 =	sadd.s32 s26, s1  }
0xf: {  	s12 =	smax.u32 s12, $0x1;
	s14 =	sadd.s32 s7, s6;
	s29 =	sshrl.u32 s13, $0x3  }
0x10: {  	s6 =	sor.u32 $0x1C03, s28;
	s13 =	sshrl.u32 s30, $0x3;
	s31 =	sadd.s32 $0x280, s29  }
0x11: {  	s7 =	sadd.s32 s9, s29;
	s8 =	sadd.s32 s10, s29;
	s11 =	sadd.s32 $0x43000, s14  }
0x12: {  	s14 =	simm.s32 $0x3;
	s9 =	sadd.s32 s9, s31;
	s10 =	sadd.s32 s10, s31  }
.LBB2_1:
0x13: {  	[spmem:s13], [sflag:s6] =	dma.local [hbm:s5], $0x2800  }
0x14: {  	_ =	swait.ge [sflag:s14], $0x2800  }
0x15: {  	[sflag:s14] =	ssyncset.done $0x0  }
0x16: {  	[sflag:s14] =	ssyncadd.s32 $0xFFFFD800  }
0x17: {  	[bflag:$0x0] =	sbarrier.arrive $0xFFFF  }
0x18: {  	[tilespmem:s3], [sflag:$0x3] =	stream.linear.gather [hbm4b:s7+s3], $0x1400, $0x38;
	[tilespmem:$0x1E800] =	vst v63  }
0x19: {  	_ =	swait.ge [sflag:s14], $0x1400  }
0x1a: {  	[sflag:s14] =	ssyncset.done $0x0  }
0x1b: {  	[sflag:s14] =	ssyncadd.s32 $0xFFFFEC00  }
0x1c: {  	[tilespmem:s15], [sflag:$0x3] =	stream.linear.gather [hbm4b:s8+s3], $0x1400, $0x38;
	[tilespmem:$0x1E800] =	vst v63  }
0x1d: {  	_ =	swait.ge [sflag:s14], $0x1400  }
0x1e: {  	[sflag:s14] =	ssyncset.done $0x0  }
0x1f: {  	[sflag:s14] =	ssyncadd.s32 $0xFFFFEC00  }
0x20: {  	[tilespmem:s17], [sflag:$0x1] =	stream.indirect.gather [hbm4b:s4+s16], $0x80, s3, s16, $0xb8;
	[tilespmem:$0x1E800] =	vst v63  }
0x21: {  	_ =	swait.ge [sflag:s18], $0x4000  }
0x22: {  	[sflag:s18] =	ssyncset.done $0x0  }
0x23: {  	s25 =	simm.s32 $0x80;
	[sflag:s18] =	ssyncadd.s32 $0xFFFFC000  }
0x24: {  	[tilespmem:s19], [sflag:$0x2] =	stream.indirect.gather [hbm4b:s4+s16], $0x80, s25, s16, $0xb8;
	[tilespmem:$0x1E800] =	vst v63  }
0x25: {  	s29 =	simm.s32 $0x1400  }
0x26: {  	[spmem:s1] =	stream.indirect.scatter.add.f32 [tilespmem:s17], [sflag:$0x3], $0x80, s29, s16, $0xb8;
	[tilespmem:$0x1E800] =	vst v63  }
0x27: {  	_ =	swait.ge [sflag:s14], $0x4000  }
0x28: {  	[sflag:s14] =	ssyncset.done $0x0  }
0x29: {  	[sflag:s14] =	ssyncadd.s32 $0xFFFFC000  }
0x2a: {  	_ =	swait.ge [sflag:s20], $0x4000  }
0x2b: {  	[sflag:s20] =	ssyncset.done $0x0  }
0x2c: {  	s30 =	simm.s32 $0x100;
	[sflag:s20] =	ssyncadd.s32 $0xFFFFC000  }
0x2d: {  	[tilespmem:s17], [sflag:$0x1] =	stream.indirect.gather [hbm4b:s4+s16], $0x80, s30, s16, $0xb8;
	[tilespmem:$0x1E800] =	vst v63  }
0x2e: {  	s31 =	simm.s32 $0x1480  }
0x2f: {  	[spmem:s1] =	stream.indirect.scatter.add.f32 [tilespmem:s19], [sflag:$0x3], $0x80, s31, s16, $0xb8;
	[tilespmem:$0x1E800] =	vst v63  }
0x30: {  	_ =	swait.ge [sflag:s14], $0x4000  }
0x31: {  	s25 =	simm.s32 $0x400;
	[sflag:s14] =	ssyncset.done $0x0  }
.LBB2_2:
0x32: {  	p0 =	sne.s32 s25, $0x4800  }
0x33: {  	[sflag:s14] =	ssyncadd.s32 $0xFFFFC000;
	s26 =	smov.u32 s25;
	s25 =	sadd.s32 $0x400, s25  }
0x34: {  	_ = 	snop  }
0x35: {  	_ =	swait.ge [sflag:s18], $0x4000  }
0x36: {  	s26 =	sshra.s32 s26, $0x2;
	[sflag:s18] =	ssyncset.done $0x0  }
0x37: {  	s28 =	sadd.s32 $0x80, s26;
	[sflag:s18] =	ssyncadd.s32 $0xFFFFC000  }
0x38: {  	[tilespmem:s19], [sflag:$0x2] =	stream.indirect.gather [hbm4b:s4+s16], $0x80, s28, s16, $0xb8;
	[tilespmem:$0x1E800] =	vst v63  }
0x39: {  	s28 =	sadd.s32 $0x1400, s26  }
0x3a: {  	[spmem:s1] =	stream.indirect.scatter.add.f32 [tilespmem:s17], [sflag:$0x3], $0x80, s28, s16, $0xb8;
	[tilespmem:$0x1E800] =	vst v63  }
0x3b: {  	_ =	swait.ge [sflag:s14], $0x4000  }
0x3c: {  	[sflag:s14] =	ssyncset.done $0x0  }
0x3d: {  	[sflag:s14] =	ssyncadd.s32 $0xFFFFC000  }
0x3e: {  	_ =	swait.ge [sflag:s20], $0x4000  }
0x3f: {  	[sflag:s20] =	ssyncset.done $0x0  }
0x40: {  	s28 =	sadd.s32 $0x100, s26;
	[sflag:s20] =	ssyncadd.s32 $0xFFFFC000  }
0x41: {  	[tilespmem:s17], [sflag:$0x1] =	stream.indirect.gather [hbm4b:s4+s16], $0x80, s28, s16, $0xb8;
	[tilespmem:$0x1E800] =	vst v63  }
.Ltmp0:
0x42: {  	_ = 	snop;
	(pc) =	sbr.rel @p0 .LBB2_2-.Ltmp0, $4  }
0x43: {  	s26 =	sadd.s32 $0x1480, s26  }
0x44: {  	[spmem:s1] =	stream.indirect.scatter.add.f32 [tilespmem:s19], [sflag:$0x3], $0x80, s26, s16, $0xb8;
	[tilespmem:$0x1E800] =	vst v63  }
0x45: {  	_ =	swait.ge [sflag:s14], $0x4000  }
0x46: {  	[sflag:s14] =	ssyncset.done $0x0  }
0x47: {  	[sflag:s14] =	ssyncadd.s32 $0xFFFFC000  }
0x48: {  	_ =	swait.ge [sflag:s18], $0x4000  }
0x49: {  	[sflag:s18] =	ssyncset.done $0x0  }
0x4a: {  	[sflag:s18] =	ssyncadd.s32 $0xFFFFC000  }
0x4b: {  	[tilespmem:s19], [sflag:$0x2] =	stream.indirect.gather [hbm4b:s4+s16], $0x80, s21, s16, $0xb8;
	[tilespmem:$0x1E800] =	vst v63  }
0x4c: {  	_ = 	snop  }
0x4d: {  	[spmem:s1] =	stream.indirect.scatter.add.f32 [tilespmem:s17], [sflag:$0x3], $0x80, s22, s16, $0xb8;
	[tilespmem:$0x1E800] =	vst v63  }
0x4e: {  	_ =	swait.ge [sflag:s14], $0x4000  }
0x4f: {  	[sflag:s14] =	ssyncset.done $0x0  }
0x50: {  	[sflag:s14] =	ssyncadd.s32 $0xFFFFC000  }
0x51: {  	_ =	swait.ge [sflag:s20], $0x4000  }
0x52: {  	[sflag:s20] =	ssyncset.done $0x0  }
0x53: {  	[sflag:s20] =	ssyncadd.s32 $0xFFFFC000  }
0x54: {  	[tilespmem:s17], [sflag:$0x1] =	stream.indirect.gather [hbm4b:s4+s16], $0x80, s21, s16, $0xb8;
	[tilespmem:$0x1E800] =	vst v63  }
0x55: {  	_ = 	snop  }
0x56: {  	[spmem:s1] =	stream.indirect.scatter.add.f32 [tilespmem:s19], [sflag:$0x3], $0x80, s23, s16, $0xb8;
	[tilespmem:$0x1E800] =	vst v63  }
0x57: {  	_ =	swait.ge [sflag:s14], $0x4000  }
0x58: {  	[sflag:s14] =	ssyncset.done $0x0  }
0x59: {  	[sflag:s14] =	ssyncadd.s32 $0xFFFFC000  }
0x5a: {  	_ =	swait.ge [sflag:s18], $0x4000  }
0x5b: {  	[sflag:s18] =	ssyncset.done $0x0  }
0x5c: {  	s25 =	simm.s32 $0x0;
	[sflag:s18] =	ssyncadd.s32 $0xFFFFC000  }
0x5d: {  	[tilespmem:s25], [sflag:$0x3] =	stream.linear.gather [hbm4b:s9+s25], $0x1400, $0x38;
	[tilespmem:$0x1E800] =	vst v63  }
0x5e: {  	_ =	swait.ge [sflag:s14], $0x1400  }
0x5f: {  	[sflag:s14] =	ssyncset.done $0x0  }
0x60: {  	[sflag:s14] =	ssyncadd.s32 $0xFFFFEC00  }
0x61: {  	[tilespmem:s15], [sflag:$0x3] =	stream.linear.gather [hbm4b:s10+s25], $0x1400, $0x38;
	[tilespmem:$0x1E800] =	vst v63  }
0x62: {  	_ =	swait.ge [sflag:s14], $0x1400  }
0x63: {  	[sflag:s14] =	ssyncset.done $0x0  }
0x64: {  	[sflag:s14] =	ssyncadd.s32 $0xFFFFEC00  }
0x65: {  	[tilespmem:s17], [sflag:$0x1] =	stream.indirect.gather [hbm4b:s4+s16], $0x80, s25, s16, $0xb8;
	[tilespmem:$0x1E800] =	vst v63  }
0x66: {  	_ =	swait.ge [sflag:s18], $0x4000  }
0x67: {  	[sflag:s18] =	ssyncset.done $0x0  }
0x68: {  	s28 =	simm.s32 $0x80;
	[sflag:s18] =	ssyncadd.s32 $0xFFFFC000  }
0x69: {  	[tilespmem:s19], [sflag:$0x2] =	stream.indirect.gather [hbm4b:s4+s16], $0x80, s28, s16, $0xb8;
	[tilespmem:$0x1E800] =	vst v63  }
0x6a: {  	s29 =	simm.s32 $0x1400  }
0x6b: {  	[spmem:s1] =	stream.indirect.scatter.add.f32 [tilespmem:s17], [sflag:$0x3], $0x80, s29, s16, $0xb8;
	[tilespmem:$0x1E800] =	vst v63  }
0x6c: {  	_ =	swait.ge [sflag:s14], $0x4000  }
0x6d: {  	[sflag:s14] =	ssyncset.done $0x0  }
0x6e: {  	[sflag:s14] =	ssyncadd.s32 $0xFFFFC000  }
0x6f: {  	_ =	swait.ge [sflag:s20], $0x4000  }
0x70: {  	[sflag:s20] =	ssyncset.done $0x0  }
0x71: {  	s30 =	simm.s32 $0x100;
	[sflag:s20] =	ssyncadd.s32 $0xFFFFC000  }
0x72: {  	[tilespmem:s17], [sflag:$0x1] =	stream.indirect.gather [hbm4b:s4+s16], $0x80, s30, s16, $0xb8;
	[tilespmem:$0x1E800] =	vst v63  }
0x73: {  	s31 =	simm.s32 $0x1480  }
0x74: {  	[spmem:s1] =	stream.indirect.scatter.add.f32 [tilespmem:s19], [sflag:$0x3], $0x80, s31, s16, $0xb8;
	[tilespmem:$0x1E800] =	vst v63  }
0x75: {  	_ =	swait.ge [sflag:s14], $0x4000  }
0x76: {  	s25 =	simm.s32 $0x400;
	[sflag:s14] =	ssyncset.done $0x0  }
.LBB2_4:
0x77: {  	p0 =	sne.s32 s25, $0x4800  }
0x78: {  	[sflag:s14] =	ssyncadd.s32 $0xFFFFC000;
	s26 =	smov.u32 s25;
	s25 =	sadd.s32 $0x400, s25  }
0x79: {  	_ = 	snop  }
0x7a: {  	_ =	swait.ge [sflag:s18], $0x4000  }
0x7b: {  	s26 =	sshra.s32 s26, $0x2;
	[sflag:s18] =	ssyncset.done $0x0  }
0x7c: {  	s28 =	sadd.s32 $0x80, s26;
	[sflag:s18] =	ssyncadd.s32 $0xFFFFC000  }
0x7d: {  	[tilespmem:s19], [sflag:$0x2] =	stream.indirect.gather [hbm4b:s4+s16], $0x80, s28, s16, $0xb8;
	[tilespmem:$0x1E800] =	vst v63  }
0x7e: {  	s28 =	sadd.s32 $0x1400, s26  }
0x7f: {  	[spmem:s1] =	stream.indirect.scatter.add.f32 [tilespmem:s17], [sflag:$0x3], $0x80, s28, s16, $0xb8;
	[tilespmem:$0x1E800] =	vst v63  }
0x80: {  	_ =	swait.ge [sflag:s14], $0x4000  }
0x81: {  	[sflag:s14] =	ssyncset.done $0x0  }
0x82: {  	[sflag:s14] =	ssyncadd.s32 $0xFFFFC000  }
0x83: {  	_ =	swait.ge [sflag:s20], $0x4000  }
0x84: {  	[sflag:s20] =	ssyncset.done $0x0  }
0x85: {  	s28 =	sadd.s32 $0x100, s26;
	[sflag:s20] =	ssyncadd.s32 $0xFFFFC000  }
0x86: {  	[tilespmem:s17], [sflag:$0x1] =	stream.indirect.gather [hbm4b:s4+s16], $0x80, s28, s16, $0xb8;
	[tilespmem:$0x1E800] =	vst v63  }
.Ltmp1:
0x87: {  	_ = 	snop;
	(pc) =	sbr.rel @p0 .LBB2_4-.Ltmp1, $4  }
0x88: {  	s26 =	sadd.s32 $0x1480, s26  }
0x89: {  	[spmem:s1] =	stream.indirect.scatter.add.f32 [tilespmem:s19], [sflag:$0x3], $0x80, s26, s16, $0xb8;
	[tilespmem:$0x1E800] =	vst v63  }
0x8a: {  	_ =	swait.ge [sflag:s14], $0x4000  }
0x8b: {  	[sflag:s14] =	ssyncset.done $0x0  }
0x8c: {  	[sflag:s14] =	ssyncadd.s32 $0xFFFFC000  }
0x8d: {  	_ =	swait.ge [sflag:s18], $0x4000  }
0x8e: {  	[sflag:s18] =	ssyncset.done $0x0  }
0x8f: {  	[sflag:s18] =	ssyncadd.s32 $0xFFFFC000  }
0x90: {  	[tilespmem:s19], [sflag:$0x2] =	stream.indirect.gather [hbm4b:s4+s16], $0x80, s21, s16, $0xb8;
	[tilespmem:$0x1E800] =	vst v63  }
0x91: {  	_ = 	snop  }
0x92: {  	[spmem:s1] =	stream.indirect.scatter.add.f32 [tilespmem:s17], [sflag:$0x3], $0x80, s22, s16, $0xb8;
	[tilespmem:$0x1E800] =	vst v63  }
0x93: {  	_ =	swait.ge [sflag:s14], $0x4000  }
0x94: {  	[sflag:s14] =	ssyncset.done $0x0  }
0x95: {  	[sflag:s14] =	ssyncadd.s32 $0xFFFFC000  }
0x96: {  	_ =	swait.ge [sflag:s20], $0x4000  }
0x97: {  	[sflag:s20] =	ssyncset.done $0x0  }
0x98: {  	[sflag:s20] =	ssyncadd.s32 $0xFFFFC000  }
0x99: {  	[tilespmem:s17], [sflag:$0x1] =	stream.indirect.gather [hbm4b:s4+s16], $0x80, s21, s16, $0xb8;
	[tilespmem:$0x1E800] =	vst v63  }
0x9a: {  	_ = 	snop  }
0x9b: {  	[spmem:s1] =	stream.indirect.scatter.add.f32 [tilespmem:s19], [sflag:$0x3], $0x80, s23, s16, $0xb8;
	[tilespmem:$0x1E800] =	vst v63  }
0x9c: {  	_ =	swait.ge [sflag:s14], $0x4000  }
0x9d: {  	[sflag:s14] =	ssyncset.done $0x0  }
0x9e: {  	[sflag:s14] =	ssyncadd.s32 $0xFFFFC000  }
0x9f: {  	_ =	swait.ge [sflag:s18], $0x4000  }
0xa0: {  	s24 =	sadd.s32 $0x1, s24;
	[sflag:s18] =	ssyncset.done $0x0  }
0xa1: {  	p0 =	sne.s32 s24, s12;
	[sflag:s18] =	ssyncadd.s32 $0xFFFFC000  }
.Ltmp2:
0xa2: {  	[bflag:$0x0] =	sbarrier.arrive $0xFFFF;
	(pc) =	sbr.rel @p0 .LBB2_1-.Ltmp2, $4  }
0xa3: {  	[hbm:s11], [sflag:s6] =	dma.local [spmem:s13], $0x2800  }
0xa4: {  	_ =	swait.ge [sflag:s14], $0x2800  }
0xa5: {  	[sflag:s14] =	ssyncset.done $0x0  }
0xa6: {  	[sflag:s14] =	ssyncadd.s32 $0xFFFFD800  }
0xa7: {  	_ =	sfence.sel $0x180000  }
0xa8: {  	[bflag:$0x0] =	sbarrier.arrive $0xFFFF  }
0xa9: {  	p0 =	sne.s32 s2, $0x0;
	_ =	strace $0x9000004D  }
0xaa: {  	s0 =	sadd.s32 @!p0 $0x100000, s0;
	[bflag:$0x2] =	sbarrier.arrive $0xFFFF  }
0xab: {  	[sflag:s0] =	ssyncadd.tile.s32 @!p0 $0x1;
	_ =	shalt  }
.Lfunc_end2:
_tile_overlayer_lowered:
.L_overlay_start_2:
0xac: {  	(tag) =	ssettag $0x2  }
0xad: {  	s0 =	rddreg [dreg:$0x0];
	s2 =	stileid.u32  }
0xae: {  	s1 =	rddreg [dreg:$0x1];
	p0 =	sne.s32 s2, $0x0  }
0xaf: {  	s3 =	rddreg [dreg:$0x2];
	[bflag:$0x3] =	sbarrier.arrive $0xFFFF;
	s2 =	simm.s32 @!p0 $0x1C03  }
0xb0: {  	[timem:s3], [sflag:s2] =	dma.local @!p0 [hbm:s0], s1  }
0xb1: {  	s0 =	simm.s32 @!p0 $0x3  }
0xb2: {  	_ =	swait.ge @!p0 [sflag:s0], s1  }
0xb3: {  	s1 =	ssub.s32 @!p0 $0x0, s1;
	[sflag:s0] =	ssyncset.done @!p0 $0x0  }
0xb4: {  	[sflag:s0] =	ssyncadd.s32 @!p0 s1  }
0xb5: {  	[bflag:$0x3] =	sbarrier.arrive $0xFFFF  }
0xb6: {  	_ =	shalt  }

// kernel: kernel.19.cloned.1.call-start
scs
__scs_entry_jumppad:
0x0: {  	(pc) =	sbr.rel $0x88, $3  }
0x1: {  	(tag) =	ssettag $0x0;
	lr =	simm.s32 $0x1  }
0x2: {  	[smem:$0x3F95] =	sst lr;
	_ =	strace $0xD0000000  }
0x3: {  	_ = 	snop  }
0x4: {  	_ = 	snop  }
0x5: {  	_ = 	snop  }
0x6: {  	_ = 	snop  }
0x7: {  	_ = 	snop  }
__scs_overlays_trampoline_lowered:
0x8: {  	[smem:$0x3FA4] =	sst s0  }
0x9: {  	[smem:$0x3FA5] =	sst s1  }
0xa: {  	[smem:$0x3FA6] =	sst s2  }
0xb: {  	[smem:$0x3FA7] =	sst s3  }
0xc: {  	[smem:$0x3FA8] =	sst s4  }
0xd: {  	[smem:$0x3FA9] =	sst s5  }
0xe: {  	[smem:$0x3FAA] =	sst s6  }
0xf: {  	[smem:$0x3FAB] =	sst s7  }
0x10: {  	[smem:$0x3FAC] =	sst s8  }
0x11: {  	[smem:$0x3FAD] =	sst s9;
	s0 =	simm.s32 @!p0 $0x0  }
0x12: {  	s1 =	sld [smem:$0x3F93];
	s0 =	simm.s32 @p0 $0x1  }
0x13: {  	[smem:$0x3FAE] =	sst s0;
	s0 =	simm.s32 @!p1 $0x0  }
0x14: {  	s2 =	sld [smem:$0x3F92];
	s0 =	simm.s32 @p1 $0x1  }
0x15: {  	[smem:$0x3FAF] =	sst s0;
	s0 =	simm.s32 @!p2 $0x0  }
0x16: {  	s3 =	sld [smem:$0x3FDB];
	s0 =	simm.s32 @p2 $0x1  }
0x17: {  	s4 =	simm.s32 $0x1BF5;
	[smem:$0x3FB1] =	sst s0  }
0x18: {  	s0 =	sld [smem:$0x3F94];
	_ =	swait.ge [sflag:s4], $0x0  }
0x19: {  	s7 =	sld [smem:$0x3F95]  }
0x1a: {  	s8 =	sadd.s32 $0xFFFFE003, lr  }
0x1b: {  	s9 =	sadd.s32 $0xFFFFFEF7, lr;
	s5 =	simm.s32 $0xFFFFFFFF;
	p2 =	slt.u32 s8, $0xFFFFF086  }
0x1c: {  	p1 =	slt.u32 s9, $0xF7A;
	s5 =	simm.s32 @!p2 $0x0  }
0x1d: {  	s5 =	simm.s32 @p1 $0x1;
	p0 =	seq.s32 s7, s2  }
0x1e: {  	s7 =	smul.u32 @!p0 $0xF7A, s2;
	p2 =	seq.s32 @!p0 s5, $0x0  }
0x1f: {  	s9 =	smul.u32 $0xF7A, s1;
	s8 =	simm.s32 @!p0 $0x1BF5;
	p2 =	por !p2, p0  }
0x20: {  	[sflag:s8] =	ssyncset.s32 @!p0 $0xFFFFF086;
	s6 =	sadd.s32 @!p0 s3, s7;
	s7 =	simm.s32 @!p0 $0x108  }
0x21: {  	s3 =	sadd.s32 s3, s9;
	s6 =	sadd.s32 @!p0 $0x88, s6;
	s7 =	simm.s32 @p2 $0x1082  }
0x22: {  	[simem:s7], [sflag:s8] =	dma.local @!p0 [hbm:s6], $0xF7A  }
0x23: {  	s9 =	sor.u32 $0xD0000000, s2;
	s6 =	simm.s32 $0x108;
	_ =	swait.ge @!p0 [sflag:s8], $0x0  }
0x24: {  	s3 =	sadd.s32 $0x88, s3;
	s6 =	simm.s32 @!p1 $0x1082;
	[sflag:s4] =	ssyncset.s32 $0xFFFFF086  }
0x25: {  	[simem:s6], [sflag:s4] =	dma.local [hbm:s3], $0xF7A  }
0x26: {  	[smem:$0x3F95] =	sst s1;
	(tag) =	ssettag s2;
	_ =	strace s9  }
0x27: {  	s1 =	sld [smem:$0x3FA5]  }
0x28: {  	s2 =	sld [smem:$0x3FA6]  }
0x29: {  	s4 =	sld [smem:$0x3FA8]  }
0x2a: {  	p0 =	seq.s32 s5, $0x0;
	s5 =	sld [smem:$0x3FA9]  }
0x2b: {  	s6 =	sld [smem:$0x3FAA]  }
0x2c: {  	s7 =	sld [smem:$0x3FAB]  }
0x2d: {  	s3 =	simm.s32 $0x108;
	s8 =	sld [smem:$0x3FAC]  }
0x2e: {  	s3 =	simm.s32 @!p0 $0x1082;
	s9 =	sld [smem:$0x3FAD]  }
0x2f: {  	lr =	sadd.s32 s0, s3;
	s0 =	sld [smem:$0x3FA4]  }
0x30: {  	s3 =	sld [smem:$0x3FA7]  }
0x31: {  	[smem:$0x3FB0] =	sst s10  }
0x32: {  	s10 =	sld [smem:$0x3FAE];
	_ =	sdelay $0x3  }
0x33: {  	p0 =	seq.s32 s10, $0x1;
	s10 =	sld [smem:$0x3FB0];
	_ =	sdelay $0x3  }
0x34: {  	[smem:$0x3FB0] =	sst s10  }
0x35: {  	s10 =	sld [smem:$0x3FAF];
	_ =	sdelay $0x3  }
0x36: {  	p1 =	seq.s32 s10, $0x1;
	s10 =	sld [smem:$0x3FB0];
	_ =	sdelay $0x3  }
0x37: {  	[smem:$0x3FB0] =	sst s10  }
0x38: {  	s10 =	sld [smem:$0x3FB1]  }
0x39: {  	_ = 	snop;
	(pc) =	sbr.ind lr, $3  }
0x3a: {  	_ = 	snop  }
0x3b: {  	_ = 	snop  }
0x3c: {  	p2 =	seq.s32 s10, $0x1;
	s10 =	sld [smem:$0x3FB0]  }
0x3d: {  	_ =	shalt  }
0x3e: {  	_ =	shalt  }
0x3f: {  	_ =	shalt  }
0x40: {  	_ =	shalt  }
0x41: {  	_ =	shalt  }
0x42: {  	_ =	shalt  }
0x43: {  	_ =	shalt  }
0x44: {  	_ =	shalt  }
0x45: {  	_ =	shalt  }
0x46: {  	_ =	shalt  }
0x47: {  	_ =	shalt  }
0x48: {  	_ =	shalt  }
0x49: {  	_ =	shalt  }
0x4a: {  	_ =	shalt  }
0x4b: {  	_ =	shalt  }
0x4c: {  	_ =	shalt  }
0x4d: {  	_ =	shalt  }
0x4e: {  	_ =	shalt  }
0x4f: {  	_ =	shalt  }
0x50: {  	_ =	shalt  }
0x51: {  	_ =	shalt  }
0x52: {  	_ =	shalt  }
0x53: {  	_ =	shalt  }
0x54: {  	_ =	shalt  }
0x55: {  	_ =	shalt  }
0x56: {  	_ =	shalt  }
0x57: {  	_ =	shalt  }
0x58: {  	_ =	shalt  }
0x59: {  	_ =	shalt  }
0x5a: {  	_ =	shalt  }
0x5b: {  	_ =	shalt  }
0x5c: {  	_ =	shalt  }
0x5d: {  	_ =	shalt  }
0x5e: {  	_ =	shalt  }
0x5f: {  	_ =	shalt  }
0x60: {  	_ =	shalt  }
0x61: {  	_ =	shalt  }
0x62: {  	_ =	shalt  }
0x63: {  	_ =	shalt  }
0x64: {  	_ =	shalt  }
0x65: {  	_ =	shalt  }
0x66: {  	_ =	shalt  }
0x67: {  	_ =	shalt  }
0x68: {  	_ =	shalt  }
0x69: {  	_ =	shalt  }
0x6a: {  	_ =	shalt  }
0x6b: {  	_ =	shalt  }
0x6c: {  	_ =	shalt  }
0x6d: {  	_ =	shalt  }
0x6e: {  	_ =	shalt  }
0x6f: {  	_ =	shalt  }
0x70: {  	_ =	shalt  }
0x71: {  	_ =	shalt  }
0x72: {  	_ =	shalt  }
0x73: {  	_ =	shalt  }
0x74: {  	_ =	shalt  }
0x75: {  	_ =	shalt  }
0x76: {  	_ =	shalt  }
0x77: {  	_ =	shalt  }
0x78: {  	_ =	shalt  }
0x79: {  	_ =	shalt  }
0x7a: {  	_ =	shalt  }
0x7b: {  	_ =	shalt  }
0x7c: {  	_ =	shalt  }
0x7d: {  	_ =	shalt  }
0x7e: {  	_ =	shalt  }
0x7f: {  	_ =	shalt  }
0x80: {  	_ =	shalt  }
0x81: {  	_ =	shalt  }
0x82: {  	_ =	shalt  }
0x83: {  	_ =	shalt  }
0x84: {  	_ =	shalt  }
0x85: {  	_ =	shalt  }
0x86: {  	_ =	shalt  }
0x87: {  	_ =	shalt  }
.Lfunc_end0:
.L_simem_size_0:
called_computation.3_lowered:
.L_overlay_start_0:
0x88: {  	s2 =	sld [smem:$0x3FD9]  }
0x89: {  	s3 =	sld [smem:$0x3FFE];
	_ =	sdelay $0x1  }
0x8a: {  	s1 =	srdreg.scid  }
0x8b: {  	s0 =	sand.u32 $0x1, s1  }
0x8c: {  	s16 =	sshll.u32 s0, $0xA;
	s2 =	sadd.s32 s3, s2  }
0x8d: {  	s2 =	sadd.s32 s2, s16  }
0x8e: {  	[smem:$0x3FBC] =	sst s2  }
0x8f: {  	_ = 	snop  }
0x90: {  	(tm) =	ssettm $0x1  }
0x91: {  	s17 =	sld [smem:$0x3FFB];
	_ =	sdelay $0x3  }
0x92: {  	_ =	strace s17  }
0x93: {  	s2 =	sld [smem:$0x3FFC];
	_ =	sdelay $0x3  }
0x94: {  	_ =	strace s2  }
0x95: {  	s2 =	sld [smem:$0x3FFD];
	_ =	sdelay $0x3  }
0x96: {  	_ =	strace s2  }
0x97: {  	_ =	strace $0x8FFFFFFF  }
0x98: {  	s18 =	sld [smem:$0x3FDB];
	_ =	sdelay $0x1  }
0x99: {  	s19 =	simm.s32 $_scs_section_size  }
0x9a: {  	s4 =	simm.s32 $_size__tile_overlayer_lowered;
	s5 =	simm.s32 $_tile_overlayer_lowered  }
0x9b: {  	s22 =	simm.s32 $0x1BFF;
	s21 =	sshll.u32 s5, $0x1;
	s2 =	sadd.s32 s19, s18  }
0x9c: {  	s6 =	simm.s32 $0x0;
	s20 =	sshll.u32 s4, $0x1;
	s4 =	sadd.s32 s21, s2  }
0x9d: {  	[timem:s6], [sflag:s22] =	dma.local [hbm:s4], s20  }
0x9e: {  	_ =	swait.ge [sflag:s22], s20  }
0x9f: {  	s3 =	ssub.s32 $0x0, s20;
	[sflag:s22] =	ssyncset.done $0x0  }
0xa0: {  	[sflag:s22] =	ssyncadd.s32 s3;
	_ =	sdelay $0x1  }
0xa1: {  	s23 =	simm.s32 $0x1B8B  }
0xa2: {  	_ =	swait.ge [sflag:s23], $0x1  }
0xa3: {  	[sflag:s23] =	ssyncset.done $0x0  }
0xa4: {  	s25 =	simm.s32 $0x1B8E;
	s24 =	sld [smem:$0x3FFE];
	[sflag:s23] =	ssyncadd.s32 $0xFFFFFFFF  }
0xa5: {  	s26 =	simm.s32 $execute0_lowered;
	[smem:$0x3FD2] =	sst s25  }
0xa6: {  	s4 =	sshll.u32 s26, $0x1;
	_ =	strace $0x8000004F;
	[dreg:$0x1] =	wrdreg $0xFFFFFFFF  }
0xa7: {  	s28 =	simm.s32 $_size_execute0_lowered;
	s2 =	sadd.s32 s2, s4;
	[dreg:$0x0] =	wrdreg $0x0  }
0xa8: {  	s4 =	sshll.u32 s28, $0x1;
	[dreg:$0x2] =	wrdreg s2  }
0xa9: {  	[dreg:$0x3] =	wrdreg s4  }
0xaa: {  	[dreg:$0x4] =	wrdreg $0xC0  }
0xab: {  	_ =	task [dreg:s6], $0x5FFFF  }
0xac: {  	[dreg:$0x1] =	wrdreg $0xFFFFFFFF  }
0xad: {  	[dreg:$0x0] =	wrdreg $0x60  }
0xae: {  	[dreg:$0x2] =	wrdreg s24  }
0xaf: {  	[dreg:$0x3] =	wrdreg $0x90000  }
0xb0: {  	[dreg:$0x4] =	wrdreg $0x9  }
0xb1: {  	_ =	task.clear_ibuf [dreg:s6], $0x5FFFF;
	_ =	strace $0x9000004F  }
0xb2: {  	s29 =	simm.s32 $0x9;
	_ =	strace $0x80000051  }
0xb3: {  	_ =	swait.ge [sflag:s29], $0x1  }
0xb4: {  	[sflag:s29] =	ssyncadd.s32 $0xFFFFFFFF  }
0xb5: {  	_ =	strace $0x90000051  }
0xb6: {  	_ =	sfence  }
0xb7: {  	s30 =	sld [smem:$0x0];
	_ =	sdelay $0x2  }
0xb8: {  	s31 =	sshll.u32 s1, $0xD;
	s1 =	sshrl.u32 s1, $0x2  }
0xb9: {  	s3 =	sand.u32 $0x4000, s31;
	s1 =	sadd.s32 s1, s30  }
0xba: {  	s0 =	sor.u32 s3, s0;
	s1 =	sshll.u32 s1, $0x11  }
0xbb: {  	s0 =	sor.u32 s1, s0  }
0xbc: {  	s0 =	sadd.s32 $0x8F2B, s0  }
0xbd: {  	[sflag:s0] =	ssyncadd.remote.s32 $0x1  }
0xbe: {  	_ =	sfence.sel $0xFFFF  }
0xbf: {  	[dreg:$0x0] =	wrdreg $0xFFFFFFFF;
	(pc) =	sbr.abs _section_cstart, $3  }
0xc0: {  	[dreg:$0x1] =	wrdreg $0xFFFFFFFF  }
0xc1: {  	_ =	task.clear_ibuf [dreg:s6], $0x2FFFF;
	_ =	strace $0x9FFFFFFF  }
0xc2: {  	(tm) =	ssettm $0x7FFFFFFF  }
0xc3: {  	_ =	shalt  }
tec
execute0_lowered:
.L_overlay_start_1:
0x0: {  	(tag) =	ssettag $0x1  }
0x1: {  	s6 =	rddreg [dreg:$0x0]  }
0x2: {  	s0 =	srdreg.scid;
	s2 =	rddreg [dreg:$0x1]  }
0x3: {  	s3 =	simm.s32 $0x0;
	s14 =	simm.s32 $0x80;
	s15 =	simm.s32 $0x5000  }
0x4: {  	s16 =	simm.s32 $0x1;
	s17 =	simm.s32 $0x7000;
	s18 =	simm.s32 $0x2  }
0x5: {  	s19 =	simm.s32 $0x2780;
	s20 =	simm.s32 $0x4F00;
	s21 =	simm.s32 $0x4F80  }
0x6: {  	s22 =	simm.s32 $0x0;
	s5 =	sand.u32 $0x1, s0;
	s0 =	stileid.u32  }
0x7: {  	[smem:$0x7FF] =	sst s3;
	s4 =	sadd.s32 $0x17400, s6;
	s8 =	smul.u32 $0xA000, s0  }
0x8: {  	s1 =	sshll.u32 s5, $0x4;
	s9 =	smul.u32 $0xA0000, s5;
	s30 =	ssub.s32 $0x2, s5  }
0x9: {  	s5 =	sadd.s32 $0x2B400, s6;
	s31 =	sshll.u32 s0, $0x6;
	s1 =	sor.u32 s0, s1  }
0xa: {  	s11 =	sshrl.u32 s30, $0x1;
	s7 =	smul.u32 $0x500, s1;
	s1 =	rddreg [dreg:$0x2]  }
0xb: {  	_ =	strace $0x80000050;
	s29 =	sadd.s32 s8, s9;
	s11 =	ssub.s32 s30, s11  }
0xc: {  	s13 =	sadd.s32 s8, s2;
	s10 =	sadd.s32 s7, s6;
	s7 =	sshrl.u32 s29, $0x3  }
0xd: {  	s12 =	sadd.s32 s7, s6;
	s6 =	sor.u32 $0x1C03, s31;
	s7 =	sadd.s32 $0xD400, s10  }
0xe: {  	s8 =	sadd.s32 $0x3400, s10;
	s10 =	smax.u32 s11, $0x1;
	s11 =	sshrl.u32 s13, $0x3  }
0xf: {  	s13 =	simm.s32 $0x2800;
	s9 =	sadd.s32 $0x2C800, s12;
	s12 =	simm.s32 $0x3  }
.LBB2_1:
0x10: {  	[spmem:s11], [sflag:s6] =	dma.local [hbm:s5], $0x1400  }
0x11: {  	_ =	swait.ge [sflag:s12], $0x1400  }
0x12: {  	[sflag:s12] =	ssyncset.done $0x0  }
0x13: {  	[sflag:s12] =	ssyncadd.s32 $0xFFFFEC00  }
0x14: {  	[tilespmem:s3], [sflag:$0x3] =	stream.linear.gather [hbm4b:s7+s3], $0x2800, $0x38;
	[tilespmem:$0x13000] =	vst v63  }
0x15: {  	_ =	swait.ge [sflag:s12], $0x2800  }
0x16: {  	[sflag:s12] =	ssyncset.done $0x0  }
0x17: {  	[sflag:s12] =	ssyncadd.s32 $0xFFFFD800  }
0x18: {  	[tilespmem:s13], [sflag:$0x3] =	stream.linear.gather [hbm4b:s8+s3], $0x2800, $0x38;
	[tilespmem:$0x13000] =	vst v63  }
0x19: {  	_ =	swait.ge [sflag:s12], $0x2800  }
0x1a: {  	[sflag:s12] =	ssyncset.done $0x0  }
0x1b: {  	[sflag:s12] =	ssyncadd.s32 $0xFFFFD800  }
0x1c: {  	[bflag:$0x0] =	sbarrier.arrive $0xFFFF  }
0x1d: {  	[tilespmem:s15], [sflag:$0x1] =	stream.indirect.gather [hbm4b:s4+s14], $0x40, s3, s14, $0xb8;
	[tilespmem:$0x13000] =	vst v63  }
0x1e: {  	_ =	swait.ge [sflag:s16], $0x2000  }
0x1f: {  	[sflag:s16] =	ssyncset.done $0x0  }
0x20: {  	s23 =	simm.s32 $0x80;
	[sflag:s16] =	ssyncadd.s32 $0xFFFFE000  }
0x21: {  	[tilespmem:s17], [sflag:$0x2] =	stream.indirect.gather [hbm4b:s4+s14], $0x40, s23, s14, $0xb8;
	[tilespmem:$0x13000] =	vst v63  }
0x22: {  	s29 =	simm.s32 $0x2800  }
0x23: {  	[spmem:s2] =	stream.indirect.scatter.add.f32 [tilespmem:s15], [sflag:$0x3], $0x40, s29, s14, $0xb8;
	[tilespmem:$0x13000] =	vst v63  }
0x24: {  	_ =	swait.ge [sflag:s12], $0x2000  }
0x25: {  	[sflag:s12] =	ssyncset.done $0x0  }
0x26: {  	[sflag:s12] =	ssyncadd.s32 $0xFFFFE000  }
0x27: {  	_ =	swait.ge [sflag:s18], $0x2000  }
0x28: {  	[sflag:s18] =	ssyncset.done $0x0  }
0x29: {  	s30 =	simm.s32 $0x100;
	[sflag:s18] =	ssyncadd.s32 $0xFFFFE000  }
0x2a: {  	[tilespmem:s15], [sflag:$0x1] =	stream.indirect.gather [hbm4b:s4+s14], $0x40, s30, s14, $0xb8;
	[tilespmem:$0x13000] =	vst v63  }
0x2b: {  	s31 =	simm.s32 $0x2880  }
0x2c: {  	[spmem:s2] =	stream.indirect.scatter.add.f32 [tilespmem:s17], [sflag:$0x3], $0x40, s31, s14, $0xb8;
	[tilespmem:$0x13000] =	vst v63  }
0x2d: {  	_ =	swait.ge [sflag:s12], $0x2000  }
0x2e: {  	s23 =	simm.s32 $0x400;
	[sflag:s12] =	ssyncset.done $0x0  }
.LBB2_2:
0x2f: {  	p0 =	sne.s32 s23, $0x9800  }
0x30: {  	[sflag:s12] =	ssyncadd.s32 $0xFFFFE000;
	s24 =	smov.u32 s23;
	s23 =	sadd.s32 $0x400, s23  }
0x31: {  	_ = 	snop  }
0x32: {  	_ =	swait.ge [sflag:s16], $0x2000  }
0x33: {  	s24 =	sshra.s32 s24, $0x2;
	[sflag:s16] =	ssyncset.done $0x0  }
0x34: {  	s25 =	sadd.s32 $0x80, s24;
	[sflag:s16] =	ssyncadd.s32 $0xFFFFE000  }
0x35: {  	[tilespmem:s17], [sflag:$0x2] =	stream.indirect.gather [hbm4b:s4+s14], $0x40, s25, s14, $0xb8;
	[tilespmem:$0x13000] =	vst v63  }
0x36: {  	s25 =	sadd.s32 $0x2800, s24  }
0x37: {  	[spmem:s2] =	stream.indirect.scatter.add.f32 [tilespmem:s15], [sflag:$0x3], $0x40, s25, s14, $0xb8;
	[tilespmem:$0x13000] =	vst v63  }
0x38: {  	_ =	swait.ge [sflag:s12], $0x2000  }
0x39: {  	[sflag:s12] =	ssyncset.done $0x0  }
0x3a: {  	[sflag:s12] =	ssyncadd.s32 $0xFFFFE000  }
0x3b: {  	_ =	swait.ge [sflag:s18], $0x2000  }
0x3c: {  	[sflag:s18] =	ssyncset.done $0x0  }
0x3d: {  	s25 =	sadd.s32 $0x100, s24;
	[sflag:s18] =	ssyncadd.s32 $0xFFFFE000  }
0x3e: {  	[tilespmem:s15], [sflag:$0x1] =	stream.indirect.gather [hbm4b:s4+s14], $0x40, s25, s14, $0xb8;
	[tilespmem:$0x13000] =	vst v63  }
.Ltmp0:
0x3f: {  	_ = 	snop;
	(pc) =	sbr.rel @p0 .LBB2_2-.Ltmp0, $4  }
0x40: {  	s24 =	sadd.s32 $0x2880, s24  }
0x41: {  	[spmem:s2] =	stream.indirect.scatter.add.f32 [tilespmem:s17], [sflag:$0x3], $0x40, s24, s14, $0xb8;
	[tilespmem:$0x13000] =	vst v63  }
0x42: {  	_ =	swait.ge [sflag:s12], $0x2000  }
0x43: {  	[sflag:s12] =	ssyncset.done $0x0  }
0x44: {  	[sflag:s12] =	ssyncadd.s32 $0xFFFFE000  }
0x45: {  	_ =	swait.ge [sflag:s16], $0x2000  }
0x46: {  	[sflag:s16] =	ssyncset.done $0x0  }
0x47: {  	[sflag:s16] =	ssyncadd.s32 $0xFFFFE000  }
0x48: {  	[tilespmem:s17], [sflag:$0x2] =	stream.indirect.gather [hbm4b:s4+s14], $0x40, s19, s14, $0xb8;
	[tilespmem:$0x13000] =	vst v63  }
0x49: {  	_ = 	snop  }
0x4a: {  	[spmem:s2] =	stream.indirect.scatter.add.f32 [tilespmem:s15], [sflag:$0x3], $0x40, s20, s14, $0xb8;
	[tilespmem:$0x13000] =	vst v63  }
0x4b: {  	_ =	swait.ge [sflag:s12], $0x2000  }
0x4c: {  	[sflag:s12] =	ssyncset.done $0x0  }
0x4d: {  	[sflag:s12] =	ssyncadd.s32 $0xFFFFE000  }
0x4e: {  	_ =	swait.ge [sflag:s18], $0x2000  }
0x4f: {  	[sflag:s18] =	ssyncset.done $0x0  }
0x50: {  	[sflag:s18] =	ssyncadd.s32 $0xFFFFE000  }
0x51: {  	[tilespmem:s15], [sflag:$0x1] =	stream.indirect.gather [hbm4b:s4+s14], $0x40, s19, s14, $0xb8;
	[tilespmem:$0x13000] =	vst v63  }
0x52: {  	_ = 	snop  }
0x53: {  	[spmem:s2] =	stream.indirect.scatter.add.f32 [tilespmem:s17], [sflag:$0x3], $0x40, s21, s14, $0xb8;
	[tilespmem:$0x13000] =	vst v63  }
0x54: {  	_ =	swait.ge [sflag:s12], $0x2000  }
0x55: {  	[sflag:s12] =	ssyncset.done $0x0  }
0x56: {  	[sflag:s12] =	ssyncadd.s32 $0xFFFFE000  }
0x57: {  	_ =	swait.ge [sflag:s16], $0x2000  }
0x58: {  	s22 =	sadd.s32 $0x1, s22;
	[sflag:s16] =	ssyncset.done $0x0  }
0x59: {  	p0 =	sne.s32 s22, s10;
	[sflag:s16] =	ssyncadd.s32 $0xFFFFE000  }
.Ltmp1:
0x5a: {  	[bflag:$0x0] =	sbarrier.arrive $0xFFFF;
	(pc) =	sbr.rel @p0 .LBB2_1-.Ltmp1, $4  }
0x5b: {  	[hbm:s9], [sflag:s6] =	dma.local [spmem:s11], $0x1400  }
0x5c: {  	_ =	swait.ge [sflag:s12], $0x1400  }
0x5d: {  	[sflag:s12] =	ssyncset.done $0x0  }
0x5e: {  	[sflag:s12] =	ssyncadd.s32 $0xFFFFEC00  }
0x5f: {  	_ =	sfence.sel $0x180000  }
0x60: {  	[bflag:$0x0] =	sbarrier.arrive $0xFFFF  }
0x61: {  	p0 =	sne.s32 s0, $0x0;
	_ =	strace $0x90000050  }
0x62: {  	s0 =	sadd.s32 @!p0 $0x100000, s1;
	[bflag:$0x2] =	sbarrier.arrive $0xFFFF  }
0x63: {  	[sflag:s0] =	ssyncadd.tile.s32 @!p0 $0x1;
	_ =	shalt  }
.Lfunc_end2:
_tile_overlayer_lowered:
.L_overlay_start_2:
0x64: {  	(tag) =	ssettag $0x2  }
0x65: {  	s0 =	rddreg [dreg:$0x0];
	s2 =	stileid.u32  }
0x66: {  	s1 =	rddreg [dreg:$0x1];
	p0 =	sne.s32 s2, $0x0  }
0x67: {  	s3 =	rddreg [dreg:$0x2];
	[bflag:$0x3] =	sbarrier.arrive $0xFFFF;
	s2 =	simm.s32 @!p0 $0x1C03  }
0x68: {  	[timem:s3], [sflag:s2] =	dma.local @!p0 [hbm:s0], s1  }
0x69: {  	s0 =	simm.s32 @!p0 $0x3  }
0x6a: {  	_ =	swait.ge @!p0 [sflag:s0], s1  }
0x6b: {  	s1 =	ssub.s32 @!p0 $0x0, s1;
	[sflag:s0] =	ssyncset.done @!p0 $0x0  }
0x6c: {  	[sflag:s0] =	ssyncadd.s32 @!p0 s1  }
0x6d: {  	[bflag:$0x3] =	sbarrier.arrive $0xFFFF  }
0x6e: {  	_ =	shalt  }

</sc_bundles>
